<compile_context>
chip_gen: v7x
topology: tpu7x:2x2x1
jax: 0.10.2.dev20260603
libtpu: 0.0.44.dev20260713+nightly
codegen_flags: <defaults>
</compile_context>

<pallas_src>
import functools

import jax
import jax.numpy as jnp
from jax import lax
from jax.experimental import pallas as pl
from jax.experimental.pallas import tpu as pltpu
from jax.experimental.pallas import tpu_sc as plsc

_INFO = plsc.get_sparse_core_info()
_NC = _INFO.num_cores
_NS = _INFO.num_subcores
_NW = _NC * _NS


@functools.lru_cache(maxsize=None)
def _make_kernel(jh: int, ih: int):
    assert ih % _NW == 0, ih
    ih_per_worker = ih // _NW
    rows = 8 * jh
    assert rows % 2 == 0
    half = rows // 2
    mesh = plsc.VectorSubcoreMesh(core_axis_name="c", subcore_axis_name="s")

    @functools.partial(
        pl.kernel,
        mesh=mesh,
        compiler_params=pltpu.CompilerParams(
            needs_layout_passes=False,
            use_tc_tiling_on_sc=False,
        ),
        out_type=jax.ShapeDtypeStruct((8 * jh, ih, 2, 128), jnp.float32),
        scratch_types=[
            pltpu.VMEM((16,), jnp.float32),
            pltpu.VMEM((16,), jnp.float32),
            pltpu.VMEM((16,), jnp.float32),
            pltpu.VMEM((jh, 8, 128), jnp.int32),
            pltpu.VMEM((jh, 8, 128), jnp.int32),
            pltpu.VMEM((half, 2, 128), jnp.float32),
            pltpu.VMEM((half, 2, 128), jnp.float32),
            pltpu.SemaphoreType.DMA,
            pltpu.SemaphoreType.DMA,
            pltpu.SemaphoreType.DMA,
            pltpu.SemaphoreType.DMA,
        ],
    )
    def sc_kernel(x_hbm, params_hbm, out_hbm, params_v, tab0_v, tab1_v,
                  x_v0, x_v1, out_v0, out_v1, isem0, isem1, osem0, osem1):
        wid = lax.axis_index("s") * _NC + lax.axis_index("c")
        lane = lax.iota(jnp.int32, 16)

        pltpu.sync_copy(params_hbm, params_v)
        v4 = lane & 3
        e0 = plsc.load_gather(params_v, [v4 * 2])
        e1 = plsc.load_gather(params_v, [v4 * 2 + 1])

        def splat(i):
            return plsc.load_gather(params_v, [jnp.full((16,), i, jnp.int32)])

        tab0_v[...] = e0 * splat(8) + e1 * splat(9) + splat(12)
        tab1_v[...] = e0 * splat(10) + e1 * splat(11) + splat(13)

        x_bufs = (x_v0, x_v1)
        out_bufs = (out_v0, out_v1)
        isems = (isem0, isem1)
        osems = (osem0, osem1)

        def in_copy(u, b):
            return pltpu.make_async_copy(
                x_hbm.at[pl.ds(0, jh), wid + u * _NW], x_bufs[b], isems[b]
            )

        def out_copy(u, h):
            return pltpu.make_async_copy(
                out_bufs[h],
                out_hbm.at[pl.ds(half * h, half), wid + u * _NW],
                osems[h],
            )

        in_copy(0, 0).start()
        in_copy(1, 1).start()

        def outer(up, carry):
            for b in range(2):
                u = 2 * up + b
                in_copy(u, b).wait()
                x_v = x_bufs[b]
                for h in range(2):
                    if b == 1:
                        out_copy(u - 1, h).wait()
                    else:
                        @pl.when(up > 0)
                        def _():
                            out_copy(u - 1, h).wait()
                    out_v = out_bufs[h]
                    r0 = half * h

                    @plsc.parallel_loop(0, half, unroll=2)
                    def body(rl):
                        r = rl + r0
                        jhl = r >> 3
                        jlo = r & 7
                        for l in range(8):
                            idx = x_v[jhl, jlo, pl.ds(l * 16, 16)]
                            v0 = plsc.load_gather(tab0_v, [idx])
                            v1 = plsc.load_gather(tab1_v, [idx])
                            out_v[rl, 0, pl.ds(l * 16, 16)] = v0
                            out_v[rl, 1, pl.ds(l * 16, 16)] = v1

                    out_copy(u, h).start()

                @pl.when(up + 1 < ih_per_worker // 2)
                def _():
                    in_copy(u + 2, b).start()
            return carry

        lax.fori_loop(0, ih_per_worker // 2, outer, 0)
        for h in range(2):
            out_copy(ih_per_worker - 1, h).wait()

    return sc_kernel


def kernel(x, emb, W, b):
    nrows, ncols = x.shape
    jh, ih = ncols // 8, nrows // 128
    params = jnp.concatenate([
        emb.reshape(-1).astype(jnp.float32),
        W.reshape(-1).astype(jnp.float32),
        b.astype(jnp.float32),
        jnp.zeros((2,), jnp.float32),
    ])
    x4 = x.astype(jnp.int32).T.reshape(jh, 8, ih, 128).transpose(0, 2, 1, 3)
    out4 = _make_kernel(jh, ih)(x4, params)
    return out4.transpose(1, 3, 0, 2).reshape(nrows, ncols, 2)

# --- scband reference (transcript-rebuilt; emitter-appended) ---
"""Pipeline reference for scband-net-6674379178293 (READ-ONLY COPY).

The authoritative reference and input builder live on the scoring server;
editing this copy changes nothing except your own understanding.
"""

import jax, jax.numpy as jnp
import numpy as np


def setup_inputs(seed: int = 0) -> dict:
    key = jax.random.key(seed)
    k1, k2, k3, k4 = jax.random.split(key, 4)
    x = jax.random.randint(k1, (16384, 200), 0, 4, dtype=jnp.int64 if jax.config.jax_enable_x64 else jnp.int32)
    emb = jax.random.normal(k2, (4, 2), dtype=jnp.float32)
    emb = emb.at[0].set(0.0)  # padding_idx=0 row initialized to zeros
    W = jax.random.normal(k3, (2, 2), dtype=jnp.float32) * (1.0 / np.sqrt(2.0))
    b = jax.random.normal(k4, (2,), dtype=jnp.float32) * (1.0 / np.sqrt(2.0))
    return {"x": x, "emb": emb, "W": W, "b": b}


def reference(x, emb, W, b):
    # nn.Embedding lookup (gather) followed by nn.Linear
    h = jnp.take(emb, x, axis=0)          # [B, L, 2]
    out = h @ W.T + b                     # [B, L, 2]
    return out

if __name__ == "__main__":
    import jax
    _d = setup_inputs()
    print(jax.jit(kernel)(*tuple(_d.values())))

</pallas_src>

<mosaic_0001>
#map = affine_map<(d0, d1) -> (0, 0, 0, 0)>
#map1 = affine_map<(d0, d1) -> (0)>
module attributes {stable_mosaic.version = 14 : i64} {
  func.func @sc_kernel(%arg0: i32, %arg1: i32, %arg2: memref<25x128x8x128xi32, #tpu.memory_space<hbm>>, %arg3: memref<16xf32, #tpu.memory_space<hbm>>, %arg4: memref<200x128x2x128xf32, #tpu.memory_space<hbm>>, %arg5: memref<16xf32, #tpu.memory_space<vmem>>, %arg6: memref<16xf32, #tpu.memory_space<vmem>>, %arg7: memref<16xf32, #tpu.memory_space<vmem>>, %arg8: memref<25x8x128xi32, #tpu.memory_space<vmem>>, %arg9: memref<25x8x128xi32, #tpu.memory_space<vmem>>, %arg10: memref<100x2x128xf32, #tpu.memory_space<vmem>>, %arg11: memref<100x2x128xf32, #tpu.memory_space<vmem>>, %arg12: memref<!tpu.dma_semaphore, #tpu.memory_space<semaphore_mem>>, %arg13: memref<!tpu.dma_semaphore, #tpu.memory_space<semaphore_mem>>, %arg14: memref<!tpu.dma_semaphore, #tpu.memory_space<semaphore_mem>>, %arg15: memref<!tpu.dma_semaphore, #tpu.memory_space<semaphore_mem>>) attributes {dimension_semantics = [#tpu.dimension_semantics<core_parallel>, #tpu.dimension_semantics<subcore_parallel>], iteration_bounds = array<i64: 2, 16>, scalar_prefetch = 0 : i64, scratch_operands = 11 : i64, tpu.core_type = #tpu.core_type<sc_vector_subcore>, window_params = [{transform_indices = #map}, {transform_indices = #map1}, {transform_indices = #map}]} {
    %mul3A = arith.constant 2 : i32
    %mul3A_0 = arith.muli %arg1, %mul3A : i32
    %add3A = arith.addi %mul3A_0, %arg0 : i32
    %iota3A = tpu.iota {dimensions = array<i32: 0>} : vector<16xi32>
    "tpu.region"() ({
      %run_scoped3A = tpu.sem_alloc : memref<!tpu.dma_semaphore, #tpu.memory_space<semaphore_mem>>
      tpu.enqueue_dma source(%arg3 : memref<16xf32, #tpu.memory_space<hbm>>) target(%arg5 : memref<16xf32, #tpu.memory_space<vmem>>) target_semaphore(%run_scoped3A : memref<!tpu.dma_semaphore, #tpu.memory_space<semaphore_mem>>)
      tpu.wait_dma2 semaphore(%run_scoped3A : memref<!tpu.dma_semaphore, #tpu.memory_space<semaphore_mem>>) src(%arg3 : memref<16xf32, #tpu.memory_space<hbm>>) dst(%arg5 : memref<16xf32, #tpu.memory_space<vmem>>)
      tpu.yield
    }) : () -> ()
    %and3A = arith.constant 3 : i32
    %and3A_1 = vector.broadcast %and3A : i32 to vector<16xi32>
    %and3A_2 = arith.andi %iota3A, %and3A_1 : vector<16xi32>
    %mul3A_3 = arith.constant 2 : i32
    %mul3A_4 = vector.broadcast %mul3A_3 : i32 to vector<16xi32>
    %mul3A_5 = arith.muli %and3A_2, %mul3A_4 : vector<16xi32>
    %gather3A = tpu.vector_load_idx %arg5[%mul3A_5] : memref<16xf32, #tpu.memory_space<vmem>>[vector<16xi32>], vector<16xf32>,
    %mul3A_6 = arith.constant 2 : i32
    %mul3A_7 = vector.broadcast %mul3A_6 : i32 to vector<16xi32>
    %mul3A_8 = arith.muli %and3A_2, %mul3A_7 : vector<16xi32>
    %add3A_9 = arith.constant 1 : i32
    %add3A_10 = vector.broadcast %add3A_9 : i32 to vector<16xi32>
    %add3A_11 = arith.addi %mul3A_8, %add3A_10 : vector<16xi32>
    %gather3A_12 = tpu.vector_load_idx %arg5[%add3A_11] : memref<16xf32, #tpu.memory_space<vmem>>[vector<16xi32>], vector<16xf32>,
    %broadcast_in_dim3A = arith.constant 8 : i32
    %broadcast_in_dim3A_13 = vector.broadcast %broadcast_in_dim3A : i32 to vector<16xi32>
    %gather3A_14 = tpu.vector_load_idx %arg5[%broadcast_in_dim3A_13] : memref<16xf32, #tpu.memory_space<vmem>>[vector<16xi32>], vector<16xf32>,
    %mul3A_15 = arith.mulf %gather3A, %gather3A_14 : vector<16xf32>
    %broadcast_in_dim3A_16 = arith.constant 9 : i32
    %broadcast_in_dim3A_17 = vector.broadcast %broadcast_in_dim3A_16 : i32 to vector<16xi32>
    %gather3A_18 = tpu.vector_load_idx %arg5[%broadcast_in_dim3A_17] : memref<16xf32, #tpu.memory_space<vmem>>[vector<16xi32>], vector<16xf32>,
    %mul3A_19 = arith.mulf %gather3A_12, %gather3A_18 : vector<16xf32>
    %add3A_20 = arith.addf %mul3A_15, %mul3A_19 : vector<16xf32>
    %broadcast_in_dim3A_21 = arith.constant 12 : i32
    %broadcast_in_dim3A_22 = vector.broadcast %broadcast_in_dim3A_21 : i32 to vector<16xi32>
    %gather3A_23 = tpu.vector_load_idx %arg5[%broadcast_in_dim3A_22] : memref<16xf32, #tpu.memory_space<vmem>>[vector<16xi32>], vector<16xf32>,
    %add3A_24 = arith.addf %add3A_20, %gather3A_23 : vector<16xf32>
    %swap3A = arith.constant 0 : index
    %swap3A_25 = tpu.vector_load %arg6[%swap3A] {strides = array<i32>} : memref<16xf32, #tpu.memory_space<vmem>>, vector<16xf32>,
    tpu.vector_store %arg6[%swap3A], %add3A_24 {strides = array<i32>} : memref<16xf32, #tpu.memory_space<vmem>>, vector<16xf32>,
    %broadcast_in_dim3A_26 = arith.constant 10 : i32
    %broadcast_in_dim3A_27 = vector.broadcast %broadcast_in_dim3A_26 : i32 to vector<16xi32>
    %gather3A_28 = tpu.vector_load_idx %arg5[%broadcast_in_dim3A_27] : memref<16xf32, #tpu.memory_space<vmem>>[vector<16xi32>], vector<16xf32>,
    %mul3A_29 = arith.mulf %gather3A, %gather3A_28 : vector<16xf32>
    %broadcast_in_dim3A_30 = arith.constant 11 : i32
    %broadcast_in_dim3A_31 = vector.broadcast %broadcast_in_dim3A_30 : i32 to vector<16xi32>
    %gather3A_32 = tpu.vector_load_idx %arg5[%broadcast_in_dim3A_31] : memref<16xf32, #tpu.memory_space<vmem>>[vector<16xi32>], vector<16xf32>,
    %mul3A_33 = arith.mulf %gather3A_12, %gather3A_32 : vector<16xf32>
    %add3A_34 = arith.addf %mul3A_29, %mul3A_33 : vector<16xf32>
    %broadcast_in_dim3A_35 = arith.constant 13 : i32
    %broadcast_in_dim3A_36 = vector.broadcast %broadcast_in_dim3A_35 : i32 to vector<16xi32>
    %gather3A_37 = tpu.vector_load_idx %arg5[%broadcast_in_dim3A_36] : memref<16xf32, #tpu.memory_space<vmem>>[vector<16xi32>], vector<16xf32>,
    %add3A_38 = arith.addf %add3A_34, %gather3A_37 : vector<16xf32>
    %swap3A_39 = arith.constant 0 : index
    %swap3A_40 = tpu.vector_load %arg7[%swap3A_39] {strides = array<i32>} : memref<16xf32, #tpu.memory_space<vmem>>, vector<16xf32>,
    tpu.vector_store %arg7[%swap3A_39], %add3A_38 {strides = array<i32>} : memref<16xf32, #tpu.memory_space<vmem>>, vector<16xf32>,
    %add3A_41 = arith.constant 0 : i32
    %add3A_42 = arith.addi %add3A, %add3A_41 : i32
    %dma_start3A = arith.constant 0 : i32
    %dma_start3A_43 = arith.constant 0 : i32
    %dma_start3A_44 = arith.constant 0 : i32
    %dma_start3A_45 = tpu.memref_slice %arg2[%dma_start3A, %add3A_42, %dma_start3A_43, %dma_start3A_44] : memref<25x128x8x128xi32, #tpu.memory_space<hbm>> -> memref<25x1x8x128xi32, #tpu.memory_space<hbm>>
    %dma_start3A_46 = tpu.memref_squeeze %dma_start3A_45 : memref<25x1x8x128xi32, #tpu.memory_space<hbm>> -> memref<25x8x128xi32, #tpu.memory_space<hbm>>
    %dma_start3A_47 = arith.constant 0 : i32
    %dma_start3A_48 = arith.constant 0 : i32
    %dma_start3A_49 = arith.constant 0 : i32
    %dma_start3A_50 = tpu.memref_slice %arg2[%dma_start3A_47, %add3A_42, %dma_start3A_48, %dma_start3A_49] : memref<25x128x8x128xi32, #tpu.memory_space<hbm>> -> memref<25x1x8x128xi32, #tpu.memory_space<hbm>>
    %dma_start3A_51 = tpu.memref_squeeze %dma_start3A_50 : memref<25x1x8x128xi32, #tpu.memory_space<hbm>> -> memref<25x8x128xi32, #tpu.memory_space<hbm>>
    tpu.enqueue_dma source(%dma_start3A_51 : memref<25x8x128xi32, #tpu.memory_space<hbm>>) target(%arg8 : memref<25x8x128xi32, #tpu.memory_space<vmem>>) target_semaphore(%arg12 : memref<!tpu.dma_semaphore, #tpu.memory_space<semaphore_mem>>)
    %add3A_52 = arith.constant 32 : i32
    %add3A_53 = arith.addi %add3A, %add3A_52 : i32
    %dma_start3A_54 = arith.constant 0 : i32
    %dma_start3A_55 = arith.constant 0 : i32
    %dma_start3A_56 = arith.constant 0 : i32
    %dma_start3A_57 = tpu.memref_slice %arg2[%dma_start3A_54, %add3A_53, %dma_start3A_55, %dma_start3A_56] : memref<25x128x8x128xi32, #tpu.memory_space<hbm>> -> memref<25x1x8x128xi32, #tpu.memory_space<hbm>>
    %dma_start3A_58 = tpu.memref_squeeze %dma_start3A_57 : memref<25x1x8x128xi32, #tpu.memory_space<hbm>> -> memref<25x8x128xi32, #tpu.memory_space<hbm>>
    %dma_start3A_59 = arith.constant 0 : i32
    %dma_start3A_60 = arith.constant 0 : i32
    %dma_start3A_61 = arith.constant 0 : i32
    %dma_start3A_62 = tpu.memref_slice %arg2[%dma_start3A_59, %add3A_53, %dma_start3A_60, %dma_start3A_61] : memref<25x128x8x128xi32, #tpu.memory_space<hbm>> -> memref<25x1x8x128xi32, #tpu.memory_space<hbm>>
    %dma_start3A_63 = tpu.memref_squeeze %dma_start3A_62 : memref<25x1x8x128xi32, #tpu.memory_space<hbm>> -> memref<25x8x128xi32, #tpu.memory_space<hbm>>
    tpu.enqueue_dma source(%dma_start3A_63 : memref<25x8x128xi32, #tpu.memory_space<hbm>>) target(%arg9 : memref<25x8x128xi32, #tpu.memory_space<vmem>>) target_semaphore(%arg13 : memref<!tpu.dma_semaphore, #tpu.memory_space<semaphore_mem>>)
    %scan3A = arith.constant 0 : i32
    %scan3A_64 = arith.constant 0 : i32
    %scan3A_65 = arith.constant 2 : i32
    %scan3A_66 = arith.addi %scan3A_64, %scan3A_65 : i32
    %scan3A_67 = arith.constant 1 : i32
    scf.for %scan3A_92 = %scan3A_64 to %scan3A_66 step %scan3A_67  : i32 {
      %mul3A_93 = arith.constant 2 : i32
      %mul3A_94 = arith.muli %mul3A_93, %scan3A_92 : i32
      %add3A_95 = arith.constant 0 : i32
      %add3A_96 = arith.addi %mul3A_94, %add3A_95 : i32
      %mul3A_97 = arith.constant 32 : i32
      %mul3A_98 = arith.muli %add3A_96, %mul3A_97 : i32
      %add3A_99 = arith.addi %add3A, %mul3A_98 : i32
      %dma_wait3A_100 = arith.constant 0 : i32
      %dma_wait3A_101 = arith.constant 0 : i32
      %dma_wait3A_102 = arith.constant 0 : i32
      %dma_wait3A_103 = tpu.memref_slice %arg2[%dma_wait3A_100, %add3A_99, %dma_wait3A_101, %dma_wait3A_102] : memref<25x128x8x128xi32, #tpu.memory_space<hbm>> -> memref<25x1x8x128xi32, #tpu.memory_space<hbm>>
      %dma_wait3A_104 = tpu.memref_squeeze %dma_wait3A_103 : memref<25x1x8x128xi32, #tpu.memory_space<hbm>> -> memref<25x8x128xi32, #tpu.memory_space<hbm>>
      %dma_wait3A_105 = arith.constant 0 : i32
      %dma_wait3A_106 = arith.constant 0 : i32
      %dma_wait3A_107 = arith.constant 0 : i32
      %dma_wait3A_108 = tpu.memref_slice %arg2[%dma_wait3A_105, %add3A_99, %dma_wait3A_106, %dma_wait3A_107] : memref<25x128x8x128xi32, #tpu.memory_space<hbm>> -> memref<25x1x8x128xi32, #tpu.memory_space<hbm>>
      %dma_wait3A_109 = tpu.memref_squeeze %dma_wait3A_108 : memref<25x1x8x128xi32, #tpu.memory_space<hbm>> -> memref<25x8x128xi32, #tpu.memory_space<hbm>>
      tpu.wait_dma2 semaphore(%arg12 : memref<!tpu.dma_semaphore, #tpu.memory_space<semaphore_mem>>) src(%dma_wait3A_109 : memref<25x8x128xi32, #tpu.memory_space<hbm>>) dst(%arg8 : memref<25x8x128xi32, #tpu.memory_space<vmem>>)
      %gt3A = arith.constant 0 : i32
      %gt3A_110 = arith.cmpi sgt, %scan3A_92, %gt3A : i32
      %convert_element_type3A = arith.extui %gt3A_110 : i1 to i32
      %cond3A = arith.constant 0 : i32
      %cond3A_111 = arith.cmpi ne, %convert_element_type3A, %cond3A : i32
      scf.if %cond3A_111 {
        %sub3A_239 = arith.constant 1 : i32
        %sub3A_240 = arith.subi %add3A_96, %sub3A_239 : i32
        %mul3A_241 = arith.constant 32 : i32
        %mul3A_242 = arith.muli %sub3A_240, %mul3A_241 : i32
        %add3A_243 = arith.addi %add3A, %mul3A_242 : i32
        %dma_wait3A_244 = arith.constant 0 : i32
        %dma_wait3A_245 = arith.constant 0 : i32
        %dma_wait3A_246 = arith.constant 0 : i32
        %dma_wait3A_247 = tpu.memref_slice %arg4[%dma_wait3A_244, %add3A_243, %dma_wait3A_245, %dma_wait3A_246] : memref<200x128x2x128xf32, #tpu.memory_space<hbm>> -> memref<100x1x2x128xf32, #tpu.memory_space<hbm>>
        %dma_wait3A_248 = tpu.memref_squeeze %dma_wait3A_247 : memref<100x1x2x128xf32, #tpu.memory_space<hbm>> -> memref<100x2x128xf32, #tpu.memory_space<hbm>>
        %dma_wait3A_249 = arith.constant 0 : i32
        %dma_wait3A_250 = arith.constant 0 : i32
        %dma_wait3A_251 = arith.constant 0 : i32
        %dma_wait3A_252 = tpu.memref_slice %arg4[%dma_wait3A_249, %add3A_243, %dma_wait3A_250, %dma_wait3A_251] : memref<200x128x2x128xf32, #tpu.memory_space<hbm>> -> memref<100x1x2x128xf32, #tpu.memory_space<hbm>>
        %dma_wait3A_253 = tpu.memref_squeeze %dma_wait3A_252 : memref<100x1x2x128xf32, #tpu.memory_space<hbm>> -> memref<100x2x128xf32, #tpu.memory_space<hbm>>
        tpu.wait_dma2 semaphore(%arg14 : memref<!tpu.dma_semaphore, #tpu.memory_space<semaphore_mem>>) src(%arg10 : memref<100x2x128xf32, #tpu.memory_space<vmem>>) dst(%dma_wait3A_253 : memref<100x2x128xf32, #tpu.memory_space<hbm>>)
      } else {
      }
      %parallel_loop3A = arith.constant 0 : i32
      %parallel_loop3A_112 = arith.constant 100 : i32
      %parallel_loop3A_113 = arith.constant 1 : i32
      scf.for %parallel_loop3A_239 = %parallel_loop3A to %parallel_loop3A_112 step %parallel_loop3A_113  : i32 {
        %parallel_loop3A_240 = arith.constant 0 : i32
        %parallel_loop3A_241 = arith.addi %parallel_loop3A_239, %parallel_loop3A_240 : i32
        %parallel_loop3A_242 = arith.constant 3 : i32
        %parallel_loop3A_243 = arith.shrsi %parallel_loop3A_241, %parallel_loop3A_242 : i32
        %parallel_loop3A_244 = arith.constant 7 : i32
        %parallel_loop3A_245 = arith.andi %parallel_loop3A_241, %parallel_loop3A_244 : i32
        %parallel_loop3A_246 = arith.index_cast %parallel_loop3A_243 : i32 to index
        %parallel_loop3A_247 = arith.index_cast %parallel_loop3A_245 : i32 to index
        %parallel_loop3A_248 = arith.constant 0 : index
        %parallel_loop3A_249 = tpu.vector_load %arg8[%parallel_loop3A_246, %parallel_loop3A_247, %parallel_loop3A_248] {strides = array<i32>} : memref<25x8x128xi32, #tpu.memory_space<vmem>>, vector<16xi32>,
        %parallel_loop3A_250 = tpu.vector_load_idx %arg6[%parallel_loop3A_249] : memref<16xf32, #tpu.memory_space<vmem>>[vector<16xi32>], vector<16xf32>,
        %parallel_loop3A_251 = tpu.vector_load_idx %arg7[%parallel_loop3A_249] : memref<16xf32, #tpu.memory_space<vmem>>[vector<16xi32>], vector<16xf32>,
        %parallel_loop3A_252 = arith.constant 0 : i32
        %parallel_loop3A_253 = arith.index_cast %parallel_loop3A_239 : i32 to index
        %parallel_loop3A_254 = arith.index_cast %parallel_loop3A_252 : i32 to index
        %parallel_loop3A_255 = arith.constant 0 : index
        %parallel_loop3A_256 = tpu.vector_load %arg10[%parallel_loop3A_253, %parallel_loop3A_254, %parallel_loop3A_255] {strides = array<i32>} : memref<100x2x128xf32, #tpu.memory_space<vmem>>, vector<16xf32>,
        tpu.vector_store %arg10[%parallel_loop3A_253, %parallel_loop3A_254, %parallel_loop3A_255], %parallel_loop3A_250 {strides = array<i32>} : memref<100x2x128xf32, #tpu.memory_space<vmem>>, vector<16xf32>,
        %parallel_loop3A_257 = arith.constant 1 : i32
        %parallel_loop3A_258 = arith.index_cast %parallel_loop3A_239 : i32 to index
        %parallel_loop3A_259 = arith.index_cast %parallel_loop3A_257 : i32 to index
        %parallel_loop3A_260 = arith.constant 0 : index
        %parallel_loop3A_261 = tpu.vector_load %arg10[%parallel_loop3A_258, %parallel_loop3A_259, %parallel_loop3A_260] {strides = array<i32>} : memref<100x2x128xf32, #tpu.memory_space<vmem>>, vector<16xf32>,
        tpu.vector_store %arg10[%parallel_loop3A_258, %parallel_loop3A_259, %parallel_loop3A_260], %parallel_loop3A_251 {strides = array<i32>} : memref<100x2x128xf32, #tpu.memory_space<vmem>>, vector<16xf32>,
        %parallel_loop3A_262 = arith.index_cast %parallel_loop3A_243 : i32 to index
        %parallel_loop3A_263 = arith.index_cast %parallel_loop3A_245 : i32 to index
        %parallel_loop3A_264 = arith.constant 16 : index
        %parallel_loop3A_265 = tpu.vector_load %arg8[%parallel_loop3A_262, %parallel_loop3A_263, %parallel_loop3A_264] {strides = array<i32>} : memref<25x8x128xi32, #tpu.memory_space<vmem>>, vector<16xi32>,
        %parallel_loop3A_266 = tpu.vector_load_idx %arg6[%parallel_loop3A_265] : memref<16xf32, #tpu.memory_space<vmem>>[vector<16xi32>], vector<16xf32>,
        %parallel_loop3A_267 = tpu.vector_load_idx %arg7[%parallel_loop3A_265] : memref<16xf32, #tpu.memory_space<vmem>>[vector<16xi32>], vector<16xf32>,
        %parallel_loop3A_268 = arith.constant 0 : i32
        %parallel_loop3A_269 = arith.index_cast %parallel_loop3A_239 : i32 to index
        %parallel_loop3A_270 = arith.index_cast %parallel_loop3A_268 : i32 to index
        %parallel_loop3A_271 = arith.constant 16 : index
        %parallel_loop3A_272 = tpu.vector_load %arg10[%parallel_loop3A_269, %parallel_loop3A_270, %parallel_loop3A_271] {strides = array<i32>} : memref<100x2x128xf32, #tpu.memory_space<vmem>>, vector<16xf32>,
        tpu.vector_store %arg10[%parallel_loop3A_269, %parallel_loop3A_270, %parallel_loop3A_271], %parallel_loop3A_266 {strides = array<i32>} : memref<100x2x128xf32, #tpu.memory_space<vmem>>, vector<16xf32>,
        %parallel_loop3A_273 = arith.constant 1 : i32
        %parallel_loop3A_274 = arith.index_cast %parallel_loop3A_239 : i32 to index
        %parallel_loop3A_275 = arith.index_cast %parallel_loop3A_273 : i32 to index
        %parallel_loop3A_276 = arith.constant 16 : index
        %parallel_loop3A_277 = tpu.vector_load %arg10[%parallel_loop3A_274, %parallel_loop3A_275, %parallel_loop3A_276] {strides = array<i32>} : memref<100x2x128xf32, #tpu.memory_space<vmem>>, vector<16xf32>,
        tpu.vector_store %arg10[%parallel_loop3A_274, %parallel_loop3A_275, %parallel_loop3A_276], %parallel_loop3A_267 {strides = array<i32>} : memref<100x2x128xf32, #tpu.memory_space<vmem>>, vector<16xf32>,
        %parallel_loop3A_278 = arith.index_cast %parallel_loop3A_243 : i32 to index
        %parallel_loop3A_279 = arith.index_cast %parallel_loop3A_245 : i32 to index
        %parallel_loop3A_280 = arith.constant 32 : index
        %parallel_loop3A_281 = tpu.vector_load %arg8[%parallel_loop3A_278, %parallel_loop3A_279, %parallel_loop3A_280] {strides = array<i32>} : memref<25x8x128xi32, #tpu.memory_space<vmem>>, vector<16xi32>,
        %parallel_loop3A_282 = tpu.vector_load_idx %arg6[%parallel_loop3A_281] : memref<16xf32, #tpu.memory_space<vmem>>[vector<16xi32>], vector<16xf32>,
        %parallel_loop3A_283 = tpu.vector_load_idx %arg7[%parallel_loop3A_281] : memref<16xf32, #tpu.memory_space<vmem>>[vector<16xi32>], vector<16xf32>,
        %parallel_loop3A_284 = arith.constant 0 : i32
        %parallel_loop3A_285 = arith.index_cast %parallel_loop3A_239 : i32 to index
        %parallel_loop3A_286 = arith.index_cast %parallel_loop3A_284 : i32 to index
        %parallel_loop3A_287 = arith.constant 32 : index
        %parallel_loop3A_288 = tpu.vector_load %arg10[%parallel_loop3A_285, %parallel_loop3A_286, %parallel_loop3A_287] {strides = array<i32>} : memref<100x2x128xf32, #tpu.memory_space<vmem>>, vector<16xf32>,
        tpu.vector_store %arg10[%parallel_loop3A_285, %parallel_loop3A_286, %parallel_loop3A_287], %parallel_loop3A_282 {strides = array<i32>} : memref<100x2x128xf32, #tpu.memory_space<vmem>>, vector<16xf32>,
        %parallel_loop3A_289 = arith.constant 1 : i32
        %parallel_loop3A_290 = arith.index_cast %parallel_loop3A_239 : i32 to index
        %parallel_loop3A_291 = arith.index_cast %parallel_loop3A_289 : i32 to index
        %parallel_loop3A_292 = arith.constant 32 : index
        %parallel_loop3A_293 = tpu.vector_load %arg10[%parallel_loop3A_290, %parallel_loop3A_291, %parallel_loop3A_292] {strides = array<i32>} : memref<100x2x128xf32, #tpu.memory_space<vmem>>, vector<16xf32>,
        tpu.vector_store %arg10[%parallel_loop3A_290, %parallel_loop3A_291, %parallel_loop3A_292], %parallel_loop3A_283 {strides = array<i32>} : memref<100x2x128xf32, #tpu.memory_space<vmem>>, vector<16xf32>,
        %parallel_loop3A_294 = arith.index_cast %parallel_loop3A_243 : i32 to index
        %parallel_loop3A_295 = arith.index_cast %parallel_loop3A_245 : i32 to index
        %parallel_loop3A_296 = arith.constant 48 : index
        %parallel_loop3A_297 = tpu.vector_load %arg8[%parallel_loop3A_294, %parallel_loop3A_295, %parallel_loop3A_296] {strides = array<i32>} : memref<25x8x128xi32, #tpu.memory_space<vmem>>, vector<16xi32>,
        %parallel_loop3A_298 = tpu.vector_load_idx %arg6[%parallel_loop3A_297] : memref<16xf32, #tpu.memory_space<vmem>>[vector<16xi32>], vector<16xf32>,
        %parallel_loop3A_299 = tpu.vector_load_idx %arg7[%parallel_loop3A_297] : memref<16xf32, #tpu.memory_space<vmem>>[vector<16xi32>], vector<16xf32>,
        %parallel_loop3A_300 = arith.constant 0 : i32
        %parallel_loop3A_301 = arith.index_cast %parallel_loop3A_239 : i32 to index
        %parallel_loop3A_302 = arith.index_cast %parallel_loop3A_300 : i32 to index
        %parallel_loop3A_303 = arith.constant 48 : index
        %parallel_loop3A_304 = tpu.vector_load %arg10[%parallel_loop3A_301, %parallel_loop3A_302, %parallel_loop3A_303] {strides = array<i32>} : memref<100x2x128xf32, #tpu.memory_space<vmem>>, vector<16xf32>,
        tpu.vector_store %arg10[%parallel_loop3A_301, %parallel_loop3A_302, %parallel_loop3A_303], %parallel_loop3A_298 {strides = array<i32>} : memref<100x2x128xf32, #tpu.memory_space<vmem>>, vector<16xf32>,
        %parallel_loop3A_305 = arith.constant 1 : i32
        %parallel_loop3A_306 = arith.index_cast %parallel_loop3A_239 : i32 to index
        %parallel_loop3A_307 = arith.index_cast %parallel_loop3A_305 : i32 to index
        %parallel_loop3A_308 = arith.constant 48 : index
        %parallel_loop3A_309 = tpu.vector_load %arg10[%parallel_loop3A_306, %parallel_loop3A_307, %parallel_loop3A_308] {strides = array<i32>} : memref<100x2x128xf32, #tpu.memory_space<vmem>>, vector<16xf32>,
        tpu.vector_store %arg10[%parallel_loop3A_306, %parallel_loop3A_307, %parallel_loop3A_308], %parallel_loop3A_299 {strides = array<i32>} : memref<100x2x128xf32, #tpu.memory_space<vmem>>, vector<16xf32>,
        %parallel_loop3A_310 = arith.index_cast %parallel_loop3A_243 : i32 to index
        %parallel_loop3A_311 = arith.index_cast %parallel_loop3A_245 : i32 to index
        %parallel_loop3A_312 = arith.constant 64 : index
        %parallel_loop3A_313 = tpu.vector_load %arg8[%parallel_loop3A_310, %parallel_loop3A_311, %parallel_loop3A_312] {strides = array<i32>} : memref<25x8x128xi32, #tpu.memory_space<vmem>>, vector<16xi32>,
        %parallel_loop3A_314 = tpu.vector_load_idx %arg6[%parallel_loop3A_313] : memref<16xf32, #tpu.memory_space<vmem>>[vector<16xi32>], vector<16xf32>,
        %parallel_loop3A_315 = tpu.vector_load_idx %arg7[%parallel_loop3A_313] : memref<16xf32, #tpu.memory_space<vmem>>[vector<16xi32>], vector<16xf32>,
        %parallel_loop3A_316 = arith.constant 0 : i32
        %parallel_loop3A_317 = arith.index_cast %parallel_loop3A_239 : i32 to index
        %parallel_loop3A_318 = arith.index_cast %parallel_loop3A_316 : i32 to index
        %parallel_loop3A_319 = arith.constant 64 : index
        %parallel_loop3A_320 = tpu.vector_load %arg10[%parallel_loop3A_317, %parallel_loop3A_318, %parallel_loop3A_319] {strides = array<i32>} : memref<100x2x128xf32, #tpu.memory_space<vmem>>, vector<16xf32>,
        tpu.vector_store %arg10[%parallel_loop3A_317, %parallel_loop3A_318, %parallel_loop3A_319], %parallel_loop3A_314 {strides = array<i32>} : memref<100x2x128xf32, #tpu.memory_space<vmem>>, vector<16xf32>,
        %parallel_loop3A_321 = arith.constant 1 : i32
        %parallel_loop3A_322 = arith.index_cast %parallel_loop3A_239 : i32 to index
        %parallel_loop3A_323 = arith.index_cast %parallel_loop3A_321 : i32 to index
        %parallel_loop3A_324 = arith.constant 64 : index
        %parallel_loop3A_325 = tpu.vector_load %arg10[%parallel_loop3A_322, %parallel_loop3A_323, %parallel_loop3A_324] {strides = array<i32>} : memref<100x2x128xf32, #tpu.memory_space<vmem>>, vector<16xf32>,
        tpu.vector_store %arg10[%parallel_loop3A_322, %parallel_loop3A_323, %parallel_loop3A_324], %parallel_loop3A_315 {strides = array<i32>} : memref<100x2x128xf32, #tpu.memory_space<vmem>>, vector<16xf32>,
        %parallel_loop3A_326 = arith.index_cast %parallel_loop3A_243 : i32 to index
        %parallel_loop3A_327 = arith.index_cast %parallel_loop3A_245 : i32 to index
        %parallel_loop3A_328 = arith.constant 80 : index
        %parallel_loop3A_329 = tpu.vector_load %arg8[%parallel_loop3A_326, %parallel_loop3A_327, %parallel_loop3A_328] {strides = array<i32>} : memref<25x8x128xi32, #tpu.memory_space<vmem>>, vector<16xi32>,
        %parallel_loop3A_330 = tpu.vector_load_idx %arg6[%parallel_loop3A_329] : memref<16xf32, #tpu.memory_space<vmem>>[vector<16xi32>], vector<16xf32>,
        %parallel_loop3A_331 = tpu.vector_load_idx %arg7[%parallel_loop3A_329] : memref<16xf32, #tpu.memory_space<vmem>>[vector<16xi32>], vector<16xf32>,
        %parallel_loop3A_332 = arith.constant 0 : i32
        %parallel_loop3A_333 = arith.index_cast %parallel_loop3A_239 : i32 to index
        %parallel_loop3A_334 = arith.index_cast %parallel_loop3A_332 : i32 to index
        %parallel_loop3A_335 = arith.constant 80 : index
        %parallel_loop3A_336 = tpu.vector_load %arg10[%parallel_loop3A_333, %parallel_loop3A_334, %parallel_loop3A_335] {strides = array<i32>} : memref<100x2x128xf32, #tpu.memory_space<vmem>>, vector<16xf32>,
        tpu.vector_store %arg10[%parallel_loop3A_333, %parallel_loop3A_334, %parallel_loop3A_335], %parallel_loop3A_330 {strides = array<i32>} : memref<100x2x128xf32, #tpu.memory_space<vmem>>, vector<16xf32>,
        %parallel_loop3A_337 = arith.constant 1 : i32
        %parallel_loop3A_338 = arith.index_cast %parallel_loop3A_239 : i32 to index
        %parallel_loop3A_339 = arith.index_cast %parallel_loop3A_337 : i32 to index
        %parallel_loop3A_340 = arith.constant 80 : index
        %parallel_loop3A_341 = tpu.vector_load %arg10[%parallel_loop3A_338, %parallel_loop3A_339, %parallel_loop3A_340] {strides = array<i32>} : memref<100x2x128xf32, #tpu.memory_space<vmem>>, vector<16xf32>,
        tpu.vector_store %arg10[%parallel_loop3A_338, %parallel_loop3A_339, %parallel_loop3A_340], %parallel_loop3A_331 {strides = array<i32>} : memref<100x2x128xf32, #tpu.memory_space<vmem>>, vector<16xf32>,
        %parallel_loop3A_342 = arith.index_cast %parallel_loop3A_243 : i32 to index
        %parallel_loop3A_343 = arith.index_cast %parallel_loop3A_245 : i32 to index
        %parallel_loop3A_344 = arith.constant 96 : index
        %parallel_loop3A_345 = tpu.vector_load %arg8[%parallel_loop3A_342, %parallel_loop3A_343, %parallel_loop3A_344] {strides = array<i32>} : memref<25x8x128xi32, #tpu.memory_space<vmem>>, vector<16xi32>,
        %parallel_loop3A_346 = tpu.vector_load_idx %arg6[%parallel_loop3A_345] : memref<16xf32, #tpu.memory_space<vmem>>[vector<16xi32>], vector<16xf32>,
        %parallel_loop3A_347 = tpu.vector_load_idx %arg7[%parallel_loop3A_345] : memref<16xf32, #tpu.memory_space<vmem>>[vector<16xi32>], vector<16xf32>,
        %parallel_loop3A_348 = arith.constant 0 : i32
        %parallel_loop3A_349 = arith.index_cast %parallel_loop3A_239 : i32 to index
        %parallel_loop3A_350 = arith.index_cast %parallel_loop3A_348 : i32 to index
        %parallel_loop3A_351 = arith.constant 96 : index
        %parallel_loop3A_352 = tpu.vector_load %arg10[%parallel_loop3A_349, %parallel_loop3A_350, %parallel_loop3A_351] {strides = array<i32>} : memref<100x2x128xf32, #tpu.memory_space<vmem>>, vector<16xf32>,
        tpu.vector_store %arg10[%parallel_loop3A_349, %parallel_loop3A_350, %parallel_loop3A_351], %parallel_loop3A_346 {strides = array<i32>} : memref<100x2x128xf32, #tpu.memory_space<vmem>>, vector<16xf32>,
        %parallel_loop3A_353 = arith.constant 1 : i32
        %parallel_loop3A_354 = arith.index_cast %parallel_loop3A_239 : i32 to index
        %parallel_loop3A_355 = arith.index_cast %parallel_loop3A_353 : i32 to index
        %parallel_loop3A_356 = arith.constant 96 : index
        %parallel_loop3A_357 = tpu.vector_load %arg10[%parallel_loop3A_354, %parallel_loop3A_355, %parallel_loop3A_356] {strides = array<i32>} : memref<100x2x128xf32, #tpu.memory_space<vmem>>, vector<16xf32>,
        tpu.vector_store %arg10[%parallel_loop3A_354, %parallel_loop3A_355, %parallel_loop3A_356], %parallel_loop3A_347 {strides = array<i32>} : memref<100x2x128xf32, #tpu.memory_space<vmem>>, vector<16xf32>,
        %parallel_loop3A_358 = arith.index_cast %parallel_loop3A_243 : i32 to index
        %parallel_loop3A_359 = arith.index_cast %parallel_loop3A_245 : i32 to index
        %parallel_loop3A_360 = arith.constant 112 : index
        %parallel_loop3A_361 = tpu.vector_load %arg8[%parallel_loop3A_358, %parallel_loop3A_359, %parallel_loop3A_360] {strides = array<i32>} : memref<25x8x128xi32, #tpu.memory_space<vmem>>, vector<16xi32>,
        %parallel_loop3A_362 = tpu.vector_load_idx %arg6[%parallel_loop3A_361] : memref<16xf32, #tpu.memory_space<vmem>>[vector<16xi32>], vector<16xf32>,
        %parallel_loop3A_363 = tpu.vector_load_idx %arg7[%parallel_loop3A_361] : memref<16xf32, #tpu.memory_space<vmem>>[vector<16xi32>], vector<16xf32>,
        %parallel_loop3A_364 = arith.constant 0 : i32
        %parallel_loop3A_365 = arith.index_cast %parallel_loop3A_239 : i32 to index
        %parallel_loop3A_366 = arith.index_cast %parallel_loop3A_364 : i32 to index
        %parallel_loop3A_367 = arith.constant 112 : index
        %parallel_loop3A_368 = tpu.vector_load %arg10[%parallel_loop3A_365, %parallel_loop3A_366, %parallel_loop3A_367] {strides = array<i32>} : memref<100x2x128xf32, #tpu.memory_space<vmem>>, vector<16xf32>,
        tpu.vector_store %arg10[%parallel_loop3A_365, %parallel_loop3A_366, %parallel_loop3A_367], %parallel_loop3A_362 {strides = array<i32>} : memref<100x2x128xf32, #tpu.memory_space<vmem>>, vector<16xf32>,
        %parallel_loop3A_369 = arith.constant 1 : i32
        %parallel_loop3A_370 = arith.index_cast %parallel_loop3A_239 : i32 to index
        %parallel_loop3A_371 = arith.index_cast %parallel_loop3A_369 : i32 to index
        %parallel_loop3A_372 = arith.constant 112 : index
        %parallel_loop3A_373 = tpu.vector_load %arg10[%parallel_loop3A_370, %parallel_loop3A_371, %parallel_loop3A_372] {strides = array<i32>} : memref<100x2x128xf32, #tpu.memory_space<vmem>>, vector<16xf32>,
        tpu.vector_store %arg10[%parallel_loop3A_370, %parallel_loop3A_371, %parallel_loop3A_372], %parallel_loop3A_363 {strides = array<i32>} : memref<100x2x128xf32, #tpu.memory_space<vmem>>, vector<16xf32>,
      } {sc.loop_unroll_factor = 2 : i64, sc.parallel_access}
      %mul3A_114 = arith.constant 32 : i32
      %mul3A_115 = arith.muli %add3A_96, %mul3A_114 : i32
      %add3A_116 = arith.addi %add3A, %mul3A_115 : i32
      %dma_start3A_117 = arith.constant 0 : i32
      %dma_start3A_118 = arith.constant 0 : i32
      %dma_start3A_119 = arith.constant 0 : i32
      %dma_start3A_120 = tpu.memref_slice %arg4[%dma_start3A_117, %add3A_116, %dma_start3A_118, %dma_start3A_119] : memref<200x128x2x128xf32, #tpu.memory_space<hbm>> -> memref<100x1x2x128xf32, #tpu.memory_space<hbm>>
      %dma_start3A_121 = tpu.memref_squeeze %dma_start3A_120 : memref<100x1x2x128xf32, #tpu.memory_space<hbm>> -> memref<100x2x128xf32, #tpu.memory_space<hbm>>
      %dma_start3A_122 = arith.constant 0 : i32
      %dma_start3A_123 = arith.constant 0 : i32
      %dma_start3A_124 = arith.constant 0 : i32
      %dma_start3A_125 = tpu.memref_slice %arg4[%dma_start3A_122, %add3A_116, %dma_start3A_123, %dma_start3A_124] : memref<200x128x2x128xf32, #tpu.memory_space<hbm>> -> memref<100x1x2x128xf32, #tpu.memory_space<hbm>>
      %dma_start3A_126 = tpu.memref_squeeze %dma_start3A_125 : memref<100x1x2x128xf32, #tpu.memory_space<hbm>> -> memref<100x2x128xf32, #tpu.memory_space<hbm>>
      tpu.enqueue_dma source(%arg10 : memref<100x2x128xf32, #tpu.memory_space<vmem>>) target(%dma_start3A_126 : memref<100x2x128xf32, #tpu.memory_space<hbm>>) target_semaphore(%arg14 : memref<!tpu.dma_semaphore, #tpu.memory_space<semaphore_mem>>)
      %gt3A_127 = arith.constant 0 : i32
      %gt3A_128 = arith.cmpi sgt, %scan3A_92, %gt3A_127 : i32
      %convert_element_type3A_129 = arith.extui %gt3A_128 : i1 to i32
      %cond3A_130 = arith.constant 0 : i32
      %cond3A_131 = arith.cmpi ne, %convert_element_type3A_129, %cond3A_130 : i32
      scf.if %cond3A_131 {
        %sub3A_239 = arith.constant 1 : i32
        %sub3A_240 = arith.subi %add3A_96, %sub3A_239 : i32
        %mul3A_241 = arith.constant 32 : i32
        %mul3A_242 = arith.muli %sub3A_240, %mul3A_241 : i32
        %add3A_243 = arith.addi %add3A, %mul3A_242 : i32
        %dma_wait3A_244 = arith.constant 100 : i32
        %dma_wait3A_245 = arith.constant 0 : i32
        %dma_wait3A_246 = arith.constant 0 : i32
        %dma_wait3A_247 = tpu.memref_slice %arg4[%dma_wait3A_244, %add3A_243, %dma_wait3A_245, %dma_wait3A_246] : memref<200x128x2x128xf32, #tpu.memory_space<hbm>> -> memref<100x1x2x128xf32, #tpu.memory_space<hbm>>
        %dma_wait3A_248 = tpu.memref_squeeze %dma_wait3A_247 : memref<100x1x2x128xf32, #tpu.memory_space<hbm>> -> memref<100x2x128xf32, #tpu.memory_space<hbm>>
        %dma_wait3A_249 = arith.constant 100 : i32
        %dma_wait3A_250 = arith.constant 0 : i32
        %dma_wait3A_251 = arith.constant 0 : i32
        %dma_wait3A_252 = tpu.memref_slice %arg4[%dma_wait3A_249, %add3A_243, %dma_wait3A_250, %dma_wait3A_251] : memref<200x128x2x128xf32, #tpu.memory_space<hbm>> -> memref<100x1x2x128xf32, #tpu.memory_space<hbm>>
        %dma_wait3A_253 = tpu.memref_squeeze %dma_wait3A_252 : memref<100x1x2x128xf32, #tpu.memory_space<hbm>> -> memref<100x2x128xf32, #tpu.memory_space<hbm>>
        tpu.wait_dma2 semaphore(%arg15 : memref<!tpu.dma_semaphore, #tpu.memory_space<semaphore_mem>>) src(%arg11 : memref<100x2x128xf32, #tpu.memory_space<vmem>>) dst(%dma_wait3A_253 : memref<100x2x128xf32, #tpu.memory_space<hbm>>)
      } else {
      }
      %parallel_loop3A_132 = arith.constant 0 : i32
      %parallel_loop3A_133 = arith.constant 100 : i32
      %parallel_loop3A_134 = arith.constant 1 : i32
      scf.for %parallel_loop3A_239 = %parallel_loop3A_132 to %parallel_loop3A_133 step %parallel_loop3A_134  : i32 {
        %parallel_loop3A_240 = arith.constant 100 : i32
        %parallel_loop3A_241 = arith.addi %parallel_loop3A_239, %parallel_loop3A_240 : i32
        %parallel_loop3A_242 = arith.constant 3 : i32
        %parallel_loop3A_243 = arith.shrsi %parallel_loop3A_241, %parallel_loop3A_242 : i32
        %parallel_loop3A_244 = arith.constant 7 : i32
        %parallel_loop3A_245 = arith.andi %parallel_loop3A_241, %parallel_loop3A_244 : i32
        %parallel_loop3A_246 = arith.index_cast %parallel_loop3A_243 : i32 to index
        %parallel_loop3A_247 = arith.index_cast %parallel_loop3A_245 : i32 to index
        %parallel_loop3A_248 = arith.constant 0 : index
        %parallel_loop3A_249 = tpu.vector_load %arg8[%parallel_loop3A_246, %parallel_loop3A_247, %parallel_loop3A_248] {strides = array<i32>} : memref<25x8x128xi32, #tpu.memory_space<vmem>>, vector<16xi32>,
        %parallel_loop3A_250 = tpu.vector_load_idx %arg6[%parallel_loop3A_249] : memref<16xf32, #tpu.memory_space<vmem>>[vector<16xi32>], vector<16xf32>,
        %parallel_loop3A_251 = tpu.vector_load_idx %arg7[%parallel_loop3A_249] : memref<16xf32, #tpu.memory_space<vmem>>[vector<16xi32>], vector<16xf32>,
        %parallel_loop3A_252 = arith.constant 0 : i32
        %parallel_loop3A_253 = arith.index_cast %parallel_loop3A_239 : i32 to index
        %parallel_loop3A_254 = arith.index_cast %parallel_loop3A_252 : i32 to index
        %parallel_loop3A_255 = arith.constant 0 : index
        %parallel_loop3A_256 = tpu.vector_load %arg11[%parallel_loop3A_253, %parallel_loop3A_254, %parallel_loop3A_255] {strides = array<i32>} : memref<100x2x128xf32, #tpu.memory_space<vmem>>, vector<16xf32>,
        tpu.vector_store %arg11[%parallel_loop3A_253, %parallel_loop3A_254, %parallel_loop3A_255], %parallel_loop3A_250 {strides = array<i32>} : memref<100x2x128xf32, #tpu.memory_space<vmem>>, vector<16xf32>,
        %parallel_loop3A_257 = arith.constant 1 : i32
        %parallel_loop3A_258 = arith.index_cast %parallel_loop3A_239 : i32 to index
        %parallel_loop3A_259 = arith.index_cast %parallel_loop3A_257 : i32 to index
        %parallel_loop3A_260 = arith.constant 0 : index
        %parallel_loop3A_261 = tpu.vector_load %arg11[%parallel_loop3A_258, %parallel_loop3A_259, %parallel_loop3A_260] {strides = array<i32>} : memref<100x2x128xf32, #tpu.memory_space<vmem>>, vector<16xf32>,
        tpu.vector_store %arg11[%parallel_loop3A_258, %parallel_loop3A_259, %parallel_loop3A_260], %parallel_loop3A_251 {strides = array<i32>} : memref<100x2x128xf32, #tpu.memory_space<vmem>>, vector<16xf32>,
        %parallel_loop3A_262 = arith.index_cast %parallel_loop3A_243 : i32 to index
        %parallel_loop3A_263 = arith.index_cast %parallel_loop3A_245 : i32 to index
        %parallel_loop3A_264 = arith.constant 16 : index
        %parallel_loop3A_265 = tpu.vector_load %arg8[%parallel_loop3A_262, %parallel_loop3A_263, %parallel_loop3A_264] {strides = array<i32>} : memref<25x8x128xi32, #tpu.memory_space<vmem>>, vector<16xi32>,
        %parallel_loop3A_266 = tpu.vector_load_idx %arg6[%parallel_loop3A_265] : memref<16xf32, #tpu.memory_space<vmem>>[vector<16xi32>], vector<16xf32>,
        %parallel_loop3A_267 = tpu.vector_load_idx %arg7[%parallel_loop3A_265] : memref<16xf32, #tpu.memory_space<vmem>>[vector<16xi32>], vector<16xf32>,
        %parallel_loop3A_268 = arith.constant 0 : i32
        %parallel_loop3A_269 = arith.index_cast %parallel_loop3A_239 : i32 to index
        %parallel_loop3A_270 = arith.index_cast %parallel_loop3A_268 : i32 to index
        %parallel_loop3A_271 = arith.constant 16 : index
        %parallel_loop3A_272 = tpu.vector_load %arg11[%parallel_loop3A_269, %parallel_loop3A_270, %parallel_loop3A_271] {strides = array<i32>} : memref<100x2x128xf32, #tpu.memory_space<vmem>>, vector<16xf32>,
        tpu.vector_store %arg11[%parallel_loop3A_269, %parallel_loop3A_270, %parallel_loop3A_271], %parallel_loop3A_266 {strides = array<i32>} : memref<100x2x128xf32, #tpu.memory_space<vmem>>, vector<16xf32>,
        %parallel_loop3A_273 = arith.constant 1 : i32
        %parallel_loop3A_274 = arith.index_cast %parallel_loop3A_239 : i32 to index
        %parallel_loop3A_275 = arith.index_cast %parallel_loop3A_273 : i32 to index
        %parallel_loop3A_276 = arith.constant 16 : index
        %parallel_loop3A_277 = tpu.vector_load %arg11[%parallel_loop3A_274, %parallel_loop3A_275, %parallel_loop3A_276] {strides = array<i32>} : memref<100x2x128xf32, #tpu.memory_space<vmem>>, vector<16xf32>,
        tpu.vector_store %arg11[%parallel_loop3A_274, %parallel_loop3A_275, %parallel_loop3A_276], %parallel_loop3A_267 {strides = array<i32>} : memref<100x2x128xf32, #tpu.memory_space<vmem>>, vector<16xf32>,
        %parallel_loop3A_278 = arith.index_cast %parallel_loop3A_243 : i32 to index
        %parallel_loop3A_279 = arith.index_cast %parallel_loop3A_245 : i32 to index
        %parallel_loop3A_280 = arith.constant 32 : index
        %parallel_loop3A_281 = tpu.vector_load %arg8[%parallel_loop3A_278, %parallel_loop3A_279, %parallel_loop3A_280] {strides = array<i32>} : memref<25x8x128xi32, #tpu.memory_space<vmem>>, vector<16xi32>,
        %parallel_loop3A_282 = tpu.vector_load_idx %arg6[%parallel_loop3A_281] : memref<16xf32, #tpu.memory_space<vmem>>[vector<16xi32>], vector<16xf32>,
        %parallel_loop3A_283 = tpu.vector_load_idx %arg7[%parallel_loop3A_281] : memref<16xf32, #tpu.memory_space<vmem>>[vector<16xi32>], vector<16xf32>,
        %parallel_loop3A_284 = arith.constant 0 : i32
        %parallel_loop3A_285 = arith.index_cast %parallel_loop3A_239 : i32 to index
        %parallel_loop3A_286 = arith.index_cast %parallel_loop3A_284 : i32 to index
        %parallel_loop3A_287 = arith.constant 32 : index
        %parallel_loop3A_288 = tpu.vector_load %arg11[%parallel_loop3A_285, %parallel_loop3A_286, %parallel_loop3A_287] {strides = array<i32>} : memref<100x2x128xf32, #tpu.memory_space<vmem>>, vector<16xf32>,
        tpu.vector_store %arg11[%parallel_loop3A_285, %parallel_loop3A_286, %parallel_loop3A_287], %parallel_loop3A_282 {strides = array<i32>} : memref<100x2x128xf32, #tpu.memory_space<vmem>>, vector<16xf32>,
        %parallel_loop3A_289 = arith.constant 1 : i32
        %parallel_loop3A_290 = arith.index_cast %parallel_loop3A_239 : i32 to index
        %parallel_loop3A_291 = arith.index_cast %parallel_loop3A_289 : i32 to index
        %parallel_loop3A_292 = arith.constant 32 : index
        %parallel_loop3A_293 = tpu.vector_load %arg11[%parallel_loop3A_290, %parallel_loop3A_291, %parallel_loop3A_292] {strides = array<i32>} : memref<100x2x128xf32, #tpu.memory_space<vmem>>, vector<16xf32>,
        tpu.vector_store %arg11[%parallel_loop3A_290, %parallel_loop3A_291, %parallel_loop3A_292], %parallel_loop3A_283 {strides = array<i32>} : memref<100x2x128xf32, #tpu.memory_space<vmem>>, vector<16xf32>,
        %parallel_loop3A_294 = arith.index_cast %parallel_loop3A_243 : i32 to index
        %parallel_loop3A_295 = arith.index_cast %parallel_loop3A_245 : i32 to index
        %parallel_loop3A_296 = arith.constant 48 : index
        %parallel_loop3A_297 = tpu.vector_load %arg8[%parallel_loop3A_294, %parallel_loop3A_295, %parallel_loop3A_296] {strides = array<i32>} : memref<25x8x128xi32, #tpu.memory_space<vmem>>, vector<16xi32>,
        %parallel_loop3A_298 = tpu.vector_load_idx %arg6[%parallel_loop3A_297] : memref<16xf32, #tpu.memory_space<vmem>>[vector<16xi32>], vector<16xf32>,
        %parallel_loop3A_299 = tpu.vector_load_idx %arg7[%parallel_loop3A_297] : memref<16xf32, #tpu.memory_space<vmem>>[vector<16xi32>], vector<16xf32>,
        %parallel_loop3A_300 = arith.constant 0 : i32
        %parallel_loop3A_301 = arith.index_cast %parallel_loop3A_239 : i32 to index
        %parallel_loop3A_302 = arith.index_cast %parallel_loop3A_300 : i32 to index
        %parallel_loop3A_303 = arith.constant 48 : index
        %parallel_loop3A_304 = tpu.vector_load %arg11[%parallel_loop3A_301, %parallel_loop3A_302, %parallel_loop3A_303] {strides = array<i32>} : memref<100x2x128xf32, #tpu.memory_space<vmem>>, vector<16xf32>,
        tpu.vector_store %arg11[%parallel_loop3A_301, %parallel_loop3A_302, %parallel_loop3A_303], %parallel_loop3A_298 {strides = array<i32>} : memref<100x2x128xf32, #tpu.memory_space<vmem>>, vector<16xf32>,
        %parallel_loop3A_305 = arith.constant 1 : i32
        %parallel_loop3A_306 = arith.index_cast %parallel_loop3A_239 : i32 to index
        %parallel_loop3A_307 = arith.index_cast %parallel_loop3A_305 : i32 to index
        %parallel_loop3A_308 = arith.constant 48 : index
        %parallel_loop3A_309 = tpu.vector_load %arg11[%parallel_loop3A_306, %parallel_loop3A_307, %parallel_loop3A_308] {strides = array<i32>} : memref<100x2x128xf32, #tpu.memory_space<vmem>>, vector<16xf32>,
        tpu.vector_store %arg11[%parallel_loop3A_306, %parallel_loop3A_307, %parallel_loop3A_308], %parallel_loop3A_299 {strides = array<i32>} : memref<100x2x128xf32, #tpu.memory_space<vmem>>, vector<16xf32>,
        %parallel_loop3A_310 = arith.index_cast %parallel_loop3A_243 : i32 to index
        %parallel_loop3A_311 = arith.index_cast %parallel_loop3A_245 : i32 to index
        %parallel_loop3A_312 = arith.constant 64 : index
        %parallel_loop3A_313 = tpu.vector_load %arg8[%parallel_loop3A_310, %parallel_loop3A_311, %parallel_loop3A_312] {strides = array<i32>} : memref<25x8x128xi32, #tpu.memory_space<vmem>>, vector<16xi32>,
        %parallel_loop3A_314 = tpu.vector_load_idx %arg6[%parallel_loop3A_313] : memref<16xf32, #tpu.memory_space<vmem>>[vector<16xi32>], vector<16xf32>,
        %parallel_loop3A_315 = tpu.vector_load_idx %arg7[%parallel_loop3A_313] : memref<16xf32, #tpu.memory_space<vmem>>[vector<16xi32>], vector<16xf32>,
        %parallel_loop3A_316 = arith.constant 0 : i32
        %parallel_loop3A_317 = arith.index_cast %parallel_loop3A_239 : i32 to index
        %parallel_loop3A_318 = arith.index_cast %parallel_loop3A_316 : i32 to index
        %parallel_loop3A_319 = arith.constant 64 : index
        %parallel_loop3A_320 = tpu.vector_load %arg11[%parallel_loop3A_317, %parallel_loop3A_318, %parallel_loop3A_319] {strides = array<i32>} : memref<100x2x128xf32, #tpu.memory_space<vmem>>, vector<16xf32>,
        tpu.vector_store %arg11[%parallel_loop3A_317, %parallel_loop3A_318, %parallel_loop3A_319], %parallel_loop3A_314 {strides = array<i32>} : memref<100x2x128xf32, #tpu.memory_space<vmem>>, vector<16xf32>,
        %parallel_loop3A_321 = arith.constant 1 : i32
        %parallel_loop3A_322 = arith.index_cast %parallel_loop3A_239 : i32 to index
        %parallel_loop3A_323 = arith.index_cast %parallel_loop3A_321 : i32 to index
        %parallel_loop3A_324 = arith.constant 64 : index
        %parallel_loop3A_325 = tpu.vector_load %arg11[%parallel_loop3A_322, %parallel_loop3A_323, %parallel_loop3A_324] {strides = array<i32>} : memref<100x2x128xf32, #tpu.memory_space<vmem>>, vector<16xf32>,
        tpu.vector_store %arg11[%parallel_loop3A_322, %parallel_loop3A_323, %parallel_loop3A_324], %parallel_loop3A_315 {strides = array<i32>} : memref<100x2x128xf32, #tpu.memory_space<vmem>>, vector<16xf32>,
        %parallel_loop3A_326 = arith.index_cast %parallel_loop3A_243 : i32 to index
        %parallel_loop3A_327 = arith.index_cast %parallel_loop3A_245 : i32 to index
        %parallel_loop3A_328 = arith.constant 80 : index
        %parallel_loop3A_329 = tpu.vector_load %arg8[%parallel_loop3A_326, %parallel_loop3A_327, %parallel_loop3A_328] {strides = array<i32>} : memref<25x8x128xi32, #tpu.memory_space<vmem>>, vector<16xi32>,
        %parallel_loop3A_330 = tpu.vector_load_idx %arg6[%parallel_loop3A_329] : memref<16xf32, #tpu.memory_space<vmem>>[vector<16xi32>], vector<16xf32>,
        %parallel_loop3A_331 = tpu.vector_load_idx %arg7[%parallel_loop3A_329] : memref<16xf32, #tpu.memory_space<vmem>>[vector<16xi32>], vector<16xf32>,
        %parallel_loop3A_332 = arith.constant 0 : i32
        %parallel_loop3A_333 = arith.index_cast %parallel_loop3A_239 : i32 to index
        %parallel_loop3A_334 = arith.index_cast %parallel_loop3A_332 : i32 to index
        %parallel_loop3A_335 = arith.constant 80 : index
        %parallel_loop3A_336 = tpu.vector_load %arg11[%parallel_loop3A_333, %parallel_loop3A_334, %parallel_loop3A_335] {strides = array<i32>} : memref<100x2x128xf32, #tpu.memory_space<vmem>>, vector<16xf32>,
        tpu.vector_store %arg11[%parallel_loop3A_333, %parallel_loop3A_334, %parallel_loop3A_335], %parallel_loop3A_330 {strides = array<i32>} : memref<100x2x128xf32, #tpu.memory_space<vmem>>, vector<16xf32>,
        %parallel_loop3A_337 = arith.constant 1 : i32
        %parallel_loop3A_338 = arith.index_cast %parallel_loop3A_239 : i32 to index
        %parallel_loop3A_339 = arith.index_cast %parallel_loop3A_337 : i32 to index
        %parallel_loop3A_340 = arith.constant 80 : index
        %parallel_loop3A_341 = tpu.vector_load %arg11[%parallel_loop3A_338, %parallel_loop3A_339, %parallel_loop3A_340] {strides = array<i32>} : memref<100x2x128xf32, #tpu.memory_space<vmem>>, vector<16xf32>,
        tpu.vector_store %arg11[%parallel_loop3A_338, %parallel_loop3A_339, %parallel_loop3A_340], %parallel_loop3A_331 {strides = array<i32>} : memref<100x2x128xf32, #tpu.memory_space<vmem>>, vector<16xf32>,
        %parallel_loop3A_342 = arith.index_cast %parallel_loop3A_243 : i32 to index
        %parallel_loop3A_343 = arith.index_cast %parallel_loop3A_245 : i32 to index
        %parallel_loop3A_344 = arith.constant 96 : index
        %parallel_loop3A_345 = tpu.vector_load %arg8[%parallel_loop3A_342, %parallel_loop3A_343, %parallel_loop3A_344] {strides = array<i32>} : memref<25x8x128xi32, #tpu.memory_space<vmem>>, vector<16xi32>,
        %parallel_loop3A_346 = tpu.vector_load_idx %arg6[%parallel_loop3A_345] : memref<16xf32, #tpu.memory_space<vmem>>[vector<16xi32>], vector<16xf32>,
        %parallel_loop3A_347 = tpu.vector_load_idx %arg7[%parallel_loop3A_345] : memref<16xf32, #tpu.memory_space<vmem>>[vector<16xi32>], vector<16xf32>,
        %parallel_loop3A_348 = arith.constant 0 : i32
        %parallel_loop3A_349 = arith.index_cast %parallel_loop3A_239 : i32 to index
        %parallel_loop3A_350 = arith.index_cast %parallel_loop3A_348 : i32 to index
        %parallel_loop3A_351 = arith.constant 96 : index
        %parallel_loop3A_352 = tpu.vector_load %arg11[%parallel_loop3A_349, %parallel_loop3A_350, %parallel_loop3A_351] {strides = array<i32>} : memref<100x2x128xf32, #tpu.memory_space<vmem>>, vector<16xf32>,
        tpu.vector_store %arg11[%parallel_loop3A_349, %parallel_loop3A_350, %parallel_loop3A_351], %parallel_loop3A_346 {strides = array<i32>} : memref<100x2x128xf32, #tpu.memory_space<vmem>>, vector<16xf32>,
        %parallel_loop3A_353 = arith.constant 1 : i32
        %parallel_loop3A_354 = arith.index_cast %parallel_loop3A_239 : i32 to index
        %parallel_loop3A_355 = arith.index_cast %parallel_loop3A_353 : i32 to index
        %parallel_loop3A_356 = arith.constant 96 : index
        %parallel_loop3A_357 = tpu.vector_load %arg11[%parallel_loop3A_354, %parallel_loop3A_355, %parallel_loop3A_356] {strides = array<i32>} : memref<100x2x128xf32, #tpu.memory_space<vmem>>, vector<16xf32>,
        tpu.vector_store %arg11[%parallel_loop3A_354, %parallel_loop3A_355, %parallel_loop3A_356], %parallel_loop3A_347 {strides = array<i32>} : memref<100x2x128xf32, #tpu.memory_space<vmem>>, vector<16xf32>,
        %parallel_loop3A_358 = arith.index_cast %parallel_loop3A_243 : i32 to index
        %parallel_loop3A_359 = arith.index_cast %parallel_loop3A_245 : i32 to index
        %parallel_loop3A_360 = arith.constant 112 : index
        %parallel_loop3A_361 = tpu.vector_load %arg8[%parallel_loop3A_358, %parallel_loop3A_359, %parallel_loop3A_360] {strides = array<i32>} : memref<25x8x128xi32, #tpu.memory_space<vmem>>, vector<16xi32>,
        %parallel_loop3A_362 = tpu.vector_load_idx %arg6[%parallel_loop3A_361] : memref<16xf32, #tpu.memory_space<vmem>>[vector<16xi32>], vector<16xf32>,
        %parallel_loop3A_363 = tpu.vector_load_idx %arg7[%parallel_loop3A_361] : memref<16xf32, #tpu.memory_space<vmem>>[vector<16xi32>], vector<16xf32>,
        %parallel_loop3A_364 = arith.constant 0 : i32
        %parallel_loop3A_365 = arith.index_cast %parallel_loop3A_239 : i32 to index
        %parallel_loop3A_366 = arith.index_cast %parallel_loop3A_364 : i32 to index
        %parallel_loop3A_367 = arith.constant 112 : index
        %parallel_loop3A_368 = tpu.vector_load %arg11[%parallel_loop3A_365, %parallel_loop3A_366, %parallel_loop3A_367] {strides = array<i32>} : memref<100x2x128xf32, #tpu.memory_space<vmem>>, vector<16xf32>,
        tpu.vector_store %arg11[%parallel_loop3A_365, %parallel_loop3A_366, %parallel_loop3A_367], %parallel_loop3A_362 {strides = array<i32>} : memref<100x2x128xf32, #tpu.memory_space<vmem>>, vector<16xf32>,
        %parallel_loop3A_369 = arith.constant 1 : i32
        %parallel_loop3A_370 = arith.index_cast %parallel_loop3A_239 : i32 to index
        %parallel_loop3A_371 = arith.index_cast %parallel_loop3A_369 : i32 to index
        %parallel_loop3A_372 = arith.constant 112 : index
        %parallel_loop3A_373 = tpu.vector_load %arg11[%parallel_loop3A_370, %parallel_loop3A_371, %parallel_loop3A_372] {strides = array<i32>} : memref<100x2x128xf32, #tpu.memory_space<vmem>>, vector<16xf32>,
        tpu.vector_store %arg11[%parallel_loop3A_370, %parallel_loop3A_371, %parallel_loop3A_372], %parallel_loop3A_363 {strides = array<i32>} : memref<100x2x128xf32, #tpu.memory_space<vmem>>, vector<16xf32>,
      } {sc.loop_unroll_factor = 2 : i64, sc.parallel_access}
      %mul3A_135 = arith.constant 32 : i32
      %mul3A_136 = arith.muli %add3A_96, %mul3A_135 : i32
      %add3A_137 = arith.addi %add3A, %mul3A_136 : i32
      %dma_start3A_138 = arith.constant 100 : i32
      %dma_start3A_139 = arith.constant 0 : i32
      %dma_start3A_140 = arith.constant 0 : i32
      %dma_start3A_141 = tpu.memref_slice %arg4[%dma_start3A_138, %add3A_137, %dma_start3A_139, %dma_start3A_140] : memref<200x128x2x128xf32, #tpu.memory_space<hbm>> -> memref<100x1x2x128xf32, #tpu.memory_space<hbm>>
      %dma_start3A_142 = tpu.memref_squeeze %dma_start3A_141 : memref<100x1x2x128xf32, #tpu.memory_space<hbm>> -> memref<100x2x128xf32, #tpu.memory_space<hbm>>
      %dma_start3A_143 = arith.constant 100 : i32
      %dma_start3A_144 = arith.constant 0 : i32
      %dma_start3A_145 = arith.constant 0 : i32
      %dma_start3A_146 = tpu.memref_slice %arg4[%dma_start3A_143, %add3A_137, %dma_start3A_144, %dma_start3A_145] : memref<200x128x2x128xf32, #tpu.memory_space<hbm>> -> memref<100x1x2x128xf32, #tpu.memory_space<hbm>>
      %dma_start3A_147 = tpu.memref_squeeze %dma_start3A_146 : memref<100x1x2x128xf32, #tpu.memory_space<hbm>> -> memref<100x2x128xf32, #tpu.memory_space<hbm>>
      tpu.enqueue_dma source(%arg11 : memref<100x2x128xf32, #tpu.memory_space<vmem>>) target(%dma_start3A_147 : memref<100x2x128xf32, #tpu.memory_space<hbm>>) target_semaphore(%arg15 : memref<!tpu.dma_semaphore, #tpu.memory_space<semaphore_mem>>)
      %add3A_148 = arith.constant 1 : i32
      %add3A_149 = arith.addi %scan3A_92, %add3A_148 : i32
      %lt3A = arith.constant 2 : i32
      %lt3A_150 = arith.cmpi slt, %add3A_149, %lt3A : i32
      %convert_element_type3A_151 = arith.extui %lt3A_150 : i1 to i32
      %cond3A_152 = arith.constant 0 : i32
      %cond3A_153 = arith.cmpi ne, %convert_element_type3A_151, %cond3A_152 : i32
      scf.if %cond3A_153 {
        %add3A_239 = arith.constant 2 : i32
        %add3A_240 = arith.addi %add3A_96, %add3A_239 : i32
        %mul3A_241 = arith.constant 32 : i32
        %mul3A_242 = arith.muli %add3A_240, %mul3A_241 : i32
        %add3A_243 = arith.addi %add3A, %mul3A_242 : i32
        %dma_start3A_244 = arith.constant 0 : i32
        %dma_start3A_245 = arith.constant 0 : i32
        %dma_start3A_246 = arith.constant 0 : i32
        %dma_start3A_247 = tpu.memref_slice %arg2[%dma_start3A_244, %add3A_243, %dma_start3A_245, %dma_start3A_246] : memref<25x128x8x128xi32, #tpu.memory_space<hbm>> -> memref<25x1x8x128xi32, #tpu.memory_space<hbm>>
        %dma_start3A_248 = tpu.memref_squeeze %dma_start3A_247 : memref<25x1x8x128xi32, #tpu.memory_space<hbm>> -> memref<25x8x128xi32, #tpu.memory_space<hbm>>
        %dma_start3A_249 = arith.constant 0 : i32
        %dma_start3A_250 = arith.constant 0 : i32
        %dma_start3A_251 = arith.constant 0 : i32
        %dma_start3A_252 = tpu.memref_slice %arg2[%dma_start3A_249, %add3A_243, %dma_start3A_250, %dma_start3A_251] : memref<25x128x8x128xi32, #tpu.memory_space<hbm>> -> memref<25x1x8x128xi32, #tpu.memory_space<hbm>>
        %dma_start3A_253 = tpu.memref_squeeze %dma_start3A_252 : memref<25x1x8x128xi32, #tpu.memory_space<hbm>> -> memref<25x8x128xi32, #tpu.memory_space<hbm>>
        tpu.enqueue_dma source(%dma_start3A_253 : memref<25x8x128xi32, #tpu.memory_space<hbm>>) target(%arg8 : memref<25x8x128xi32, #tpu.memory_space<vmem>>) target_semaphore(%arg12 : memref<!tpu.dma_semaphore, #tpu.memory_space<semaphore_mem>>)
      } else {
      }
      %mul3A_154 = arith.constant 2 : i32
      %mul3A_155 = arith.muli %mul3A_154, %scan3A_92 : i32
      %add3A_156 = arith.constant 1 : i32
      %add3A_157 = arith.addi %mul3A_155, %add3A_156 : i32
      %mul3A_158 = arith.constant 32 : i32
      %mul3A_159 = arith.muli %add3A_157, %mul3A_158 : i32
      %add3A_160 = arith.addi %add3A, %mul3A_159 : i32
      %dma_wait3A_161 = arith.constant 0 : i32
      %dma_wait3A_162 = arith.constant 0 : i32
      %dma_wait3A_163 = arith.constant 0 : i32
      %dma_wait3A_164 = tpu.memref_slice %arg2[%dma_wait3A_161, %add3A_160, %dma_wait3A_162, %dma_wait3A_163] : memref<25x128x8x128xi32, #tpu.memory_space<hbm>> -> memref<25x1x8x128xi32, #tpu.memory_space<hbm>>
      %dma_wait3A_165 = tpu.memref_squeeze %dma_wait3A_164 : memref<25x1x8x128xi32, #tpu.memory_space<hbm>> -> memref<25x8x128xi32, #tpu.memory_space<hbm>>
      %dma_wait3A_166 = arith.constant 0 : i32
      %dma_wait3A_167 = arith.constant 0 : i32
      %dma_wait3A_168 = arith.constant 0 : i32
      %dma_wait3A_169 = tpu.memref_slice %arg2[%dma_wait3A_166, %add3A_160, %dma_wait3A_167, %dma_wait3A_168] : memref<25x128x8x128xi32, #tpu.memory_space<hbm>> -> memref<25x1x8x128xi32, #tpu.memory_space<hbm>>
      %dma_wait3A_170 = tpu.memref_squeeze %dma_wait3A_169 : memref<25x1x8x128xi32, #tpu.memory_space<hbm>> -> memref<25x8x128xi32, #tpu.memory_space<hbm>>
      tpu.wait_dma2 semaphore(%arg13 : memref<!tpu.dma_semaphore, #tpu.memory_space<semaphore_mem>>) src(%dma_wait3A_170 : memref<25x8x128xi32, #tpu.memory_space<hbm>>) dst(%arg9 : memref<25x8x128xi32, #tpu.memory_space<vmem>>)
      %sub3A = arith.constant 1 : i32
      %sub3A_171 = arith.subi %add3A_157, %sub3A : i32
      %mul3A_172 = arith.constant 32 : i32
      %mul3A_173 = arith.muli %sub3A_171, %mul3A_172 : i32
      %add3A_174 = arith.addi %add3A, %mul3A_173 : i32
      %dma_wait3A_175 = arith.constant 0 : i32
      %dma_wait3A_176 = arith.constant 0 : i32
      %dma_wait3A_177 = arith.constant 0 : i32
      %dma_wait3A_178 = tpu.memref_slice %arg4[%dma_wait3A_175, %add3A_174, %dma_wait3A_176, %dma_wait3A_177] : memref<200x128x2x128xf32, #tpu.memory_space<hbm>> -> memref<100x1x2x128xf32, #tpu.memory_space<hbm>>
      %dma_wait3A_179 = tpu.memref_squeeze %dma_wait3A_178 : memref<100x1x2x128xf32, #tpu.memory_space<hbm>> -> memref<100x2x128xf32, #tpu.memory_space<hbm>>
      %dma_wait3A_180 = arith.constant 0 : i32
      %dma_wait3A_181 = arith.constant 0 : i32
      %dma_wait3A_182 = arith.constant 0 : i32
      %dma_wait3A_183 = tpu.memref_slice %arg4[%dma_wait3A_180, %add3A_174, %dma_wait3A_181, %dma_wait3A_182] : memref<200x128x2x128xf32, #tpu.memory_space<hbm>> -> memref<100x1x2x128xf32, #tpu.memory_space<hbm>>
      %dma_wait3A_184 = tpu.memref_squeeze %dma_wait3A_183 : memref<100x1x2x128xf32, #tpu.memory_space<hbm>> -> memref<100x2x128xf32, #tpu.memory_space<hbm>>
      tpu.wait_dma2 semaphore(%arg14 : memref<!tpu.dma_semaphore, #tpu.memory_space<semaphore_mem>>) src(%arg10 : memref<100x2x128xf32, #tpu.memory_space<vmem>>) dst(%dma_wait3A_184 : memref<100x2x128xf32, #tpu.memory_space<hbm>>)
      %parallel_loop3A_185 = arith.constant 0 : i32
      %parallel_loop3A_186 = arith.constant 100 : i32
      %parallel_loop3A_187 = arith.constant 1 : i32
      scf.for %parallel_loop3A_239 = %parallel_loop3A_185 to %parallel_loop3A_186 step %parallel_loop3A_187  : i32 {
        %parallel_loop3A_240 = arith.constant 0 : i32
        %parallel_loop3A_241 = arith.addi %parallel_loop3A_239, %parallel_loop3A_240 : i32
        %parallel_loop3A_242 = arith.constant 3 : i32
        %parallel_loop3A_243 = arith.shrsi %parallel_loop3A_241, %parallel_loop3A_242 : i32
        %parallel_loop3A_244 = arith.constant 7 : i32
        %parallel_loop3A_245 = arith.andi %parallel_loop3A_241, %parallel_loop3A_244 : i32
        %parallel_loop3A_246 = arith.index_cast %parallel_loop3A_243 : i32 to index
        %parallel_loop3A_247 = arith.index_cast %parallel_loop3A_245 : i32 to index
        %parallel_loop3A_248 = arith.constant 0 : index
        %parallel_loop3A_249 = tpu.vector_load %arg9[%parallel_loop3A_246, %parallel_loop3A_247, %parallel_loop3A_248] {strides = array<i32>} : memref<25x8x128xi32, #tpu.memory_space<vmem>>, vector<16xi32>,
        %parallel_loop3A_250 = tpu.vector_load_idx %arg6[%parallel_loop3A_249] : memref<16xf32, #tpu.memory_space<vmem>>[vector<16xi32>], vector<16xf32>,
        %parallel_loop3A_251 = tpu.vector_load_idx %arg7[%parallel_loop3A_249] : memref<16xf32, #tpu.memory_space<vmem>>[vector<16xi32>], vector<16xf32>,
        %parallel_loop3A_252 = arith.constant 0 : i32
        %parallel_loop3A_253 = arith.index_cast %parallel_loop3A_239 : i32 to index
        %parallel_loop3A_254 = arith.index_cast %parallel_loop3A_252 : i32 to index
        %parallel_loop3A_255 = arith.constant 0 : index
        %parallel_loop3A_256 = tpu.vector_load %arg10[%parallel_loop3A_253, %parallel_loop3A_254, %parallel_loop3A_255] {strides = array<i32>} : memref<100x2x128xf32, #tpu.memory_space<vmem>>, vector<16xf32>,
        tpu.vector_store %arg10[%parallel_loop3A_253, %parallel_loop3A_254, %parallel_loop3A_255], %parallel_loop3A_250 {strides = array<i32>} : memref<100x2x128xf32, #tpu.memory_space<vmem>>, vector<16xf32>,
        %parallel_loop3A_257 = arith.constant 1 : i32
        %parallel_loop3A_258 = arith.index_cast %parallel_loop3A_239 : i32 to index
        %parallel_loop3A_259 = arith.index_cast %parallel_loop3A_257 : i32 to index
        %parallel_loop3A_260 = arith.constant 0 : index
        %parallel_loop3A_261 = tpu.vector_load %arg10[%parallel_loop3A_258, %parallel_loop3A_259, %parallel_loop3A_260] {strides = array<i32>} : memref<100x2x128xf32, #tpu.memory_space<vmem>>, vector<16xf32>,
        tpu.vector_store %arg10[%parallel_loop3A_258, %parallel_loop3A_259, %parallel_loop3A_260], %parallel_loop3A_251 {strides = array<i32>} : memref<100x2x128xf32, #tpu.memory_space<vmem>>, vector<16xf32>,
        %parallel_loop3A_262 = arith.index_cast %parallel_loop3A_243 : i32 to index
        %parallel_loop3A_263 = arith.index_cast %parallel_loop3A_245 : i32 to index
        %parallel_loop3A_264 = arith.constant 16 : index
        %parallel_loop3A_265 = tpu.vector_load %arg9[%parallel_loop3A_262, %parallel_loop3A_263, %parallel_loop3A_264] {strides = array<i32>} : memref<25x8x128xi32, #tpu.memory_space<vmem>>, vector<16xi32>,
        %parallel_loop3A_266 = tpu.vector_load_idx %arg6[%parallel_loop3A_265] : memref<16xf32, #tpu.memory_space<vmem>>[vector<16xi32>], vector<16xf32>,
        %parallel_loop3A_267 = tpu.vector_load_idx %arg7[%parallel_loop3A_265] : memref<16xf32, #tpu.memory_space<vmem>>[vector<16xi32>], vector<16xf32>,
        %parallel_loop3A_268 = arith.constant 0 : i32
        %parallel_loop3A_269 = arith.index_cast %parallel_loop3A_239 : i32 to index
        %parallel_loop3A_270 = arith.index_cast %parallel_loop3A_268 : i32 to index
        %parallel_loop3A_271 = arith.constant 16 : index
        %parallel_loop3A_272 = tpu.vector_load %arg10[%parallel_loop3A_269, %parallel_loop3A_270, %parallel_loop3A_271] {strides = array<i32>} : memref<100x2x128xf32, #tpu.memory_space<vmem>>, vector<16xf32>,
        tpu.vector_store %arg10[%parallel_loop3A_269, %parallel_loop3A_270, %parallel_loop3A_271], %parallel_loop3A_266 {strides = array<i32>} : memref<100x2x128xf32, #tpu.memory_space<vmem>>, vector<16xf32>,
        %parallel_loop3A_273 = arith.constant 1 : i32
        %parallel_loop3A_274 = arith.index_cast %parallel_loop3A_239 : i32 to index
        %parallel_loop3A_275 = arith.index_cast %parallel_loop3A_273 : i32 to index
        %parallel_loop3A_276 = arith.constant 16 : index
        %parallel_loop3A_277 = tpu.vector_load %arg10[%parallel_loop3A_274, %parallel_loop3A_275, %parallel_loop3A_276] {strides = array<i32>} : memref<100x2x128xf32, #tpu.memory_space<vmem>>, vector<16xf32>,
        tpu.vector_store %arg10[%parallel_loop3A_274, %parallel_loop3A_275, %parallel_loop3A_276], %parallel_loop3A_267 {strides = array<i32>} : memref<100x2x128xf32, #tpu.memory_space<vmem>>, vector<16xf32>,
        %parallel_loop3A_278 = arith.index_cast %parallel_loop3A_243 : i32 to index
        %parallel_loop3A_279 = arith.index_cast %parallel_loop3A_245 : i32 to index
        %parallel_loop3A_280 = arith.constant 32 : index
        %parallel_loop3A_281 = tpu.vector_load %arg9[%parallel_loop3A_278, %parallel_loop3A_279, %parallel_loop3A_280] {strides = array<i32>} : memref<25x8x128xi32, #tpu.memory_space<vmem>>, vector<16xi32>,
        %parallel_loop3A_282 = tpu.vector_load_idx %arg6[%parallel_loop3A_281] : memref<16xf32, #tpu.memory_space<vmem>>[vector<16xi32>], vector<16xf32>,
        %parallel_loop3A_283 = tpu.vector_load_idx %arg7[%parallel_loop3A_281] : memref<16xf32, #tpu.memory_space<vmem>>[vector<16xi32>], vector<16xf32>,
        %parallel_loop3A_284 = arith.constant 0 : i32
        %parallel_loop3A_285 = arith.index_cast %parallel_loop3A_239 : i32 to index
        %parallel_loop3A_286 = arith.index_cast %parallel_loop3A_284 : i32 to index
        %parallel_loop3A_287 = arith.constant 32 : index
        %parallel_loop3A_288 = tpu.vector_load %arg10[%parallel_loop3A_285, %parallel_loop3A_286, %parallel_loop3A_287] {strides = array<i32>} : memref<100x2x128xf32, #tpu.memory_space<vmem>>, vector<16xf32>,
        tpu.vector_store %arg10[%parallel_loop3A_285, %parallel_loop3A_286, %parallel_loop3A_287], %parallel_loop3A_282 {strides = array<i32>} : memref<100x2x128xf32, #tpu.memory_space<vmem>>, vector<16xf32>,
        %parallel_loop3A_289 = arith.constant 1 : i32
        %parallel_loop3A_290 = arith.index_cast %parallel_loop3A_239 : i32 to index
        %parallel_loop3A_291 = arith.index_cast %parallel_loop3A_289 : i32 to index
        %parallel_loop3A_292 = arith.constant 32 : index
        %parallel_loop3A_293 = tpu.vector_load %arg10[%parallel_loop3A_290, %parallel_loop3A_291, %parallel_loop3A_292] {strides = array<i32>} : memref<100x2x128xf32, #tpu.memory_space<vmem>>, vector<16xf32>,
        tpu.vector_store %arg10[%parallel_loop3A_290, %parallel_loop3A_291, %parallel_loop3A_292], %parallel_loop3A_283 {strides = array<i32>} : memref<100x2x128xf32, #tpu.memory_space<vmem>>, vector<16xf32>,
        %parallel_loop3A_294 = arith.index_cast %parallel_loop3A_243 : i32 to index
        %parallel_loop3A_295 = arith.index_cast %parallel_loop3A_245 : i32 to index
        %parallel_loop3A_296 = arith.constant 48 : index
        %parallel_loop3A_297 = tpu.vector_load %arg9[%parallel_loop3A_294, %parallel_loop3A_295, %parallel_loop3A_296] {strides = array<i32>} : memref<25x8x128xi32, #tpu.memory_space<vmem>>, vector<16xi32>,
        %parallel_loop3A_298 = tpu.vector_load_idx %arg6[%parallel_loop3A_297] : memref<16xf32, #tpu.memory_space<vmem>>[vector<16xi32>], vector<16xf32>,
        %parallel_loop3A_299 = tpu.vector_load_idx %arg7[%parallel_loop3A_297] : memref<16xf32, #tpu.memory_space<vmem>>[vector<16xi32>], vector<16xf32>,
        %parallel_loop3A_300 = arith.constant 0 : i32
        %parallel_loop3A_301 = arith.index_cast %parallel_loop3A_239 : i32 to index
        %parallel_loop3A_302 = arith.index_cast %parallel_loop3A_300 : i32 to index
        %parallel_loop3A_303 = arith.constant 48 : index
        %parallel_loop3A_304 = tpu.vector_load %arg10[%parallel_loop3A_301, %parallel_loop3A_302, %parallel_loop3A_303] {strides = array<i32>} : memref<100x2x128xf32, #tpu.memory_space<vmem>>, vector<16xf32>,
        tpu.vector_store %arg10[%parallel_loop3A_301, %parallel_loop3A_302, %parallel_loop3A_303], %parallel_loop3A_298 {strides = array<i32>} : memref<100x2x128xf32, #tpu.memory_space<vmem>>, vector<16xf32>,
        %parallel_loop3A_305 = arith.constant 1 : i32
        %parallel_loop3A_306 = arith.index_cast %parallel_loop3A_239 : i32 to index
        %parallel_loop3A_307 = arith.index_cast %parallel_loop3A_305 : i32 to index
        %parallel_loop3A_308 = arith.constant 48 : index
        %parallel_loop3A_309 = tpu.vector_load %arg10[%parallel_loop3A_306, %parallel_loop3A_307, %parallel_loop3A_308] {strides = array<i32>} : memref<100x2x128xf32, #tpu.memory_space<vmem>>, vector<16xf32>,
        tpu.vector_store %arg10[%parallel_loop3A_306, %parallel_loop3A_307, %parallel_loop3A_308], %parallel_loop3A_299 {strides = array<i32>} : memref<100x2x128xf32, #tpu.memory_space<vmem>>, vector<16xf32>,
        %parallel_loop3A_310 = arith.index_cast %parallel_loop3A_243 : i32 to index
        %parallel_loop3A_311 = arith.index_cast %parallel_loop3A_245 : i32 to index
        %parallel_loop3A_312 = arith.constant 64 : index
        %parallel_loop3A_313 = tpu.vector_load %arg9[%parallel_loop3A_310, %parallel_loop3A_311, %parallel_loop3A_312] {strides = array<i32>} : memref<25x8x128xi32, #tpu.memory_space<vmem>>, vector<16xi32>,
        %parallel_loop3A_314 = tpu.vector_load_idx %arg6[%parallel_loop3A_313] : memref<16xf32, #tpu.memory_space<vmem>>[vector<16xi32>], vector<16xf32>,
        %parallel_loop3A_315 = tpu.vector_load_idx %arg7[%parallel_loop3A_313] : memref<16xf32, #tpu.memory_space<vmem>>[vector<16xi32>], vector<16xf32>,
        %parallel_loop3A_316 = arith.constant 0 : i32
        %parallel_loop3A_317 = arith.index_cast %parallel_loop3A_239 : i32 to index
        %parallel_loop3A_318 = arith.index_cast %parallel_loop3A_316 : i32 to index
        %parallel_loop3A_319 = arith.constant 64 : index
        %parallel_loop3A_320 = tpu.vector_load %arg10[%parallel_loop3A_317, %parallel_loop3A_318, %parallel_loop3A_319] {strides = array<i32>} : memref<100x2x128xf32, #tpu.memory_space<vmem>>, vector<16xf32>,
        tpu.vector_store %arg10[%parallel_loop3A_317, %parallel_loop3A_318, %parallel_loop3A_319], %parallel_loop3A_314 {strides = array<i32>} : memref<100x2x128xf32, #tpu.memory_space<vmem>>, vector<16xf32>,
        %parallel_loop3A_321 = arith.constant 1 : i32
        %parallel_loop3A_322 = arith.index_cast %parallel_loop3A_239 : i32 to index
        %parallel_loop3A_323 = arith.index_cast %parallel_loop3A_321 : i32 to index
        %parallel_loop3A_324 = arith.constant 64 : index
        %parallel_loop3A_325 = tpu.vector_load %arg10[%parallel_loop3A_322, %parallel_loop3A_323, %parallel_loop3A_324] {strides = array<i32>} : memref<100x2x128xf32, #tpu.memory_space<vmem>>, vector<16xf32>,
        tpu.vector_store %arg10[%parallel_loop3A_322, %parallel_loop3A_323, %parallel_loop3A_324], %parallel_loop3A_315 {strides = array<i32>} : memref<100x2x128xf32, #tpu.memory_space<vmem>>, vector<16xf32>,
        %parallel_loop3A_326 = arith.index_cast %parallel_loop3A_243 : i32 to index
        %parallel_loop3A_327 = arith.index_cast %parallel_loop3A_245 : i32 to index
        %parallel_loop3A_328 = arith.constant 80 : index
        %parallel_loop3A_329 = tpu.vector_load %arg9[%parallel_loop3A_326, %parallel_loop3A_327, %parallel_loop3A_328] {strides = array<i32>} : memref<25x8x128xi32, #tpu.memory_space<vmem>>, vector<16xi32>,
        %parallel_loop3A_330 = tpu.vector_load_idx %arg6[%parallel_loop3A_329] : memref<16xf32, #tpu.memory_space<vmem>>[vector<16xi32>], vector<16xf32>,
        %parallel_loop3A_331 = tpu.vector_load_idx %arg7[%parallel_loop3A_329] : memref<16xf32, #tpu.memory_space<vmem>>[vector<16xi32>], vector<16xf32>,
        %parallel_loop3A_332 = arith.constant 0 : i32
        %parallel_loop3A_333 = arith.index_cast %parallel_loop3A_239 : i32 to index
        %parallel_loop3A_334 = arith.index_cast %parallel_loop3A_332 : i32 to index
        %parallel_loop3A_335 = arith.constant 80 : index
        %parallel_loop3A_336 = tpu.vector_load %arg10[%parallel_loop3A_333, %parallel_loop3A_334, %parallel_loop3A_335] {strides = array<i32>} : memref<100x2x128xf32, #tpu.memory_space<vmem>>, vector<16xf32>,
        tpu.vector_store %arg10[%parallel_loop3A_333, %parallel_loop3A_334, %parallel_loop3A_335], %parallel_loop3A_330 {strides = array<i32>} : memref<100x2x128xf32, #tpu.memory_space<vmem>>, vector<16xf32>,
        %parallel_loop3A_337 = arith.constant 1 : i32
        %parallel_loop3A_338 = arith.index_cast %parallel_loop3A_239 : i32 to index
        %parallel_loop3A_339 = arith.index_cast %parallel_loop3A_337 : i32 to index
        %parallel_loop3A_340 = arith.constant 80 : index
        %parallel_loop3A_341 = tpu.vector_load %arg10[%parallel_loop3A_338, %parallel_loop3A_339, %parallel_loop3A_340] {strides = array<i32>} : memref<100x2x128xf32, #tpu.memory_space<vmem>>, vector<16xf32>,
        tpu.vector_store %arg10[%parallel_loop3A_338, %parallel_loop3A_339, %parallel_loop3A_340], %parallel_loop3A_331 {strides = array<i32>} : memref<100x2x128xf32, #tpu.memory_space<vmem>>, vector<16xf32>,
        %parallel_loop3A_342 = arith.index_cast %parallel_loop3A_243 : i32 to index
        %parallel_loop3A_343 = arith.index_cast %parallel_loop3A_245 : i32 to index
        %parallel_loop3A_344 = arith.constant 96 : index
        %parallel_loop3A_345 = tpu.vector_load %arg9[%parallel_loop3A_342, %parallel_loop3A_343, %parallel_loop3A_344] {strides = array<i32>} : memref<25x8x128xi32, #tpu.memory_space<vmem>>, vector<16xi32>,
        %parallel_loop3A_346 = tpu.vector_load_idx %arg6[%parallel_loop3A_345] : memref<16xf32, #tpu.memory_space<vmem>>[vector<16xi32>], vector<16xf32>,
        %parallel_loop3A_347 = tpu.vector_load_idx %arg7[%parallel_loop3A_345] : memref<16xf32, #tpu.memory_space<vmem>>[vector<16xi32>], vector<16xf32>,
        %parallel_loop3A_348 = arith.constant 0 : i32
        %parallel_loop3A_349 = arith.index_cast %parallel_loop3A_239 : i32 to index
        %parallel_loop3A_350 = arith.index_cast %parallel_loop3A_348 : i32 to index
        %parallel_loop3A_351 = arith.constant 96 : index
        %parallel_loop3A_352 = tpu.vector_load %arg10[%parallel_loop3A_349, %parallel_loop3A_350, %parallel_loop3A_351] {strides = array<i32>} : memref<100x2x128xf32, #tpu.memory_space<vmem>>, vector<16xf32>,
        tpu.vector_store %arg10[%parallel_loop3A_349, %parallel_loop3A_350, %parallel_loop3A_351], %parallel_loop3A_346 {strides = array<i32>} : memref<100x2x128xf32, #tpu.memory_space<vmem>>, vector<16xf32>,
        %parallel_loop3A_353 = arith.constant 1 : i32
        %parallel_loop3A_354 = arith.index_cast %parallel_loop3A_239 : i32 to index
        %parallel_loop3A_355 = arith.index_cast %parallel_loop3A_353 : i32 to index
        %parallel_loop3A_356 = arith.constant 96 : index
        %parallel_loop3A_357 = tpu.vector_load %arg10[%parallel_loop3A_354, %parallel_loop3A_355, %parallel_loop3A_356] {strides = array<i32>} : memref<100x2x128xf32, #tpu.memory_space<vmem>>, vector<16xf32>,
        tpu.vector_store %arg10[%parallel_loop3A_354, %parallel_loop3A_355, %parallel_loop3A_356], %parallel_loop3A_347 {strides = array<i32>} : memref<100x2x128xf32, #tpu.memory_space<vmem>>, vector<16xf32>,
        %parallel_loop3A_358 = arith.index_cast %parallel_loop3A_243 : i32 to index
        %parallel_loop3A_359 = arith.index_cast %parallel_loop3A_245 : i32 to index
        %parallel_loop3A_360 = arith.constant 112 : index
        %parallel_loop3A_361 = tpu.vector_load %arg9[%parallel_loop3A_358, %parallel_loop3A_359, %parallel_loop3A_360] {strides = array<i32>} : memref<25x8x128xi32, #tpu.memory_space<vmem>>, vector<16xi32>,
        %parallel_loop3A_362 = tpu.vector_load_idx %arg6[%parallel_loop3A_361] : memref<16xf32, #tpu.memory_space<vmem>>[vector<16xi32>], vector<16xf32>,
        %parallel_loop3A_363 = tpu.vector_load_idx %arg7[%parallel_loop3A_361] : memref<16xf32, #tpu.memory_space<vmem>>[vector<16xi32>], vector<16xf32>,
        %parallel_loop3A_364 = arith.constant 0 : i32
        %parallel_loop3A_365 = arith.index_cast %parallel_loop3A_239 : i32 to index
        %parallel_loop3A_366 = arith.index_cast %parallel_loop3A_364 : i32 to index
        %parallel_loop3A_367 = arith.constant 112 : index
        %parallel_loop3A_368 = tpu.vector_load %arg10[%parallel_loop3A_365, %parallel_loop3A_366, %parallel_loop3A_367] {strides = array<i32>} : memref<100x2x128xf32, #tpu.memory_space<vmem>>, vector<16xf32>,
        tpu.vector_store %arg10[%parallel_loop3A_365, %parallel_loop3A_366, %parallel_loop3A_367], %parallel_loop3A_362 {strides = array<i32>} : memref<100x2x128xf32, #tpu.memory_space<vmem>>, vector<16xf32>,
        %parallel_loop3A_369 = arith.constant 1 : i32
        %parallel_loop3A_370 = arith.index_cast %parallel_loop3A_239 : i32 to index
        %parallel_loop3A_371 = arith.index_cast %parallel_loop3A_369 : i32 to index
        %parallel_loop3A_372 = arith.constant 112 : index
        %parallel_loop3A_373 = tpu.vector_load %arg10[%parallel_loop3A_370, %parallel_loop3A_371, %parallel_loop3A_372] {strides = array<i32>} : memref<100x2x128xf32, #tpu.memory_space<vmem>>, vector<16xf32>,
        tpu.vector_store %arg10[%parallel_loop3A_370, %parallel_loop3A_371, %parallel_loop3A_372], %parallel_loop3A_363 {strides = array<i32>} : memref<100x2x128xf32, #tpu.memory_space<vmem>>, vector<16xf32>,
      } {sc.loop_unroll_factor = 2 : i64, sc.parallel_access}
      %mul3A_188 = arith.constant 32 : i32
      %mul3A_189 = arith.muli %add3A_157, %mul3A_188 : i32
      %add3A_190 = arith.addi %add3A, %mul3A_189 : i32
      %dma_start3A_191 = arith.constant 0 : i32
      %dma_start3A_192 = arith.constant 0 : i32
      %dma_start3A_193 = arith.constant 0 : i32
      %dma_start3A_194 = tpu.memref_slice %arg4[%dma_start3A_191, %add3A_190, %dma_start3A_192, %dma_start3A_193] : memref<200x128x2x128xf32, #tpu.memory_space<hbm>> -> memref<100x1x2x128xf32, #tpu.memory_space<hbm>>
      %dma_start3A_195 = tpu.memref_squeeze %dma_start3A_194 : memref<100x1x2x128xf32, #tpu.memory_space<hbm>> -> memref<100x2x128xf32, #tpu.memory_space<hbm>>
      %dma_start3A_196 = arith.constant 0 : i32
      %dma_start3A_197 = arith.constant 0 : i32
      %dma_start3A_198 = arith.constant 0 : i32
      %dma_start3A_199 = tpu.memref_slice %arg4[%dma_start3A_196, %add3A_190, %dma_start3A_197, %dma_start3A_198] : memref<200x128x2x128xf32, #tpu.memory_space<hbm>> -> memref<100x1x2x128xf32, #tpu.memory_space<hbm>>
      %dma_start3A_200 = tpu.memref_squeeze %dma_start3A_199 : memref<100x1x2x128xf32, #tpu.memory_space<hbm>> -> memref<100x2x128xf32, #tpu.memory_space<hbm>>
      tpu.enqueue_dma source(%arg10 : memref<100x2x128xf32, #tpu.memory_space<vmem>>) target(%dma_start3A_200 : memref<100x2x128xf32, #tpu.memory_space<hbm>>) target_semaphore(%arg14 : memref<!tpu.dma_semaphore, #tpu.memory_space<semaphore_mem>>)
      %sub3A_201 = arith.constant 1 : i32
      %sub3A_202 = arith.subi %add3A_157, %sub3A_201 : i32
      %mul3A_203 = arith.constant 32 : i32
      %mul3A_204 = arith.muli %sub3A_202, %mul3A_203 : i32
      %add3A_205 = arith.addi %add3A, %mul3A_204 : i32
      %dma_wait3A_206 = arith.constant 100 : i32
      %dma_wait3A_207 = arith.constant 0 : i32
      %dma_wait3A_208 = arith.constant 0 : i32
      %dma_wait3A_209 = tpu.memref_slice %arg4[%dma_wait3A_206, %add3A_205, %dma_wait3A_207, %dma_wait3A_208] : memref<200x128x2x128xf32, #tpu.memory_space<hbm>> -> memref<100x1x2x128xf32, #tpu.memory_space<hbm>>
      %dma_wait3A_210 = tpu.memref_squeeze %dma_wait3A_209 : memref<100x1x2x128xf32, #tpu.memory_space<hbm>> -> memref<100x2x128xf32, #tpu.memory_space<hbm>>
      %dma_wait3A_211 = arith.constant 100 : i32
      %dma_wait3A_212 = arith.constant 0 : i32
      %dma_wait3A_213 = arith.constant 0 : i32
      %dma_wait3A_214 = tpu.memref_slice %arg4[%dma_wait3A_211, %add3A_205, %dma_wait3A_212, %dma_wait3A_213] : memref<200x128x2x128xf32, #tpu.memory_space<hbm>> -> memref<100x1x2x128xf32, #tpu.memory_space<hbm>>
      %dma_wait3A_215 = tpu.memref_squeeze %dma_wait3A_214 : memref<100x1x2x128xf32, #tpu.memory_space<hbm>> -> memref<100x2x128xf32, #tpu.memory_space<hbm>>
      tpu.wait_dma2 semaphore(%arg15 : memref<!tpu.dma_semaphore, #tpu.memory_space<semaphore_mem>>) src(%arg11 : memref<100x2x128xf32, #tpu.memory_space<vmem>>) dst(%dma_wait3A_215 : memref<100x2x128xf32, #tpu.memory_space<hbm>>)
      %parallel_loop3A_216 = arith.constant 0 : i32
      %parallel_loop3A_217 = arith.constant 100 : i32
      %parallel_loop3A_218 = arith.constant 1 : i32
      scf.for %parallel_loop3A_239 = %parallel_loop3A_216 to %parallel_loop3A_217 step %parallel_loop3A_218  : i32 {
        %parallel_loop3A_240 = arith.constant 100 : i32
        %parallel_loop3A_241 = arith.addi %parallel_loop3A_239, %parallel_loop3A_240 : i32
        %parallel_loop3A_242 = arith.constant 3 : i32
        %parallel_loop3A_243 = arith.shrsi %parallel_loop3A_241, %parallel_loop3A_242 : i32
        %parallel_loop3A_244 = arith.constant 7 : i32
        %parallel_loop3A_245 = arith.andi %parallel_loop3A_241, %parallel_loop3A_244 : i32
        %parallel_loop3A_246 = arith.index_cast %parallel_loop3A_243 : i32 to index
        %parallel_loop3A_247 = arith.index_cast %parallel_loop3A_245 : i32 to index
        %parallel_loop3A_248 = arith.constant 0 : index
        %parallel_loop3A_249 = tpu.vector_load %arg9[%parallel_loop3A_246, %parallel_loop3A_247, %parallel_loop3A_248] {strides = array<i32>} : memref<25x8x128xi32, #tpu.memory_space<vmem>>, vector<16xi32>,
        %parallel_loop3A_250 = tpu.vector_load_idx %arg6[%parallel_loop3A_249] : memref<16xf32, #tpu.memory_space<vmem>>[vector<16xi32>], vector<16xf32>,
        %parallel_loop3A_251 = tpu.vector_load_idx %arg7[%parallel_loop3A_249] : memref<16xf32, #tpu.memory_space<vmem>>[vector<16xi32>], vector<16xf32>,
        %parallel_loop3A_252 = arith.constant 0 : i32
        %parallel_loop3A_253 = arith.index_cast %parallel_loop3A_239 : i32 to index
        %parallel_loop3A_254 = arith.index_cast %parallel_loop3A_252 : i32 to index
        %parallel_loop3A_255 = arith.constant 0 : index
        %parallel_loop3A_256 = tpu.vector_load %arg11[%parallel_loop3A_253, %parallel_loop3A_254, %parallel_loop3A_255] {strides = array<i32>} : memref<100x2x128xf32, #tpu.memory_space<vmem>>, vector<16xf32>,
        tpu.vector_store %arg11[%parallel_loop3A_253, %parallel_loop3A_254, %parallel_loop3A_255], %parallel_loop3A_250 {strides = array<i32>} : memref<100x2x128xf32, #tpu.memory_space<vmem>>, vector<16xf32>,
        %parallel_loop3A_257 = arith.constant 1 : i32
        %parallel_loop3A_258 = arith.index_cast %parallel_loop3A_239 : i32 to index
        %parallel_loop3A_259 = arith.index_cast %parallel_loop3A_257 : i32 to index
        %parallel_loop3A_260 = arith.constant 0 : index
        %parallel_loop3A_261 = tpu.vector_load %arg11[%parallel_loop3A_258, %parallel_loop3A_259, %parallel_loop3A_260] {strides = array<i32>} : memref<100x2x128xf32, #tpu.memory_space<vmem>>, vector<16xf32>,
        tpu.vector_store %arg11[%parallel_loop3A_258, %parallel_loop3A_259, %parallel_loop3A_260], %parallel_loop3A_251 {strides = array<i32>} : memref<100x2x128xf32, #tpu.memory_space<vmem>>, vector<16xf32>,
        %parallel_loop3A_262 = arith.index_cast %parallel_loop3A_243 : i32 to index
        %parallel_loop3A_263 = arith.index_cast %parallel_loop3A_245 : i32 to index
        %parallel_loop3A_264 = arith.constant 16 : index
        %parallel_loop3A_265 = tpu.vector_load %arg9[%parallel_loop3A_262, %parallel_loop3A_263, %parallel_loop3A_264] {strides = array<i32>} : memref<25x8x128xi32, #tpu.memory_space<vmem>>, vector<16xi32>,
        %parallel_loop3A_266 = tpu.vector_load_idx %arg6[%parallel_loop3A_265] : memref<16xf32, #tpu.memory_space<vmem>>[vector<16xi32>], vector<16xf32>,
        %parallel_loop3A_267 = tpu.vector_load_idx %arg7[%parallel_loop3A_265] : memref<16xf32, #tpu.memory_space<vmem>>[vector<16xi32>], vector<16xf32>,
        %parallel_loop3A_268 = arith.constant 0 : i32
        %parallel_loop3A_269 = arith.index_cast %parallel_loop3A_239 : i32 to index
        %parallel_loop3A_270 = arith.index_cast %parallel_loop3A_268 : i32 to index
        %parallel_loop3A_271 = arith.constant 16 : index
        %parallel_loop3A_272 = tpu.vector_load %arg11[%parallel_loop3A_269, %parallel_loop3A_270, %parallel_loop3A_271] {strides = array<i32>} : memref<100x2x128xf32, #tpu.memory_space<vmem>>, vector<16xf32>,
        tpu.vector_store %arg11[%parallel_loop3A_269, %parallel_loop3A_270, %parallel_loop3A_271], %parallel_loop3A_266 {strides = array<i32>} : memref<100x2x128xf32, #tpu.memory_space<vmem>>, vector<16xf32>,
        %parallel_loop3A_273 = arith.constant 1 : i32
        %parallel_loop3A_274 = arith.index_cast %parallel_loop3A_239 : i32 to index
        %parallel_loop3A_275 = arith.index_cast %parallel_loop3A_273 : i32 to index
        %parallel_loop3A_276 = arith.constant 16 : index
        %parallel_loop3A_277 = tpu.vector_load %arg11[%parallel_loop3A_274, %parallel_loop3A_275, %parallel_loop3A_276] {strides = array<i32>} : memref<100x2x128xf32, #tpu.memory_space<vmem>>, vector<16xf32>,
        tpu.vector_store %arg11[%parallel_loop3A_274, %parallel_loop3A_275, %parallel_loop3A_276], %parallel_loop3A_267 {strides = array<i32>} : memref<100x2x128xf32, #tpu.memory_space<vmem>>, vector<16xf32>,
        %parallel_loop3A_278 = arith.index_cast %parallel_loop3A_243 : i32 to index
        %parallel_loop3A_279 = arith.index_cast %parallel_loop3A_245 : i32 to index
        %parallel_loop3A_280 = arith.constant 32 : index
        %parallel_loop3A_281 = tpu.vector_load %arg9[%parallel_loop3A_278, %parallel_loop3A_279, %parallel_loop3A_280] {strides = array<i32>} : memref<25x8x128xi32, #tpu.memory_space<vmem>>, vector<16xi32>,
        %parallel_loop3A_282 = tpu.vector_load_idx %arg6[%parallel_loop3A_281] : memref<16xf32, #tpu.memory_space<vmem>>[vector<16xi32>], vector<16xf32>,
        %parallel_loop3A_283 = tpu.vector_load_idx %arg7[%parallel_loop3A_281] : memref<16xf32, #tpu.memory_space<vmem>>[vector<16xi32>], vector<16xf32>,
        %parallel_loop3A_284 = arith.constant 0 : i32
        %parallel_loop3A_285 = arith.index_cast %parallel_loop3A_239 : i32 to index
        %parallel_loop3A_286 = arith.index_cast %parallel_loop3A_284 : i32 to index
        %parallel_loop3A_287 = arith.constant 32 : index
        %parallel_loop3A_288 = tpu.vector_load %arg11[%parallel_loop3A_285, %parallel_loop3A_286, %parallel_loop3A_287] {strides = array<i32>} : memref<100x2x128xf32, #tpu.memory_space<vmem>>, vector<16xf32>,
        tpu.vector_store %arg11[%parallel_loop3A_285, %parallel_loop3A_286, %parallel_loop3A_287], %parallel_loop3A_282 {strides = array<i32>} : memref<100x2x128xf32, #tpu.memory_space<vmem>>, vector<16xf32>,
        %parallel_loop3A_289 = arith.constant 1 : i32
        %parallel_loop3A_290 = arith.index_cast %parallel_loop3A_239 : i32 to index
        %parallel_loop3A_291 = arith.index_cast %parallel_loop3A_289 : i32 to index
        %parallel_loop3A_292 = arith.constant 32 : index
        %parallel_loop3A_293 = tpu.vector_load %arg11[%parallel_loop3A_290, %parallel_loop3A_291, %parallel_loop3A_292] {strides = array<i32>} : memref<100x2x128xf32, #tpu.memory_space<vmem>>, vector<16xf32>,
        tpu.vector_store %arg11[%parallel_loop3A_290, %parallel_loop3A_291, %parallel_loop3A_292], %parallel_loop3A_283 {strides = array<i32>} : memref<100x2x128xf32, #tpu.memory_space<vmem>>, vector<16xf32>,
        %parallel_loop3A_294 = arith.index_cast %parallel_loop3A_243 : i32 to index
        %parallel_loop3A_295 = arith.index_cast %parallel_loop3A_245 : i32 to index
        %parallel_loop3A_296 = arith.constant 48 : index
        %parallel_loop3A_297 = tpu.vector_load %arg9[%parallel_loop3A_294, %parallel_loop3A_295, %parallel_loop3A_296] {strides = array<i32>} : memref<25x8x128xi32, #tpu.memory_space<vmem>>, vector<16xi32>,
        %parallel_loop3A_298 = tpu.vector_load_idx %arg6[%parallel_loop3A_297] : memref<16xf32, #tpu.memory_space<vmem>>[vector<16xi32>], vector<16xf32>,
        %parallel_loop3A_299 = tpu.vector_load_idx %arg7[%parallel_loop3A_297] : memref<16xf32, #tpu.memory_space<vmem>>[vector<16xi32>], vector<16xf32>,
        %parallel_loop3A_300 = arith.constant 0 : i32
        %parallel_loop3A_301 = arith.index_cast %parallel_loop3A_239 : i32 to index
        %parallel_loop3A_302 = arith.index_cast %parallel_loop3A_300 : i32 to index
        %parallel_loop3A_303 = arith.constant 48 : index
        %parallel_loop3A_304 = tpu.vector_load %arg11[%parallel_loop3A_301, %parallel_loop3A_302, %parallel_loop3A_303] {strides = array<i32>} : memref<100x2x128xf32, #tpu.memory_space<vmem>>, vector<16xf32>,
        tpu.vector_store %arg11[%parallel_loop3A_301, %parallel_loop3A_302, %parallel_loop3A_303], %parallel_loop3A_298 {strides = array<i32>} : memref<100x2x128xf32, #tpu.memory_space<vmem>>, vector<16xf32>,
        %parallel_loop3A_305 = arith.constant 1 : i32
        %parallel_loop3A_306 = arith.index_cast %parallel_loop3A_239 : i32 to index
        %parallel_loop3A_307 = arith.index_cast %parallel_loop3A_305 : i32 to index
        %parallel_loop3A_308 = arith.constant 48 : index
        %parallel_loop3A_309 = tpu.vector_load %arg11[%parallel_loop3A_306, %parallel_loop3A_307, %parallel_loop3A_308] {strides = array<i32>} : memref<100x2x128xf32, #tpu.memory_space<vmem>>, vector<16xf32>,
        tpu.vector_store %arg11[%parallel_loop3A_306, %parallel_loop3A_307, %parallel_loop3A_308], %parallel_loop3A_299 {strides = array<i32>} : memref<100x2x128xf32, #tpu.memory_space<vmem>>, vector<16xf32>,
        %parallel_loop3A_310 = arith.index_cast %parallel_loop3A_243 : i32 to index
        %parallel_loop3A_311 = arith.index_cast %parallel_loop3A_245 : i32 to index
        %parallel_loop3A_312 = arith.constant 64 : index
        %parallel_loop3A_313 = tpu.vector_load %arg9[%parallel_loop3A_310, %parallel_loop3A_311, %parallel_loop3A_312] {strides = array<i32>} : memref<25x8x128xi32, #tpu.memory_space<vmem>>, vector<16xi32>,
        %parallel_loop3A_314 = tpu.vector_load_idx %arg6[%parallel_loop3A_313] : memref<16xf32, #tpu.memory_space<vmem>>[vector<16xi32>], vector<16xf32>,
        %parallel_loop3A_315 = tpu.vector_load_idx %arg7[%parallel_loop3A_313] : memref<16xf32, #tpu.memory_space<vmem>>[vector<16xi32>], vector<16xf32>,
        %parallel_loop3A_316 = arith.constant 0 : i32
        %parallel_loop3A_317 = arith.index_cast %parallel_loop3A_239 : i32 to index
        %parallel_loop3A_318 = arith.index_cast %parallel_loop3A_316 : i32 to index
        %parallel_loop3A_319 = arith.constant 64 : index
        %parallel_loop3A_320 = tpu.vector_load %arg11[%parallel_loop3A_317, %parallel_loop3A_318, %parallel_loop3A_319] {strides = array<i32>} : memref<100x2x128xf32, #tpu.memory_space<vmem>>, vector<16xf32>,
        tpu.vector_store %arg11[%parallel_loop3A_317, %parallel_loop3A_318, %parallel_loop3A_319], %parallel_loop3A_314 {strides = array<i32>} : memref<100x2x128xf32, #tpu.memory_space<vmem>>, vector<16xf32>,
        %parallel_loop3A_321 = arith.constant 1 : i32
        %parallel_loop3A_322 = arith.index_cast %parallel_loop3A_239 : i32 to index
        %parallel_loop3A_323 = arith.index_cast %parallel_loop3A_321 : i32 to index
        %parallel_loop3A_324 = arith.constant 64 : index
        %parallel_loop3A_325 = tpu.vector_load %arg11[%parallel_loop3A_322, %parallel_loop3A_323, %parallel_loop3A_324] {strides = array<i32>} : memref<100x2x128xf32, #tpu.memory_space<vmem>>, vector<16xf32>,
        tpu.vector_store %arg11[%parallel_loop3A_322, %parallel_loop3A_323, %parallel_loop3A_324], %parallel_loop3A_315 {strides = array<i32>} : memref<100x2x128xf32, #tpu.memory_space<vmem>>, vector<16xf32>,
        %parallel_loop3A_326 = arith.index_cast %parallel_loop3A_243 : i32 to index
        %parallel_loop3A_327 = arith.index_cast %parallel_loop3A_245 : i32 to index
        %parallel_loop3A_328 = arith.constant 80 : index
        %parallel_loop3A_329 = tpu.vector_load %arg9[%parallel_loop3A_326, %parallel_loop3A_327, %parallel_loop3A_328] {strides = array<i32>} : memref<25x8x128xi32, #tpu.memory_space<vmem>>, vector<16xi32>,
        %parallel_loop3A_330 = tpu.vector_load_idx %arg6[%parallel_loop3A_329] : memref<16xf32, #tpu.memory_space<vmem>>[vector<16xi32>], vector<16xf32>,
        %parallel_loop3A_331 = tpu.vector_load_idx %arg7[%parallel_loop3A_329] : memref<16xf32, #tpu.memory_space<vmem>>[vector<16xi32>], vector<16xf32>,
        %parallel_loop3A_332 = arith.constant 0 : i32
        %parallel_loop3A_333 = arith.index_cast %parallel_loop3A_239 : i32 to index
        %parallel_loop3A_334 = arith.index_cast %parallel_loop3A_332 : i32 to index
        %parallel_loop3A_335 = arith.constant 80 : index
        %parallel_loop3A_336 = tpu.vector_load %arg11[%parallel_loop3A_333, %parallel_loop3A_334, %parallel_loop3A_335] {strides = array<i32>} : memref<100x2x128xf32, #tpu.memory_space<vmem>>, vector<16xf32>,
        tpu.vector_store %arg11[%parallel_loop3A_333, %parallel_loop3A_334, %parallel_loop3A_335], %parallel_loop3A_330 {strides = array<i32>} : memref<100x2x128xf32, #tpu.memory_space<vmem>>, vector<16xf32>,
        %parallel_loop3A_337 = arith.constant 1 : i32
        %parallel_loop3A_338 = arith.index_cast %parallel_loop3A_239 : i32 to index
        %parallel_loop3A_339 = arith.index_cast %parallel_loop3A_337 : i32 to index
        %parallel_loop3A_340 = arith.constant 80 : index
        %parallel_loop3A_341 = tpu.vector_load %arg11[%parallel_loop3A_338, %parallel_loop3A_339, %parallel_loop3A_340] {strides = array<i32>} : memref<100x2x128xf32, #tpu.memory_space<vmem>>, vector<16xf32>,
        tpu.vector_store %arg11[%parallel_loop3A_338, %parallel_loop3A_339, %parallel_loop3A_340], %parallel_loop3A_331 {strides = array<i32>} : memref<100x2x128xf32, #tpu.memory_space<vmem>>, vector<16xf32>,
        %parallel_loop3A_342 = arith.index_cast %parallel_loop3A_243 : i32 to index
        %parallel_loop3A_343 = arith.index_cast %parallel_loop3A_245 : i32 to index
        %parallel_loop3A_344 = arith.constant 96 : index
        %parallel_loop3A_345 = tpu.vector_load %arg9[%parallel_loop3A_342, %parallel_loop3A_343, %parallel_loop3A_344] {strides = array<i32>} : memref<25x8x128xi32, #tpu.memory_space<vmem>>, vector<16xi32>,
        %parallel_loop3A_346 = tpu.vector_load_idx %arg6[%parallel_loop3A_345] : memref<16xf32, #tpu.memory_space<vmem>>[vector<16xi32>], vector<16xf32>,
        %parallel_loop3A_347 = tpu.vector_load_idx %arg7[%parallel_loop3A_345] : memref<16xf32, #tpu.memory_space<vmem>>[vector<16xi32>], vector<16xf32>,
        %parallel_loop3A_348 = arith.constant 0 : i32
        %parallel_loop3A_349 = arith.index_cast %parallel_loop3A_239 : i32 to index
        %parallel_loop3A_350 = arith.index_cast %parallel_loop3A_348 : i32 to index
        %parallel_loop3A_351 = arith.constant 96 : index
        %parallel_loop3A_352 = tpu.vector_load %arg11[%parallel_loop3A_349, %parallel_loop3A_350, %parallel_loop3A_351] {strides = array<i32>} : memref<100x2x128xf32, #tpu.memory_space<vmem>>, vector<16xf32>,
        tpu.vector_store %arg11[%parallel_loop3A_349, %parallel_loop3A_350, %parallel_loop3A_351], %parallel_loop3A_346 {strides = array<i32>} : memref<100x2x128xf32, #tpu.memory_space<vmem>>, vector<16xf32>,
        %parallel_loop3A_353 = arith.constant 1 : i32
        %parallel_loop3A_354 = arith.index_cast %parallel_loop3A_239 : i32 to index
        %parallel_loop3A_355 = arith.index_cast %parallel_loop3A_353 : i32 to index
        %parallel_loop3A_356 = arith.constant 96 : index
        %parallel_loop3A_357 = tpu.vector_load %arg11[%parallel_loop3A_354, %parallel_loop3A_355, %parallel_loop3A_356] {strides = array<i32>} : memref<100x2x128xf32, #tpu.memory_space<vmem>>, vector<16xf32>,
        tpu.vector_store %arg11[%parallel_loop3A_354, %parallel_loop3A_355, %parallel_loop3A_356], %parallel_loop3A_347 {strides = array<i32>} : memref<100x2x128xf32, #tpu.memory_space<vmem>>, vector<16xf32>,
        %parallel_loop3A_358 = arith.index_cast %parallel_loop3A_243 : i32 to index
        %parallel_loop3A_359 = arith.index_cast %parallel_loop3A_245 : i32 to index
        %parallel_loop3A_360 = arith.constant 112 : index
        %parallel_loop3A_361 = tpu.vector_load %arg9[%parallel_loop3A_358, %parallel_loop3A_359, %parallel_loop3A_360] {strides = array<i32>} : memref<25x8x128xi32, #tpu.memory_space<vmem>>, vector<16xi32>,
        %parallel_loop3A_362 = tpu.vector_load_idx %arg6[%parallel_loop3A_361] : memref<16xf32, #tpu.memory_space<vmem>>[vector<16xi32>], vector<16xf32>,
        %parallel_loop3A_363 = tpu.vector_load_idx %arg7[%parallel_loop3A_361] : memref<16xf32, #tpu.memory_space<vmem>>[vector<16xi32>], vector<16xf32>,
        %parallel_loop3A_364 = arith.constant 0 : i32
        %parallel_loop3A_365 = arith.index_cast %parallel_loop3A_239 : i32 to index
        %parallel_loop3A_366 = arith.index_cast %parallel_loop3A_364 : i32 to index
        %parallel_loop3A_367 = arith.constant 112 : index
        %parallel_loop3A_368 = tpu.vector_load %arg11[%parallel_loop3A_365, %parallel_loop3A_366, %parallel_loop3A_367] {strides = array<i32>} : memref<100x2x128xf32, #tpu.memory_space<vmem>>, vector<16xf32>,
        tpu.vector_store %arg11[%parallel_loop3A_365, %parallel_loop3A_366, %parallel_loop3A_367], %parallel_loop3A_362 {strides = array<i32>} : memref<100x2x128xf32, #tpu.memory_space<vmem>>, vector<16xf32>,
        %parallel_loop3A_369 = arith.constant 1 : i32
        %parallel_loop3A_370 = arith.index_cast %parallel_loop3A_239 : i32 to index
        %parallel_loop3A_371 = arith.index_cast %parallel_loop3A_369 : i32 to index
        %parallel_loop3A_372 = arith.constant 112 : index
        %parallel_loop3A_373 = tpu.vector_load %arg11[%parallel_loop3A_370, %parallel_loop3A_371, %parallel_loop3A_372] {strides = array<i32>} : memref<100x2x128xf32, #tpu.memory_space<vmem>>, vector<16xf32>,
        tpu.vector_store %arg11[%parallel_loop3A_370, %parallel_loop3A_371, %parallel_loop3A_372], %parallel_loop3A_363 {strides = array<i32>} : memref<100x2x128xf32, #tpu.memory_space<vmem>>, vector<16xf32>,
      } {sc.loop_unroll_factor = 2 : i64, sc.parallel_access}
      %mul3A_219 = arith.constant 32 : i32
      %mul3A_220 = arith.muli %add3A_157, %mul3A_219 : i32
      %add3A_221 = arith.addi %add3A, %mul3A_220 : i32
      %dma_start3A_222 = arith.constant 100 : i32
      %dma_start3A_223 = arith.constant 0 : i32
      %dma_start3A_224 = arith.constant 0 : i32
      %dma_start3A_225 = tpu.memref_slice %arg4[%dma_start3A_222, %add3A_221, %dma_start3A_223, %dma_start3A_224] : memref<200x128x2x128xf32, #tpu.memory_space<hbm>> -> memref<100x1x2x128xf32, #tpu.memory_space<hbm>>
      %dma_start3A_226 = tpu.memref_squeeze %dma_start3A_225 : memref<100x1x2x128xf32, #tpu.memory_space<hbm>> -> memref<100x2x128xf32, #tpu.memory_space<hbm>>
      %dma_start3A_227 = arith.constant 100 : i32
      %dma_start3A_228 = arith.constant 0 : i32
      %dma_start3A_229 = arith.constant 0 : i32
      %dma_start3A_230 = tpu.memref_slice %arg4[%dma_start3A_227, %add3A_221, %dma_start3A_228, %dma_start3A_229] : memref<200x128x2x128xf32, #tpu.memory_space<hbm>> -> memref<100x1x2x128xf32, #tpu.memory_space<hbm>>
      %dma_start3A_231 = tpu.memref_squeeze %dma_start3A_230 : memref<100x1x2x128xf32, #tpu.memory_space<hbm>> -> memref<100x2x128xf32, #tpu.memory_space<hbm>>
      tpu.enqueue_dma source(%arg11 : memref<100x2x128xf32, #tpu.memory_space<vmem>>) target(%dma_start3A_231 : memref<100x2x128xf32, #tpu.memory_space<hbm>>) target_semaphore(%arg15 : memref<!tpu.dma_semaphore, #tpu.memory_space<semaphore_mem>>)
      %add3A_232 = arith.constant 1 : i32
      %add3A_233 = arith.addi %scan3A_92, %add3A_232 : i32
      %lt3A_234 = arith.constant 2 : i32
      %lt3A_235 = arith.cmpi slt, %add3A_233, %lt3A_234 : i32
      %convert_element_type3A_236 = arith.extui %lt3A_235 : i1 to i32
      %cond3A_237 = arith.constant 0 : i32
      %cond3A_238 = arith.cmpi ne, %convert_element_type3A_236, %cond3A_237 : i32
      scf.if %cond3A_238 {
        %add3A_239 = arith.constant 2 : i32
        %add3A_240 = arith.addi %add3A_157, %add3A_239 : i32
        %mul3A_241 = arith.constant 32 : i32
        %mul3A_242 = arith.muli %add3A_240, %mul3A_241 : i32
        %add3A_243 = arith.addi %add3A, %mul3A_242 : i32
        %dma_start3A_244 = arith.constant 0 : i32
        %dma_start3A_245 = arith.constant 0 : i32
        %dma_start3A_246 = arith.constant 0 : i32
        %dma_start3A_247 = tpu.memref_slice %arg2[%dma_start3A_244, %add3A_243, %dma_start3A_245, %dma_start3A_246] : memref<25x128x8x128xi32, #tpu.memory_space<hbm>> -> memref<25x1x8x128xi32, #tpu.memory_space<hbm>>
        %dma_start3A_248 = tpu.memref_squeeze %dma_start3A_247 : memref<25x1x8x128xi32, #tpu.memory_space<hbm>> -> memref<25x8x128xi32, #tpu.memory_space<hbm>>
        %dma_start3A_249 = arith.constant 0 : i32
        %dma_start3A_250 = arith.constant 0 : i32
        %dma_start3A_251 = arith.constant 0 : i32
        %dma_start3A_252 = tpu.memref_slice %arg2[%dma_start3A_249, %add3A_243, %dma_start3A_250, %dma_start3A_251] : memref<25x128x8x128xi32, #tpu.memory_space<hbm>> -> memref<25x1x8x128xi32, #tpu.memory_space<hbm>>
        %dma_start3A_253 = tpu.memref_squeeze %dma_start3A_252 : memref<25x1x8x128xi32, #tpu.memory_space<hbm>> -> memref<25x8x128xi32, #tpu.memory_space<hbm>>
        tpu.enqueue_dma source(%dma_start3A_253 : memref<25x8x128xi32, #tpu.memory_space<hbm>>) target(%arg9 : memref<25x8x128xi32, #tpu.memory_space<vmem>>) target_semaphore(%arg13 : memref<!tpu.dma_semaphore, #tpu.memory_space<semaphore_mem>>)
      } else {
      }
    }
    %scan3A_68 = arith.constant 2 : i32
    %add3A_69 = arith.constant 96 : i32
    %add3A_70 = arith.addi %add3A, %add3A_69 : i32
    %dma_wait3A = arith.constant 0 : i32
    %dma_wait3A_71 = arith.constant 0 : i32
    %dma_wait3A_72 = arith.constant 0 : i32
    %dma_wait3A_73 = tpu.memref_slice %arg4[%dma_wait3A, %add3A_70, %dma_wait3A_71, %dma_wait3A_72] : memref<200x128x2x128xf32, #tpu.memory_space<hbm>> -> memref<100x1x2x128xf32, #tpu.memory_space<hbm>>
    %dma_wait3A_74 = tpu.memref_squeeze %dma_wait3A_73 : memref<100x1x2x128xf32, #tpu.memory_space<hbm>> -> memref<100x2x128xf32, #tpu.memory_space<hbm>>
    %dma_wait3A_75 = arith.constant 0 : i32
    %dma_wait3A_76 = arith.constant 0 : i32
    %dma_wait3A_77 = arith.constant 0 : i32
    %dma_wait3A_78 = tpu.memref_slice %arg4[%dma_wait3A_75, %add3A_70, %dma_wait3A_76, %dma_wait3A_77] : memref<200x128x2x128xf32, #tpu.memory_space<hbm>> -> memref<100x1x2x128xf32, #tpu.memory_space<hbm>>
    %dma_wait3A_79 = tpu.memref_squeeze %dma_wait3A_78 : memref<100x1x2x128xf32, #tpu.memory_space<hbm>> -> memref<100x2x128xf32, #tpu.memory_space<hbm>>
    tpu.wait_dma2 semaphore(%arg14 : memref<!tpu.dma_semaphore, #tpu.memory_space<semaphore_mem>>) src(%arg10 : memref<100x2x128xf32, #tpu.memory_space<vmem>>) dst(%dma_wait3A_79 : memref<100x2x128xf32, #tpu.memory_space<hbm>>)
    %add3A_80 = arith.constant 96 : i32
    %add3A_81 = arith.addi %add3A, %add3A_80 : i32
    %dma_wait3A_82 = arith.constant 100 : i32
    %dma_wait3A_83 = arith.constant 0 : i32
    %dma_wait3A_84 = arith.constant 0 : i32
    %dma_wait3A_85 = tpu.memref_slice %arg4[%dma_wait3A_82, %add3A_81, %dma_wait3A_83, %dma_wait3A_84] : memref<200x128x2x128xf32, #tpu.memory_space<hbm>> -> memref<100x1x2x128xf32, #tpu.memory_space<hbm>>
    %dma_wait3A_86 = tpu.memref_squeeze %dma_wait3A_85 : memref<100x1x2x128xf32, #tpu.memory_space<hbm>> -> memref<100x2x128xf32, #tpu.memory_space<hbm>>
    %dma_wait3A_87 = arith.constant 100 : i32
    %dma_wait3A_88 = arith.constant 0 : i32
    %dma_wait3A_89 = arith.constant 0 : i32
    %dma_wait3A_90 = tpu.memref_slice %arg4[%dma_wait3A_87, %add3A_81, %dma_wait3A_88, %dma_wait3A_89] : memref<200x128x2x128xf32, #tpu.memory_space<hbm>> -> memref<100x1x2x128xf32, #tpu.memory_space<hbm>>
    %dma_wait3A_91 = tpu.memref_squeeze %dma_wait3A_90 : memref<100x1x2x128xf32, #tpu.memory_space<hbm>> -> memref<100x2x128xf32, #tpu.memory_space<hbm>>
    tpu.wait_dma2 semaphore(%arg15 : memref<!tpu.dma_semaphore, #tpu.memory_space<semaphore_mem>>) src(%arg11 : memref<100x2x128xf32, #tpu.memory_space<vmem>>) dst(%dma_wait3A_91 : memref<100x2x128xf32, #tpu.memory_space<hbm>>)
    return
  }
}

</mosaic_0001>

<sc_bundles>
// kernel: kernel.3.cloned.1.call-start
scs
__scs_entry_jumppad:
0x0: {  	(pc) =	sbr.rel $0x88, $3  }
0x1: {  	(tag) =	ssettag $0x0;
	lr =	simm.s32 $0x1  }
0x2: {  	[smem:$0x3F9D] =	sst lr;
	_ =	strace $0xD0000000  }
0x3: {  	_ = 	snop  }
0x4: {  	_ = 	snop  }
0x5: {  	_ = 	snop  }
0x6: {  	_ = 	snop  }
0x7: {  	_ = 	snop  }
__scs_overlays_trampoline_lowered:
0x8: {  	[smem:$0x3FAC] =	sst s0  }
0x9: {  	[smem:$0x3FAD] =	sst s1  }
0xa: {  	[smem:$0x3FAE] =	sst s2  }
0xb: {  	[smem:$0x3FAF] =	sst s3  }
0xc: {  	[smem:$0x3FB0] =	sst s4  }
0xd: {  	[smem:$0x3FB1] =	sst s5  }
0xe: {  	[smem:$0x3FB2] =	sst s6  }
0xf: {  	[smem:$0x3FB3] =	sst s7  }
0x10: {  	[smem:$0x3FB4] =	sst s8  }
0x11: {  	[smem:$0x3FB5] =	sst s9;
	s0 =	simm.s32 @!p0 $0x0  }
0x12: {  	s1 =	sld [smem:$0x3F9B];
	s0 =	simm.s32 @p0 $0x1  }
0x13: {  	[smem:$0x3FB6] =	sst s0;
	s0 =	simm.s32 @!p1 $0x0  }
0x14: {  	s2 =	sld [smem:$0x3F9A];
	s0 =	simm.s32 @p1 $0x1  }
0x15: {  	[smem:$0x3FB7] =	sst s0;
	s0 =	simm.s32 @!p2 $0x0  }
0x16: {  	s3 =	sld [smem:$0x3FDB];
	s0 =	simm.s32 @p2 $0x1  }
0x17: {  	s4 =	simm.s32 $0x1BF5;
	[smem:$0x3FB9] =	sst s0  }
0x18: {  	s0 =	sld [smem:$0x3F9C];
	_ =	swait.ge [sflag:s4], $0x0  }
0x19: {  	s7 =	sld [smem:$0x3F9D]  }
0x1a: {  	s8 =	sadd.s32 $0xFFFFE003, lr  }
0x1b: {  	s9 =	sadd.s32 $0xFFFFFEF7, lr;
	s5 =	simm.s32 $0xFFFFFFFF;
	p2 =	slt.u32 s8, $0xFFFFF086  }
0x1c: {  	p1 =	slt.u32 s9, $0xF7A;
	s5 =	simm.s32 @!p2 $0x0  }
0x1d: {  	s5 =	simm.s32 @p1 $0x1;
	p0 =	seq.s32 s7, s2  }
0x1e: {  	s7 =	smul.u32 @!p0 $0xF7A, s2;
	p2 =	seq.s32 @!p0 s5, $0x0  }
0x1f: {  	s9 =	smul.u32 $0xF7A, s1;
	s8 =	simm.s32 @!p0 $0x1BF5;
	p2 =	por !p2, p0  }
0x20: {  	[sflag:s8] =	ssyncset.s32 @!p0 $0xFFFFF086;
	s6 =	sadd.s32 @!p0 s3, s7;
	s7 =	simm.s32 @!p0 $0x108  }
0x21: {  	s3 =	sadd.s32 s3, s9;
	s6 =	sadd.s32 @!p0 $0x88, s6;
	s7 =	simm.s32 @p2 $0x1082  }
0x22: {  	[simem:s7], [sflag:s8] =	dma.local @!p0 [hbm:s6], $0xF7A  }
0x23: {  	s9 =	sor.u32 $0xD0000000, s2;
	s6 =	simm.s32 $0x108;
	_ =	swait.ge @!p0 [sflag:s8], $0x0  }
0x24: {  	s3 =	sadd.s32 $0x88, s3;
	s6 =	simm.s32 @!p1 $0x1082;
	[sflag:s4] =	ssyncset.s32 $0xFFFFF086  }
0x25: {  	[simem:s6], [sflag:s4] =	dma.local [hbm:s3], $0xF7A  }
0x26: {  	[smem:$0x3F9D] =	sst s1;
	(tag) =	ssettag s2;
	_ =	strace s9  }
0x27: {  	s1 =	sld [smem:$0x3FAD]  }
0x28: {  	s2 =	sld [smem:$0x3FAE]  }
0x29: {  	s4 =	sld [smem:$0x3FB0]  }
0x2a: {  	p0 =	seq.s32 s5, $0x0;
	s5 =	sld [smem:$0x3FB1]  }
0x2b: {  	s6 =	sld [smem:$0x3FB2]  }
0x2c: {  	s7 =	sld [smem:$0x3FB3]  }
0x2d: {  	s3 =	simm.s32 $0x108;
	s8 =	sld [smem:$0x3FB4]  }
0x2e: {  	s3 =	simm.s32 @!p0 $0x1082;
	s9 =	sld [smem:$0x3FB5]  }
0x2f: {  	lr =	sadd.s32 s0, s3;
	s0 =	sld [smem:$0x3FAC]  }
0x30: {  	s3 =	sld [smem:$0x3FAF]  }
0x31: {  	[smem:$0x3FB8] =	sst s10  }
0x32: {  	s10 =	sld [smem:$0x3FB6];
	_ =	sdelay $0x3  }
0x33: {  	p0 =	seq.s32 s10, $0x1;
	s10 =	sld [smem:$0x3FB8];
	_ =	sdelay $0x3  }
0x34: {  	[smem:$0x3FB8] =	sst s10  }
0x35: {  	s10 =	sld [smem:$0x3FB7];
	_ =	sdelay $0x3  }
0x36: {  	p1 =	seq.s32 s10, $0x1;
	s10 =	sld [smem:$0x3FB8];
	_ =	sdelay $0x3  }
0x37: {  	[smem:$0x3FB8] =	sst s10  }
0x38: {  	s10 =	sld [smem:$0x3FB9]  }
0x39: {  	_ = 	snop;
	(pc) =	sbr.ind lr, $3  }
0x3a: {  	_ = 	snop  }
0x3b: {  	_ = 	snop  }
0x3c: {  	p2 =	seq.s32 s10, $0x1;
	s10 =	sld [smem:$0x3FB8]  }
0x3d: {  	_ =	shalt  }
0x3e: {  	_ =	shalt  }
0x3f: {  	_ =	shalt  }
0x40: {  	_ =	shalt  }
0x41: {  	_ =	shalt  }
0x42: {  	_ =	shalt  }
0x43: {  	_ =	shalt  }
0x44: {  	_ =	shalt  }
0x45: {  	_ =	shalt  }
0x46: {  	_ =	shalt  }
0x47: {  	_ =	shalt  }
0x48: {  	_ =	shalt  }
0x49: {  	_ =	shalt  }
0x4a: {  	_ =	shalt  }
0x4b: {  	_ =	shalt  }
0x4c: {  	_ =	shalt  }
0x4d: {  	_ =	shalt  }
0x4e: {  	_ =	shalt  }
0x4f: {  	_ =	shalt  }
0x50: {  	_ =	shalt  }
0x51: {  	_ =	shalt  }
0x52: {  	_ =	shalt  }
0x53: {  	_ =	shalt  }
0x54: {  	_ =	shalt  }
0x55: {  	_ =	shalt  }
0x56: {  	_ =	shalt  }
0x57: {  	_ =	shalt  }
0x58: {  	_ =	shalt  }
0x59: {  	_ =	shalt  }
0x5a: {  	_ =	shalt  }
0x5b: {  	_ =	shalt  }
0x5c: {  	_ =	shalt  }
0x5d: {  	_ =	shalt  }
0x5e: {  	_ =	shalt  }
0x5f: {  	_ =	shalt  }
0x60: {  	_ =	shalt  }
0x61: {  	_ =	shalt  }
0x62: {  	_ =	shalt  }
0x63: {  	_ =	shalt  }
0x64: {  	_ =	shalt  }
0x65: {  	_ =	shalt  }
0x66: {  	_ =	shalt  }
0x67: {  	_ =	shalt  }
0x68: {  	_ =	shalt  }
0x69: {  	_ =	shalt  }
0x6a: {  	_ =	shalt  }
0x6b: {  	_ =	shalt  }
0x6c: {  	_ =	shalt  }
0x6d: {  	_ =	shalt  }
0x6e: {  	_ =	shalt  }
0x6f: {  	_ =	shalt  }
0x70: {  	_ =	shalt  }
0x71: {  	_ =	shalt  }
0x72: {  	_ =	shalt  }
0x73: {  	_ =	shalt  }
0x74: {  	_ =	shalt  }
0x75: {  	_ =	shalt  }
0x76: {  	_ =	shalt  }
0x77: {  	_ =	shalt  }
0x78: {  	_ =	shalt  }
0x79: {  	_ =	shalt  }
0x7a: {  	_ =	shalt  }
0x7b: {  	_ =	shalt  }
0x7c: {  	_ =	shalt  }
0x7d: {  	_ =	shalt  }
0x7e: {  	_ =	shalt  }
0x7f: {  	_ =	shalt  }
0x80: {  	_ =	shalt  }
0x81: {  	_ =	shalt  }
0x82: {  	_ =	shalt  }
0x83: {  	_ =	shalt  }
0x84: {  	_ =	shalt  }
0x85: {  	_ =	shalt  }
0x86: {  	_ =	shalt  }
0x87: {  	_ =	shalt  }
.Lfunc_end0:
.L_simem_size_0:
called_computation_lowered:
.L_overlay_start_0:
0x88: {  	s2 =	sld [smem:$0x3FD9]  }
0x89: {  	s3 =	sld [smem:$0x3FFE];
	_ =	sdelay $0x1  }
0x8a: {  	s1 =	srdreg.scid  }
0x8b: {  	s0 =	sand.u32 $0x1, s1  }
0x8c: {  	s17 =	sshll.u32 s0, $0xA;
	s2 =	sadd.s32 s3, s2  }
0x8d: {  	s2 =	sadd.s32 s2, s17  }
0x8e: {  	[smem:$0x3FC4] =	sst s2  }
0x8f: {  	_ = 	snop  }
0x90: {  	s2 =	sld [smem:$0x3FC9]  }
0x91: {  	s18 =	sld [smem:$0x3FD0];
	(tm) =	ssettm $0x1  }
0x92: {  	s4 =	sld [smem:$0x3FFB];
	_ =	sdelay $0x3  }
0x93: {  	_ =	strace s4  }
0x94: {  	s4 =	sld [smem:$0x3FFC];
	_ =	sdelay $0x3  }
0x95: {  	_ =	strace s4  }
0x96: {  	s4 =	sld [smem:$0x3FFD];
	_ =	sdelay $0x3  }
0x97: {  	_ =	strace s4  }
0x98: {  	_ =	strace $0x8FFFFFFF  }
0x99: {  	s19 =	sld [smem:$0x3FDB];
	_ =	sdelay $0x1  }
0x9a: {  	s5 =	simm.s32 $_scs_section_size  }
0x9b: {  	s6 =	simm.s32 $_size__tile_overlayer_lowered;
	s7 =	simm.s32 $_tile_overlayer_lowered  }
0x9c: {  	s22 =	simm.s32 $0x1BFF;
	s21 =	sshll.u32 s7, $0x1;
	s4 =	sadd.s32 s5, s19  }
0x9d: {  	s8 =	simm.s32 $0x0;
	s20 =	sshll.u32 s6, $0x1;
	s6 =	sadd.s32 s21, s4  }
0x9e: {  	[timem:s8], [sflag:s22] =	dma.local [hbm:s6], s20  }
0x9f: {  	_ =	swait.ge [sflag:s22], s20  }
0xa0: {  	s5 =	ssub.s32 $0x0, s20;
	[sflag:s22] =	ssyncset.done $0x0  }
0xa1: {  	[sflag:s22] =	ssyncadd.s32 s5;
	_ =	sdelay $0x1  }
0xa2: {  	s23 =	simm.s32 $0x1B8B  }
0xa3: {  	_ =	swait.ge [sflag:s23], $0x1  }
0xa4: {  	[sflag:s23] =	ssyncset.done $0x0  }
0xa5: {  	s25 =	simm.s32 $0x1B8E;
	s24 =	sld [smem:$0x3FFE];
	[sflag:s23] =	ssyncadd.s32 $0xFFFFFFFF  }
0xa6: {  	s26 =	simm.s32 $execute0_lowered;
	[smem:$0x3FD2] =	sst s25  }
0xa7: {  	s6 =	sshll.u32 s26, $0x1;
	_ =	strace $0x80000046;
	[dreg:$0x1] =	wrdreg $0xFFFFFFFF  }
0xa8: {  	s28 =	simm.s32 $_size_execute0_lowered;
	s4 =	sadd.s32 s4, s6;
	[dreg:$0x0] =	wrdreg $0x0  }
0xa9: {  	s6 =	sshll.u32 s28, $0x1;
	[dreg:$0x2] =	wrdreg s4  }
0xaa: {  	[dreg:$0x3] =	wrdreg s6  }
0xab: {  	[dreg:$0x4] =	wrdreg $0xC0  }
0xac: {  	_ =	task [dreg:s8], $0x5FFFF  }
0xad: {  	[dreg:$0x1] =	wrdreg $0xFFFFFFFF  }
0xae: {  	[dreg:$0x0] =	wrdreg $0x60  }
0xaf: {  	[dreg:$0x2] =	wrdreg s2  }
0xb0: {  	[dreg:$0x3] =	wrdreg s24  }
0xb1: {  	[dreg:$0x4] =	wrdreg s18  }
0xb2: {  	[dreg:$0x5] =	wrdreg $0x9  }
0xb3: {  	_ =	task.clear_ibuf [dreg:s8], $0x6FFFF;
	_ =	strace $0x90000046  }
0xb4: {  	s29 =	simm.s32 $0x9;
	_ =	strace $0x80000048  }
0xb5: {  	_ =	swait.ge [sflag:s29], $0x1  }
0xb6: {  	[sflag:s29] =	ssyncadd.s32 $0xFFFFFFFF  }
0xb7: {  	_ =	strace $0x90000048  }
0xb8: {  	_ =	sfence  }
0xb9: {  	s30 =	sld [smem:$0x0];
	_ =	sdelay $0x2  }
0xba: {  	s31 =	sshll.u32 s1, $0xD;
	s1 =	sshrl.u32 s1, $0x2  }
0xbb: {  	s3 =	sand.u32 $0x4000, s31;
	s1 =	sadd.s32 s1, s30  }
0xbc: {  	s0 =	sor.u32 s3, s0;
	s1 =	sshll.u32 s1, $0x11  }
0xbd: {  	s0 =	sor.u32 s1, s0  }
0xbe: {  	s0 =	sadd.s32 $0x8F2B, s0  }
0xbf: {  	[sflag:s0] =	ssyncadd.remote.s32 $0x1  }
0xc0: {  	_ =	sfence.sel $0xFFFF  }
0xc1: {  	[dreg:$0x0] =	wrdreg $0xFFFFFFFF;
	(pc) =	sbr.abs _section_cstart, $3  }
0xc2: {  	[dreg:$0x1] =	wrdreg $0xFFFFFFFF  }
0xc3: {  	_ =	task.clear_ibuf [dreg:s8], $0x2FFFF;
	_ =	strace $0x9FFFFFFF  }
0xc4: {  	(tm) =	ssettm $0x7FFFFFFF  }
0xc5: {  	_ =	shalt  }
tec
execute0_lowered:
.L_overlay_start_1:
0x0: {  	(tag) =	ssettag $0x1  }
0x1: {  	s0 =	rddreg [dreg:$0x0]  }
0x2: {  	s1 =	rddreg [dreg:$0x1]  }
0x3: {  	s7 =	rddreg [dreg:$0x2];
	s3 =	srdreg.scid  }
0x4: {  	s4 =	simm.s32 $0x0;
	s2 =	stileid.u32;
	s19 =	simm.s32 $0x1  }
0x5: {  	s20 =	simm.s32 $0x10;
	s21 =	simm.s32 $0x20;
	s22 =	simm.s32 $0x100  }
0x6: {  	s23 =	simm.s32 $0x8000;
	s28 =	simm.s32 $0x3;
	s29 =	simm.s32 $0x4  }
0x7: {  	s3 =	sand.u32 $0x1, s3;
	[smem:$0x7FF] =	sst s4;
	s5 =	sshll.u32 s2, $0x1  }
0x8: {  	s1 =	sadd.s32 $0x400, s1;
	s30 =	sadd.s32 $0x1000, s0;
	s9 =	sadd.s32 $0x64000, s7  }
0x9: {  	s11 =	sadd.s32 $0x3000, s0;
	_ =	strace $0x80000047;
	[dreg:$0x4] =	wrdreg s1  }
0xa: {  	s24 =	ssub.s32 $0x2, s3;
	s3 =	sor.u32 s3, s5;
	[dreg:$0x6] =	wrdreg s30  }
0xb: {  	s5 =	smov.u32 s7;
	s1 =	simm.s32 $0x0;
	s6 =	sshrl.u32 s24, $0x1  }
0xc: {  	v0 =	vlaneseq.u32;
	s26 =	sshll.u32 s3, $0x7;
	s3 =	sshll.u32 s3, $0x5;
	s25 =	ssub.s32 s24, s6  }
0xd: {  	v0 =	vand.u32 $0x3, v0;
	s8 =	smov.u32 s26;
	s2 =	sadd.s32 s0, s26;
	s10 =	smov.u32 s3  }
0xe: {  	v2 =	vimm.s32 $0x8;
	v0 =	vmul.u32 $0x2, v0;
	s13 =	sor.u32 $0x400, s3;
	[dreg:$0x5] =	wrdreg s2;
	s2 =	sadd.s32 $0x2000, s2  }
0xf: {  	v3 =	vimm.s32 $0x9;
	v4 =	vimm.s32 $0xC;
	v5 =	vimm.s32 $0xA;
	s24 =	simm.s32 $0xC830;
	s31 =	smax.u32 s25, $0x1;
	[dreg:$0x7] =	wrdreg s2  }
0x10: {  	v6 =	vimm.s32 $0xB;
	v7 =	vimm.s32 $0xD;
	v1 =	vor.u32 $0x1, v0;
	s26 =	simm.s32 $0x2;
	s25 =	simm.s32 $0x12C30;
	[dreg:$0x8] =	wrdreg s31  }
.LBB2_1:
0x11: {  	[dreg:$0x9] =	wrdreg s1  }
0x12: {  	s0 =	simm.s32 $0x0;
	s16 =	rddreg [dreg:$0x4];
	s17 =	simm.s32 $0x5  }
0x13: {  	[tilespmem:s0], [sflag:$0x5] =	stream.linear.gather [hbm4b:s16+s0], $0x10, $0x38;
	[tilespmem:$0x19030] =	vst v63  }
0x14: {  	_ =	swait.ge [sflag:s17], $0x10  }
0x15: {  	[sflag:s17] =	ssyncset.done $0x0  }
0x16: {  	[sflag:s17] =	ssyncadd.s32 $0xFFFFFFF0  }
0x17: {  	v8 =	vld.idx.msk [tilespmem:v0+s0+$0x0], $0xffff  }
0x18: {  	v9 =	vld.idx.msk [tilespmem:v1+s0+$0x0], $0xffff  }
0x19: {  	v10 =	vld.idx.msk [tilespmem:v2+s0+$0x0], $0xffff  }
0x1a: {  	v11 =	vld.idx.msk [tilespmem:v3+s0+$0x0], $0xffff;
	_ =	sdelay $0x3  }
0x1b: {  	v12 =	vld.idx.msk [tilespmem:v4+s0+$0x0], $0xffff  }
0x1c: {  	v10 =	vmul.f32 v10, v8;
	v11 =	vmul.f32 v11, v9;
	_ =	sdelay $0x1  }
0x1d: {  	v10 =	vadd.f32 v11, v10;
	_ =	sdelay $0x1  }
0x1e: {  	v10 =	vadd.f32 v10, v12;
	_ =	sdelay $0x1  }
0x1f: {  	[tilespmem:$0x10] =	vst v10  }
0x20: {  	v10 =	vld.idx.msk [tilespmem:v5+s0+$0x0], $0xffff  }
0x21: {  	v62 =	vld.idx.msk [tilespmem:v6+s0+$0x0], $0xffff;
	_ =	sdelay $0x3  }
0x22: {  	v63 =	vld.idx.msk [tilespmem:v7+s0+$0x0], $0xffff  }
0x23: {  	v8 =	vmul.f32 v10, v8;
	v9 =	vmul.f32 v62, v9;
	_ =	sdelay $0x1  }
0x24: {  	v8 =	vadd.f32 v9, v8;
	_ =	sdelay $0x1  }
0x25: {  	s30 =	simm.s32 $0x400;
	s2 =	simm.s32 $0x20000;
	v8 =	vadd.f32 v8, v63  }
0x26: {  	s3 =	simm.s32 $0x30;
	p2 =	por $0x1, $0x1;
	s18 =	rddreg [dreg:$0x5]  }
0x27: {  	p1 =	por $0x0, $0x0;
	s31 =	simm.s32 $0x0;
	s0 =	rddreg [dreg:$0x6];
	[tilespmem:$0x20] =	vst v8  }
0x28: {  	[tilespmem:s3], [sflag:$0x1] =	stream.strided.gather [hbm4b:s18+s30], $0x6400, s2, s30, $0x38;
	[tilespmem:$0x19030] =	vst v63  }
.LBB2_2:
0x29: {  	s0 =	sadd.s32 s8, s0  }
0x2a: {  	s1 =	simm.s32 $0x400;
	s2 =	simm.s32 $0x20000;
	s3 =	simm.s32 $0x6430  }
0x2b: {  	[tilespmem:s3], [sflag:$0x2] =	stream.strided.gather [hbm4b:s0+s1], $0x6400, s2, s1, $0x38;
	[tilespmem:$0x19030] =	vst v63  }
0x2c: {  	_ =	swait.ge [sflag:s19], $0x6400  }
0x2d: {  	[sflag:s19] =	ssyncset.done $0x0  }
0x2e: {  	s0 =	simm.s32 @p1 $0x3;
	[sflag:s19] =	ssyncadd.s32 $0xFFFF9C00  }
0x2f: {  	s12 =	simm.s32 $0x0;
	s14 =	simm.s32 $0x80;
	_ =	swait.ge @p1 [sflag:s0], $0x6400  }
0x30: {  	s1 =	sand.u32 $0x3C00, s12;
	s3 =	sand.u32 $0x380, s14;
	[sflag:s0] =	ssyncset.done @p1 $0x0  }
0x31: {  	s3 =	sor.u32 s3, s1;
	[sflag:s0] =	ssyncadd.s32 @p1 $0xFFFF9C00  }
0x32: {  	v8 =	vld [tilespmem:s3+$0x30]  }
0x33: {  	s30 =	simm.s32 $0x70  }
0x34: {  	v9 =	vld [tilespmem:s30+$0xFFFFFFC0];
	_ =	sdelay $0x5  }
0x35: {  	v10 =	vld.idx.msk [tilespmem:v8+s20+$0x0], $0xffff  }
0x36: {  	v8 =	vld.idx.msk [tilespmem:v8+s21+$0x0], $0xffff  }
0x37: {  	v11 =	vld.idx.msk [tilespmem:v9+s20+$0x0], $0xffff  }
0x38: {  	v9 =	vld.idx.msk [tilespmem:v9+s21+$0x0], $0xffff  }
0x39: {  	s0 =	simm.s32 $0xC930  }
0x3a: {  	[tilespmem:s0+$0x0] =	vst v10  }
0x3b: {  	[tilespmem:s0+$0x80] =	vst v8  }
0x3c: {  	[tilespmem:s0+$0xFFFFFF00] =	vst v11;
	v8 =	vld [tilespmem:s3+$0x40]  }
0x3d: {  	[tilespmem:s0+$0xFFFFFF80] =	vst v9  }
0x3e: {  	v9 =	vld [tilespmem:s30+$0xFFFFFFD0];
	_ =	sdelay $0x5  }
0x3f: {  	v10 =	vld.idx.msk [tilespmem:v8+s20+$0x0], $0xffff  }
0x40: {  	v8 =	vld.idx.msk [tilespmem:v8+s21+$0x0], $0xffff  }
0x41: {  	v11 =	vld.idx.msk [tilespmem:v9+s20+$0x0], $0xffff  }
0x42: {  	v9 =	vld.idx.msk [tilespmem:v9+s21+$0x0], $0xffff;
	_ =	sdelay $0x1  }
0x43: {  	[tilespmem:s0+$0x10] =	vst v10  }
0x44: {  	[tilespmem:s0+$0x90] =	vst v8  }
0x45: {  	[tilespmem:s0+$0xFFFFFF10] =	vst v11  }
0x46: {  	[tilespmem:s0+$0xFFFFFF90] =	vst v9;
	v8 =	vld [tilespmem:s3+$0x50]  }
0x47: {  	v9 =	vld [tilespmem:s30+$0xFFFFFFE0];
	_ =	sdelay $0x1  }
0x48: {  	s15 =	simm.s32 $0x100;
	s4 =	simm.s32 $0x180  }
0x49: {  	s4 =	sand.u32 $0x380, s4;
	s1 =	sand.u32 $0x3C00, s15  }
0x4a: {  	s15 =	sor.u32 s4, s1  }
0x4b: {  	v12 =	vld [tilespmem:s15+$0x30];
	_ =	sdelay $0x1  }
0x4c: {  	v10 =	vld.idx.msk [tilespmem:v8+s20+$0x0], $0xffff  }
0x4d: {  	v11 =	vld.idx.msk [tilespmem:v9+s20+$0x0], $0xffff;
	_ =	sdelay $0x1  }
0x4e: {  	v9 =	vld.idx.msk [tilespmem:v9+s21+$0x0], $0xffff  }
0x4f: {  	s17 =	simm.s32 $0x170;
	v8 =	vld.idx.msk [tilespmem:v8+s21+$0x0], $0xffff  }
0x50: {  	[tilespmem:s0+$0x20] =	vst v10;
	v10 =	vld [tilespmem:s17+$0xFFFFFFC0]  }
0x51: {  	[tilespmem:s0+$0xFFFFFF20] =	vst v11;
	v11 =	vld.idx.msk [tilespmem:v12+s20+$0x0], $0xffff  }
0x52: {  	v12 =	vld.idx.msk [tilespmem:v12+s21+$0x0], $0xffff  }
0x53: {  	[tilespmem:s0+$0xFFFFFFA0] =	vst v9  }
0x54: {  	[tilespmem:s0+$0xA0] =	vst v8;
	v9 =	vld [tilespmem:s30+$0xFFFFFFF0]  }
0x55: {  	s1 =	simm.s32 $0xCB30;
	v8 =	vld [tilespmem:s3+$0x60]  }
0x56: {  	[tilespmem:s1+$0x0] =	vst v11  }
0x57: {  	[tilespmem:s1+$0x80] =	vst v12  }
0x58: {  	v12 =	vld [tilespmem:s15+$0x40]  }
0x59: {  	v14 =	vld.idx.msk [tilespmem:v10+s20+$0x0], $0xffff  }
0x5a: {  	v10 =	vld.idx.msk [tilespmem:v10+s21+$0x0], $0xffff;
	_ =	sdelay $0x1  }
0x5b: {  	v11 =	vld.idx.msk [tilespmem:v9+s20+$0x0], $0xffff  }
0x5c: {  	v13 =	vld.idx.msk [tilespmem:v8+s20+$0x0], $0xffff  }
0x5d: {  	v8 =	vld.idx.msk [tilespmem:v8+s21+$0x0], $0xffff;
	[tilespmem:s1+$0xFFFFFF00] =	vst v14  }
0x5e: {  	v9 =	vld.idx.msk [tilespmem:v9+s21+$0x0], $0xffff;
	[tilespmem:s1+$0xFFFFFF80] =	vst v10  }
0x5f: {  	v10 =	vld [tilespmem:s17+$0xFFFFFFD0]  }
0x60: {  	[tilespmem:s0+$0xFFFFFF30] =	vst v11;
	v11 =	vld.idx.msk [tilespmem:v12+s20+$0x0], $0xffff  }
0x61: {  	v12 =	vld.idx.msk [tilespmem:v12+s21+$0x0], $0xffff  }
0x62: {  	[tilespmem:s0+$0x30] =	vst v13  }
0x63: {  	[tilespmem:s0+$0xB0] =	vst v8  }
0x64: {  	v8 =	vld [tilespmem:s3+$0x70]  }
0x65: {  	[tilespmem:s1+$0x10] =	vst v11  }
0x66: {  	[tilespmem:s1+$0x90] =	vst v12  }
0x67: {  	v11 =	vld [tilespmem:s15+$0x50]  }
0x68: {  	v14 =	vld.idx.msk [tilespmem:v10+s20+$0x0], $0xffff  }
0x69: {  	[tilespmem:s0+$0xFFFFFFB0] =	vst v9;
	v10 =	vld.idx.msk [tilespmem:v10+s21+$0x0], $0xffff  }
0x6a: {  	v9 =	vld [tilespmem:s30+$0x0];
	_ =	sdelay $0x1  }
0x6b: {  	v13 =	vld.idx.msk [tilespmem:v8+s20+$0x0], $0xffff  }
0x6c: {  	v8 =	vld.idx.msk [tilespmem:v8+s21+$0x0], $0xffff;
	[tilespmem:s1+$0xFFFFFF10] =	vst v14  }
0x6d: {  	[tilespmem:s1+$0xFFFFFF90] =	vst v10  }
0x6e: {  	v10 =	vld [tilespmem:s17+$0xFFFFFFE0]  }
0x6f: {  	v14 =	vld.idx.msk [tilespmem:v11+s20+$0x0], $0xffff  }
0x70: {  	[tilespmem:s0+$0x40] =	vst v13;
	v11 =	vld.idx.msk [tilespmem:v11+s21+$0x0], $0xffff  }
0x71: {  	[tilespmem:s0+$0xC0] =	vst v8;
	v13 =	vld.idx.msk [tilespmem:v9+s20+$0x0], $0xffff  }
0x72: {  	v8 =	vld [tilespmem:s3+$0x80]  }
0x73: {  	v9 =	vld.idx.msk [tilespmem:v9+s21+$0x0], $0xffff  }
0x74: {  	[tilespmem:s1+$0x20] =	vst v14  }
0x75: {  	[tilespmem:s1+$0xA0] =	vst v11  }
0x76: {  	s6 =	simm.s32 $0x200;
	s7 =	simm.s32 $0x280;
	v11 =	vld [tilespmem:s15+$0x60]  }
0x77: {  	s6 =	sand.u32 $0x3C00, s6;
	s7 =	sand.u32 $0x380, s7;
	[tilespmem:s0+$0xFFFFFF40] =	vst v13;
	v13 =	vld.idx.msk [tilespmem:v10+s20+$0x0], $0xffff  }
0x78: {  	s7 =	sor.u32 s7, s6;
	[tilespmem:s0+$0xFFFFFFC0] =	vst v9;
	v9 =	vld.idx.msk [tilespmem:v10+s21+$0x0], $0xffff  }
0x79: {  	v10 =	vld [tilespmem:s7+$0x30]  }
0x7a: {  	v15 =	vld.idx.msk [tilespmem:v8+s20+$0x0], $0xffff  }
0x7b: {  	s4 =	simm.s32 $0x270;
	v8 =	vld.idx.msk [tilespmem:v8+s21+$0x0], $0xffff  }
0x7c: {  	v12 =	vld [tilespmem:s4+$0xFFFFFFC0];
	[tilespmem:s1+$0xFFFFFF20] =	vst v13  }
0x7d: {  	[tilespmem:s1+$0xFFFFFFA0] =	vst v9  }
0x7e: {  	v9 =	vld [tilespmem:s17+$0xFFFFFFF0]  }
0x7f: {  	[tilespmem:s0+$0x50] =	vst v15;
	v16 =	vld.idx.msk [tilespmem:v11+s20+$0x0], $0xffff  }
0x80: {  	[tilespmem:s0+$0xD0] =	vst v8;
	v11 =	vld.idx.msk [tilespmem:v11+s21+$0x0], $0xffff  }
0x81: {  	v8 =	vld [tilespmem:s3+$0x90];
	_ =	sdelay $0x1  }
0x82: {  	v15 =	vld.idx.msk [tilespmem:v10+s20+$0x0], $0xffff  }
0x83: {  	v14 =	vld.idx.msk [tilespmem:v12+s20+$0x0], $0xffff  }
0x84: {  	v12 =	vld.idx.msk [tilespmem:v12+s21+$0x0], $0xffff;
	[tilespmem:s1+$0x30] =	vst v16  }
0x85: {  	v10 =	vld.idx.msk [tilespmem:v10+s21+$0x0], $0xffff;
	[tilespmem:s1+$0xB0] =	vst v11  }
0x86: {  	s12 =	simm.s32 $0xCD30;
	v16 =	vld [tilespmem:s15+$0x70]  }
0x87: {  	[tilespmem:s12+$0x0] =	vst v15;
	v15 =	vld.idx.msk [tilespmem:v9+s20+$0x0], $0xffff  }
0x88: {  	v17 =	vld.idx.msk [tilespmem:v8+s20+$0x0], $0xffff  }
0x89: {  	v8 =	vld.idx.msk [tilespmem:v8+s21+$0x0], $0xffff  }
0x8a: {  	[tilespmem:s12+$0xFFFFFF00] =	vst v14;
	v13 =	vld [tilespmem:s30+$0x10]  }
0x8b: {  	[tilespmem:s12+$0x80] =	vst v10;
	v9 =	vld.idx.msk [tilespmem:v9+s21+$0x0], $0xffff  }
0x8c: {  	s6 =	simm.s32 $0x370;
	[tilespmem:s12+$0xFFFFFF80] =	vst v12;
	v10 =	vld [tilespmem:s7+$0x40]  }
0x8d: {  	v14 =	vld [tilespmem:s6+$0xFFFFFFC0];
	[tilespmem:s1+$0xFFFFFF30] =	vst v15  }
0x8e: {  	[tilespmem:s0+$0xE0] =	vst v8;
	v8 =	vld [tilespmem:s4+$0xFFFFFFD0]  }
0x8f: {  	[tilespmem:s0+$0x60] =	vst v17;
	v17 =	vld.idx.msk [tilespmem:v16+s20+$0x0], $0xffff  }
0x90: {  	[tilespmem:s1+$0xFFFFFFB0] =	vst v9;
	v16 =	vld.idx.msk [tilespmem:v16+s21+$0x0], $0xffff  }
0x91: {  	v9 =	vld [tilespmem:s17+$0x0]  }
0x92: {  	v11 =	vld.idx.msk [tilespmem:v13+s20+$0x0], $0xffff  }
0x93: {  	v13 =	vld.idx.msk [tilespmem:v13+s21+$0x0], $0xffff  }
0x94: {  	v15 =	vld.idx.msk [tilespmem:v10+s20+$0x0], $0xffff;
	[tilespmem:s1+$0x40] =	vst v17  }
0x95: {  	v10 =	vld.idx.msk [tilespmem:v10+s21+$0x0], $0xffff;
	[tilespmem:s1+$0xC0] =	vst v16  }
0x96: {  	v16 =	vld [tilespmem:s15+$0x80]  }
0x97: {  	v18 =	vld.idx.msk [tilespmem:v8+s20+$0x0], $0xffff  }
0x98: {  	v8 =	vld.idx.msk [tilespmem:v8+s21+$0x0], $0xffff  }
0x99: {  	[tilespmem:s0+$0xFFFFFF50] =	vst v11;
	v17 =	vld.idx.msk [tilespmem:v9+s20+$0x0], $0xffff  }
0x9a: {  	[tilespmem:s12+$0x10] =	vst v15;
	v9 =	vld.idx.msk [tilespmem:v9+s21+$0x0], $0xffff  }
0x9b: {  	v62 =	vld.idx.msk [tilespmem:v14+s20+$0x0], $0xffff;
	[tilespmem:s12+$0x90] =	vst v10  }
0x9c: {  	s18 =	simm.s32 $0x300;
	s16 =	simm.s32 $0x380;
	[tilespmem:s0+$0xFFFFFFD0] =	vst v13;
	v10 =	vld [tilespmem:s7+$0x50]  }
0x9d: {  	s14 =	sand.u32 $0x3C00, s18;
	v12 =	vld [tilespmem:s3+$0xA0];
	s3 =	sand.u32 $0x380, s16;
	[tilespmem:s12+$0xFFFFFF10] =	vst v18  }
0x9e: {  	v11 =	vld [tilespmem:s30+$0x20];
	s3 =	sor.u32 s3, s14;
	[tilespmem:s12+$0xFFFFFF90] =	vst v8  }
0x9f: {  	[tilespmem:s1+$0xFFFFFFC0] =	vst v9;
	v9 =	vld [tilespmem:s3+$0x30]  }
0xa0: {  	v8 =	vld [tilespmem:s4+$0xFFFFFFE0]  }
0xa1: {  	v19 =	vld.idx.msk [tilespmem:v16+s20+$0x0], $0xffff  }
0xa2: {  	v16 =	vld.idx.msk [tilespmem:v16+s21+$0x0], $0xffff  }
0xa3: {  	v63 =	vld.idx.msk [tilespmem:v14+s21+$0x0], $0xffff  }
0xa4: {  	v13 =	vld.idx.msk [tilespmem:v10+s20+$0x0], $0xffff  }
0xa5: {  	v10 =	vld.idx.msk [tilespmem:v10+s21+$0x0], $0xffff  }
0xa6: {  	v15 =	vld.idx.msk [tilespmem:v12+s21+$0x0], $0xffff  }
0xa7: {  	[tilespmem:s1+$0xD0] =	vst v16;
	v16 =	vld.idx.msk [tilespmem:v11+s20+$0x0], $0xffff  }
0xa8: {  	[tilespmem:s1+$0xFFFFFF40] =	vst v17;
	v17 =	vld.idx.msk [tilespmem:v8+s20+$0x0], $0xffff  }
0xa9: {  	[tilespmem:s12+$0x20] =	vst v13;
	v14 =	vld.idx.msk [tilespmem:v9+s20+$0x0], $0xffff  }
0xaa: {  	[tilespmem:s12+$0xA0] =	vst v10;
	v8 =	vld.idx.msk [tilespmem:v8+s21+$0x0], $0xffff  }
0xab: {  	v10 =	vld [tilespmem:s7+$0x60]  }
0xac: {  	[tilespmem:s1+$0x50] =	vst v19;
	v9 =	vld.idx.msk [tilespmem:v9+s21+$0x0], $0xffff  }
0xad: {  	[tilespmem:s12+$0xFFFFFF20] =	vst v17;
	v17 =	vld [tilespmem:s15+$0x90]  }
0xae: {  	v13 =	vld [tilespmem:s17+$0x10]  }
0xaf: {  	s14 =	simm.s32 $0xCF30;
	[tilespmem:s12+$0xFFFFFFA0] =	vst v8;
	v8 =	vld.idx.msk [tilespmem:v11+s21+$0x0], $0xffff  }
0xb0: {  	[tilespmem:s14+$0x0] =	vst v14;
	v11 =	vld [tilespmem:s4+$0xFFFFFFF0]  }
0xb1: {  	v12 =	vld.idx.msk [tilespmem:v12+s20+$0x0], $0xffff;
	[tilespmem:s14+$0x80] =	vst v9  }
0xb2: {  	v14 =	vld [tilespmem:s3+$0x40]  }
0xb3: {  	[tilespmem:s0+$0xF0] =	vst v15;
	v15 =	vld.idx.msk [tilespmem:v10+s20+$0x0], $0xffff  }
0xb4: {  	[tilespmem:s14+$0xFFFFFF00] =	vst v62;
	v20 =	vld.idx.msk [tilespmem:v10+s21+$0x0], $0xffff  }
0xb5: {  	[tilespmem:s0+$0xFFFFFF60] =	vst v16;
	v16 =	vld.idx.msk [tilespmem:v17+s20+$0x0], $0xffff  }
0xb6: {  	[tilespmem:s0+$0xFFFFFFE0] =	vst v8;
	v8 =	vld.idx.msk [tilespmem:v17+s21+$0x0], $0xffff  }
0xb7: {  	[tilespmem:s0+$0x70] =	vst v12;
	v10 =	vld.idx.msk [tilespmem:v13+s20+$0x0], $0xffff  }
0xb8: {  	[tilespmem:s12+$0x30] =	vst v15;
	v17 =	vld.idx.msk [tilespmem:v11+s20+$0x0], $0xffff  }
0xb9: {  	[tilespmem:s12+$0xB0] =	vst v20;
	v12 =	vld.idx.msk [tilespmem:v11+s21+$0x0], $0xffff  }
0xba: {  	v11 =	vld.idx.msk [tilespmem:v13+s21+$0x0], $0xffff;
	[tilespmem:s1+$0x60] =	vst v16  }
0xbb: {  	v13 =	vld [tilespmem:s7+$0x70];
	[tilespmem:s1+$0xE0] =	vst v8  }
0xbc: {  	[tilespmem:s14+$0xFFFFFF80] =	vst v63;
	v9 =	vld [tilespmem:s15+$0xA0]  }
0xbd: {  	v15 =	vld [tilespmem:s6+$0xFFFFFFD0]  }
0xbe: {  	p0 =	por p2, p2;
	v8 =	vld [tilespmem:s30+$0x30];
	s30 =	simm.s32 $0x470;
	s15 =	simm.s32 $0x6;
	[tilespmem:s12+$0xFFFFFF30] =	vst v17  }
.LBB2_3:
0xbf: {  	v16 =	vld [tilespmem:s30+$0xFFFFFFC0];
	[tilespmem:s12+$0xFFFFFFB0] =	vst v12  }
0xc0: {  	v12 =	vld [tilespmem:s4+$0x0];
	[tilespmem:s1+$0xFFFFFF50] =	vst v10  }
0xc1: {  	v10 =	vld.idx.msk [tilespmem:v14+s20+$0x0], $0xffff;
	[tilespmem:s1+$0xFFFFFFD0] =	vst v11  }
0xc2: {  	v11 =	vld.idx.msk [tilespmem:v14+s21+$0x0], $0xffff  }
0xc3: {  	v14 =	vld.idx.msk [tilespmem:v13+s20+$0x0], $0xffff  }
0xc4: {  	v17 =	vld.idx.msk [tilespmem:v9+s21+$0x0], $0xffff  }
0xc5: {  	v13 =	vld.idx.msk [tilespmem:v13+s21+$0x0], $0xffff  }
0xc6: {  	v18 =	vld.idx.msk [tilespmem:v15+s20+$0x0], $0xffff  }
0xc7: {  	v15 =	vld.idx.msk [tilespmem:v15+s21+$0x0], $0xffff;
	[tilespmem:s14+$0x10] =	vst v10  }
0xc8: {  	[tilespmem:s14+$0x90] =	vst v11;
	v10 =	vld.idx.msk [tilespmem:v12+s20+$0x0], $0xffff  }
0xc9: {  	v11 =	vld [tilespmem:s3+$0x50];
	[tilespmem:s12+$0x40] =	vst v14  }
0xca: {  	v9 =	vld.idx.msk [tilespmem:v9+s20+$0x0], $0xffff;
	[tilespmem:s1+$0xF0] =	vst v17  }
0xcb: {  	v12 =	vld.idx.msk [tilespmem:v12+s21+$0x0], $0xffff;
	[tilespmem:s12+$0xC0] =	vst v13  }
0xcc: {  	[tilespmem:s14+$0xFFFFFF10] =	vst v18;
	v13 =	vld [tilespmem:s7+$0x80]  }
0xcd: {  	[tilespmem:s14+$0xFFFFFF90] =	vst v15;
	v14 =	vld [tilespmem:s17+$0x20]  }
0xce: {  	v15 =	vld [tilespmem:s6+$0xFFFFFFE0];
	[tilespmem:s12+$0xFFFFFF40] =	vst v10  }
0xcf: {  	v10 =	vld.idx.msk [tilespmem:v8+s20+$0x0], $0xffff  }
0xd0: {  	[tilespmem:s1+$0x70] =	vst v9;
	v8 =	vld.idx.msk [tilespmem:v8+s21+$0x0], $0xffff  }
0xd1: {  	v9 =	vld.idx.msk [tilespmem:v16+s20+$0x0], $0xffff;
	[tilespmem:s12+$0xFFFFFFC0] =	vst v12  }
0xd2: {  	v12 =	vld.idx.msk [tilespmem:v11+s20+$0x0], $0xffff  }
0xd3: {  	v11 =	vld.idx.msk [tilespmem:v11+s21+$0x0], $0xffff  }
0xd4: {  	s18 =	sadd.s32 $0x100, s18;
	v17 =	vld.idx.msk [tilespmem:v13+s20+$0x0], $0xffff  }
0xd5: {  	s16 =	sadd.s32 $0x80, s18;
	v13 =	vld.idx.msk [tilespmem:v13+s21+$0x0], $0xffff;
	[tilespmem:s0+$0xFFFFFF70] =	vst v10  }
0xd6: {  	s2 =	sand.u32 $0x3C00, s18;
	s16 =	sand.u32 $0x380, s16;
	v10 =	vld.idx.msk [tilespmem:v15+s20+$0x0], $0xffff;
	[tilespmem:s0+$0xFFFFFFF0] =	vst v8;
	s0 =	smov.u32 s1  }
0xd7: {  	s16 =	sor.u32 s16, s2;
	s1 =	smov.u32 s12;
	s12 =	smov.u32 s14;
	v8 =	vld.idx.msk [tilespmem:v15+s21+$0x0], $0xffff  }
0xd8: {  	v15 =	vld [tilespmem:s16+$0x30];
	[tilespmem:s14+$0x20] =	vst v12  }
0xd9: {  	[tilespmem:s14+$0xA0] =	vst v11;
	v11 =	vld [tilespmem:s4+$0x10]  }
0xda: {  	v12 =	vld [tilespmem:s3+$0x60];
	[tilespmem:s1+$0x50] =	vst v17  }
0xdb: {  	[tilespmem:s1+$0xD0] =	vst v13;
	v13 =	vld.idx.msk [tilespmem:v14+s20+$0x0], $0xffff  }
0xdc: {  	[tilespmem:s14+$0xFFFFFF20] =	vst v10;
	v10 =	vld [tilespmem:s7+$0x90]  }
0xdd: {  	[tilespmem:s14+$0xFFFFFFA0] =	vst v8;
	v8 =	vld.idx.msk [tilespmem:v14+s21+$0x0], $0xffff  }
0xde: {  	v14 =	vld [tilespmem:s6+$0xFFFFFFF0]  }
0xdf: {  	v16 =	vld.idx.msk [tilespmem:v16+s21+$0x0], $0xffff  }
0xe0: {  	s15 =	sadd.s32 $0x2, s15;
	v17 =	vld.idx.msk [tilespmem:v15+s20+$0x0], $0xffff  }
0xe1: {  	p2 =	slt.u32 s15, $0x62;
	v15 =	vld.idx.msk [tilespmem:v15+s21+$0x0], $0xffff;
	[tilespmem:s0+$0xFFFFFF60] =	vst v13  }
0xe2: {  	v13 =	vld.idx.msk [tilespmem:v12+s20+$0x0], $0xffff  }
0xe3: {  	v18 =	vld.idx.msk [tilespmem:v12+s21+$0x0], $0xffff;
	[tilespmem:s0+$0xFFFFFFE0] =	vst v8  }
0xe4: {  	v8 =	vld.idx.msk [tilespmem:v10+s20+$0x0], $0xffff  }
0xe5: {  	s14 =	sadd.s32 $0x200, s14;
	v19 =	vld.idx.msk [tilespmem:v10+s21+$0x0], $0xffff  }
0xe6: {  	[tilespmem:s14+$0x0] =	vst v17;
	v17 =	vld.idx.msk [tilespmem:v14+s20+$0x0], $0xffff  }
0xe7: {  	[tilespmem:s14+$0x80] =	vst v15;
	v12 =	vld.idx.msk [tilespmem:v14+s21+$0x0], $0xffff  }
0xe8: {  	[tilespmem:s12+$0x30] =	vst v13;
	v10 =	vld.idx.msk [tilespmem:v11+s20+$0x0], $0xffff  }
0xe9: {  	v14 =	vld [tilespmem:s16+$0x40];
	[tilespmem:s12+$0xB0] =	vst v18  }
.Ltmp0:
0xea: {  	v11 =	vld.idx.msk [tilespmem:v11+s21+$0x0], $0xffff;
	[tilespmem:s1+$0x60] =	vst v8;
	(pc) =	sbr.rel @p2 .LBB2_3-.Ltmp0, $4  }
0xeb: {  	v13 =	vld [tilespmem:s3+$0x70];
	[tilespmem:s1+$0xE0] =	vst v19  }
0xec: {  	[tilespmem:s14+$0xFFFFFF00] =	vst v9;
	v9 =	vld [tilespmem:s7+$0xA0];
	s7 =	smov.u32 s3;
	s3 =	smov.u32 s16  }
0xed: {  	[tilespmem:s14+$0xFFFFFF80] =	vst v16;
	v8 =	vld [tilespmem:s17+$0x30];
	s17 =	smov.u32 s4;
	s4 =	smov.u32 s6;
	s6 =	smov.u32 s30  }
0xee: {  	s30 =	sadd.s32 $0x100, s30;
	v15 =	vld [tilespmem:s6+$0xFFFFFFD0];
	[tilespmem:s12+$0xFFFFFF30] =	vst v17  }
0xef: {  	_ =	sdelay $0x3  }
0xf0: {  	v16 =	vld.idx.msk [tilespmem:v14+s20+$0x0], $0xffff  }
0xf1: {  	v14 =	vld.idx.msk [tilespmem:v14+s21+$0x0], $0xffff;
	_ =	sdelay $0x2  }
0xf2: {  	v17 =	vld.idx.msk [tilespmem:v15+s20+$0x0], $0xffff  }
0xf3: {  	v15 =	vld.idx.msk [tilespmem:v15+s21+$0x0], $0xffff;
	[tilespmem:s14+$0x10] =	vst v16  }
0xf4: {  	[tilespmem:s14+$0x90] =	vst v14  }
0xf5: {  	v14 =	vld [tilespmem:s3+$0x50];
	_ =	sdelay $0x1  }
0xf6: {  	[tilespmem:s14+$0xFFFFFF10] =	vst v17  }
0xf7: {  	[tilespmem:s14+$0xFFFFFF90] =	vst v15  }
0xf8: {  	v15 =	vld [tilespmem:s6+$0xFFFFFFE0];
	_ =	sdelay $0x3  }
0xf9: {  	v16 =	vld.idx.msk [tilespmem:v14+s20+$0x0], $0xffff  }
0xfa: {  	v14 =	vld.idx.msk [tilespmem:v14+s21+$0x0], $0xffff;
	_ =	sdelay $0x1  }
0xfb: {  	v48 =	vld.idx.msk [tilespmem:v13+s20+$0x0], $0xffff  }
0xfc: {  	v17 =	vld.idx.msk [tilespmem:v15+s20+$0x0], $0xffff  }
0xfd: {  	v15 =	vld.idx.msk [tilespmem:v15+s21+$0x0], $0xffff;
	[tilespmem:s14+$0x20] =	vst v16  }
0xfe: {  	v13 =	vld.idx.msk [tilespmem:v13+s21+$0x0], $0xffff;
	[tilespmem:s14+$0xA0] =	vst v14  }
0xff: {  	v14 =	vld [tilespmem:s3+$0x60];
	_ =	sdelay $0x1  }
0x100: {  	[tilespmem:s14+$0xFFFFFF20] =	vst v17  }
0x101: {  	[tilespmem:s14+$0xFFFFFFA0] =	vst v15  }
0x102: {  	[tilespmem:s12+$0x40] =	vst v48;
	v15 =	vld [tilespmem:s6+$0xFFFFFFF0]  }
0x103: {  	[tilespmem:s12+$0xC0] =	vst v13  }
0x104: {  	v13 =	vld [tilespmem:s7+$0x80];
	_ =	sdelay $0x1  }
0x105: {  	[tilespmem:s12+$0xFFFFFFB0] =	vst v12;
	v12 =	vld.idx.msk [tilespmem:v14+s20+$0x0], $0xffff  }
0x106: {  	v14 =	vld.idx.msk [tilespmem:v14+s21+$0x0], $0xffff  }
0x107: {  	v49 =	vld [tilespmem:s4+$0x0];
	_ =	sdelay $0x1  }
0x108: {  	v17 =	vld.idx.msk [tilespmem:v15+s20+$0x0], $0xffff  }
0x109: {  	v15 =	vld.idx.msk [tilespmem:v15+s21+$0x0], $0xffff;
	[tilespmem:s14+$0x30] =	vst v12  }
0x10a: {  	v50 =	vld.idx.msk [tilespmem:v13+s20+$0x0], $0xffff;
	[tilespmem:s14+$0xB0] =	vst v14  }
0x10b: {  	v12 =	vld [tilespmem:s3+$0x70]  }
0x10c: {  	[tilespmem:s1+$0xFFFFFFD0] =	vst v11;
	v13 =	vld.idx.msk [tilespmem:v13+s21+$0x0], $0xffff  }
0x10d: {  	[tilespmem:s14+$0xFFFFFF30] =	vst v17  }
0x10e: {  	v11 =	vld.idx.msk [tilespmem:v49+s21+$0x0], $0xffff;
	[tilespmem:s14+$0xFFFFFFB0] =	vst v15  }
0x10f: {  	v14 =	vld [tilespmem:s6+$0x0]  }
0x110: {  	[tilespmem:s12+$0x50] =	vst v50;
	v15 =	vld.idx.msk [tilespmem:v49+s20+$0x0], $0xffff  }
0x111: {  	[tilespmem:s12+$0xD0] =	vst v13  }
0x112: {  	v51 =	vld [tilespmem:s7+$0x90]  }
0x113: {  	[tilespmem:s1+$0xFFFFFF50] =	vst v10;
	v18 =	vld.idx.msk [tilespmem:v12+s20+$0x0], $0xffff  }
0x114: {  	[tilespmem:s12+$0xFFFFFFC0] =	vst v11;
	v10 =	vld.idx.msk [tilespmem:v12+s21+$0x0], $0xffff  }
0x115: {  	v12 =	vld [tilespmem:s17+$0x20];
	[tilespmem:s12+$0xFFFFFF40] =	vst v15  }
0x116: {  	v11 =	vld [tilespmem:s4+$0x10]  }
0x117: {  	v13 =	vld.idx.msk [tilespmem:v14+s20+$0x0], $0xffff  }
0x118: {  	v14 =	vld.idx.msk [tilespmem:v14+s21+$0x0], $0xffff;
	[tilespmem:s14+$0x40] =	vst v18  }
0x119: {  	[tilespmem:s14+$0xC0] =	vst v10  }
0x11a: {  	v10 =	vld [tilespmem:s3+$0x80]  }
0x11b: {  	v16 =	vld.idx.msk [tilespmem:v51+s21+$0x0], $0xffff  }
0x11c: {  	v15 =	vld.idx.msk [tilespmem:v51+s20+$0x0], $0xffff;
	[tilespmem:s14+$0xFFFFFF40] =	vst v13  }
0x11d: {  	[tilespmem:s14+$0xFFFFFFC0] =	vst v14;
	v14 =	vld.idx.msk [tilespmem:v12+s20+$0x0], $0xffff  }
0x11e: {  	v13 =	vld [tilespmem:s6+$0x10]  }
0x11f: {  	v53 =	vld.idx.msk [tilespmem:v11+s20+$0x0], $0xffff  }
0x120: {  	v12 =	vld.idx.msk [tilespmem:v12+s21+$0x0], $0xffff  }
0x121: {  	[tilespmem:s12+$0xE0] =	vst v16;
	v11 =	vld.idx.msk [tilespmem:v11+s21+$0x0], $0xffff  }
0x122: {  	[tilespmem:s12+$0x60] =	vst v15;
	v52 =	vld.idx.msk [tilespmem:v10+s20+$0x0], $0xffff  }
0x123: {  	v10 =	vld.idx.msk [tilespmem:v10+s21+$0x0], $0xffff;
	[tilespmem:s1+$0xFFFFFF60] =	vst v14  }
0x124: {  	[tilespmem:s12+$0xFFFFFF50] =	vst v53  }
0x125: {  	[tilespmem:s1+$0xFFFFFFE0] =	vst v12;
	v12 =	vld [tilespmem:s7+$0xA0]  }
0x126: {  	[tilespmem:s12+$0xFFFFFFD0] =	vst v11;
	v14 =	vld.idx.msk [tilespmem:v13+s20+$0x0], $0xffff  }
0x127: {  	v13 =	vld.idx.msk [tilespmem:v13+s21+$0x0], $0xffff;
	[tilespmem:s14+$0x50] =	vst v52  }
0x128: {  	v11 =	vld [tilespmem:s4+$0x20];
	[tilespmem:s14+$0xD0] =	vst v10  }
0x129: {  	v10 =	vld [tilespmem:s3+$0x90];
	_ =	sdelay $0x1  }
0x12a: {  	[tilespmem:s14+$0xFFFFFF50] =	vst v14  }
0x12b: {  	v15 =	vld [tilespmem:s17+$0x30];
	[tilespmem:s14+$0xFFFFFFD0] =	vst v13  }
0x12c: {  	v13 =	vld [tilespmem:s6+$0x20]  }
0x12d: {  	v57 =	vld.idx.msk [tilespmem:v12+s21+$0x0], $0xffff  }
0x12e: {  	v12 =	vld.idx.msk [tilespmem:v12+s20+$0x0], $0xffff  }
0x12f: {  	v55 =	vld.idx.msk [tilespmem:v11+s20+$0x0], $0xffff  }
0x130: {  	v54 =	vld.idx.msk [tilespmem:v10+s20+$0x0], $0xffff  }
0x131: {  	v10 =	vld.idx.msk [tilespmem:v10+s21+$0x0], $0xffff  }
0x132: {  	v11 =	vld.idx.msk [tilespmem:v11+s21+$0x0], $0xffff  }
0x133: {  	v14 =	vld.idx.msk [tilespmem:v9+s21+$0x0], $0xffff  }
0x134: {  	[tilespmem:s12+$0xFFFFFF60] =	vst v55;
	v56 =	vld.idx.msk [tilespmem:v13+s20+$0x0], $0xffff  }
0x135: {  	v13 =	vld.idx.msk [tilespmem:v13+s21+$0x0], $0xffff;
	[tilespmem:s14+$0x60] =	vst v54  }
0x136: {  	v9 =	vld.idx.msk [tilespmem:v9+s20+$0x0], $0xffff;
	[tilespmem:s14+$0xE0] =	vst v10  }
0x137: {  	[tilespmem:s12+$0xFFFFFFE0] =	vst v11;
	v16 =	vld [tilespmem:s3+$0xA0]  }
0x138: {  	v11 =	vld [tilespmem:s4+$0x30]  }
0x139: {  	v10 =	vld.idx.msk [tilespmem:v8+s20+$0x0], $0xffff;
	[tilespmem:s14+$0xFFFFFF60] =	vst v56  }
0x13a: {  	v8 =	vld.idx.msk [tilespmem:v8+s21+$0x0], $0xffff;
	[tilespmem:s14+$0xFFFFFFE0] =	vst v13  }
0x13b: {  	v13 =	vld [tilespmem:s6+$0x30]  }
0x13c: {  	[tilespmem:s1+$0x70] =	vst v9;
	v9 =	vld.idx.msk [tilespmem:v15+s20+$0x0], $0xffff  }
0x13d: {  	[tilespmem:s12+$0xF0] =	vst v57  }
0x13e: {  	[tilespmem:s0+$0xFFFFFF70] =	vst v10;
	v10 =	vld.idx.msk [tilespmem:v15+s21+$0x0], $0xffff  }
0x13f: {  	[tilespmem:s0+$0xFFFFFFF0] =	vst v8;
	v8 =	vld.idx.msk [tilespmem:v16+s21+$0x0], $0xffff  }
0x140: {  	[tilespmem:s12+$0x70] =	vst v12;
	v12 =	vld.idx.msk [tilespmem:v11+s20+$0x0], $0xffff  }
0x141: {  	[tilespmem:s1+$0xFFFFFF70] =	vst v9;
	v9 =	vld.idx.msk [tilespmem:v11+s21+$0x0], $0xffff  }
0x142: {  	[tilespmem:s1+$0xF0] =	vst v14;
	v14 =	vld.idx.msk [tilespmem:v16+s20+$0x0], $0xffff  }
0x143: {  	[tilespmem:s1+$0xFFFFFFF0] =	vst v10;
	v10 =	vld.idx.msk [tilespmem:v13+s20+$0x0], $0xffff  }
0x144: {  	[tilespmem:s14+$0xF0] =	vst v8;
	v8 =	vld.idx.msk [tilespmem:v13+s21+$0x0], $0xffff  }
0x145: {  	[tilespmem:s12+$0xFFFFFF70] =	vst v12  }
0x146: {  	[tilespmem:s12+$0xFFFFFFF0] =	vst v9  }
0x147: {  	[tilespmem:s14+$0x70] =	vst v14  }
0x148: {  	s0 =	sor.u32 s10, s31;
	[tilespmem:s14+$0xFFFFFF70] =	vst v10  }
0x149: {  	s30 =	sadd.s32 s5, s0;
	s1 =	simm.s32 @p1 $0x4;
	[tilespmem:s14+$0xFFFFFFF0] =	vst v8  }
0x14a: {  	[hbm4b:s30+s22] =	stream.strided.scatter [tilespmem:s24], [sflag:$0x3], $0x6400, s23, s22, $0x38;
	[tilespmem:$0x19030] =	vst v63  }
0x14b: {  	_ =	swait.ge @p1 [sflag:s1], $0x6400  }
0x14c: {  	[sflag:s1] =	ssyncset.done @p1 $0x0  }
0x14d: {  	s4 =	simm.s32 $0x3320;
	[sflag:s1] =	ssyncadd.s32 @p1 $0xFFFF9C00  }
0x14e: {  	v8 =	vld [tilespmem:s4+$0xFFFFFF90];
	_ =	sdelay $0x1  }
0x14f: {  	v9 =	vld [tilespmem:s4+$0xFFFFFF10];
	_ =	sdelay $0x5  }
0x150: {  	v10 =	vld.idx.msk [tilespmem:v8+s20+$0x0], $0xffff  }
0x151: {  	v8 =	vld.idx.msk [tilespmem:v8+s21+$0x0], $0xffff  }
0x152: {  	v11 =	vld.idx.msk [tilespmem:v9+s20+$0x0], $0xffff  }
0x153: {  	v9 =	vld.idx.msk [tilespmem:v9+s21+$0x0], $0xffff  }
0x154: {  	s1 =	simm.s32 $0x12D30  }
0x155: {  	[tilespmem:s1+$0x0] =	vst v10  }
0x156: {  	[tilespmem:s1+$0x80] =	vst v8  }
0x157: {  	[tilespmem:s1+$0xFFFFFF00] =	vst v11;
	v8 =	vld [tilespmem:s4+$0xFFFFFFA0]  }
0x158: {  	[tilespmem:s1+$0xFFFFFF80] =	vst v9  }
0x159: {  	v9 =	vld [tilespmem:s4+$0xFFFFFF20];
	_ =	sdelay $0x5  }
0x15a: {  	v10 =	vld.idx.msk [tilespmem:v8+s20+$0x0], $0xffff  }
0x15b: {  	v8 =	vld.idx.msk [tilespmem:v8+s21+$0x0], $0xffff  }
0x15c: {  	v11 =	vld.idx.msk [tilespmem:v9+s20+$0x0], $0xffff  }
0x15d: {  	v9 =	vld.idx.msk [tilespmem:v9+s21+$0x0], $0xffff;
	_ =	sdelay $0x1  }
0x15e: {  	[tilespmem:s1+$0x10] =	vst v10  }
0x15f: {  	[tilespmem:s1+$0x90] =	vst v8  }
0x160: {  	[tilespmem:s1+$0xFFFFFF10] =	vst v11  }
0x161: {  	[tilespmem:s1+$0xFFFFFF90] =	vst v9;
	v8 =	vld [tilespmem:s4+$0xFFFFFFB0]  }
0x162: {  	v9 =	vld [tilespmem:s4+$0xFFFFFF30];
	_ =	sdelay $0x3  }
0x163: {  	s6 =	simm.s32 $0x3420  }
0x164: {  	v12 =	vld [tilespmem:s6+$0xFFFFFF90];
	_ =	sdelay $0x1  }
0x165: {  	v10 =	vld.idx.msk [tilespmem:v8+s20+$0x0], $0xffff  }
0x166: {  	v11 =	vld.idx.msk [tilespmem:v9+s20+$0x0], $0xffff;
	_ =	sdelay $0x1  }
0x167: {  	v8 =	vld.idx.msk [tilespmem:v8+s21+$0x0], $0xffff  }
0x168: {  	v9 =	vld.idx.msk [tilespmem:v9+s21+$0x0], $0xffff  }
0x169: {  	[tilespmem:s1+$0x20] =	vst v10;
	v10 =	vld [tilespmem:s6+$0xFFFFFF10]  }
0x16a: {  	[tilespmem:s1+$0xFFFFFF20] =	vst v11;
	v11 =	vld.idx.msk [tilespmem:v12+s20+$0x0], $0xffff  }
0x16b: {  	v12 =	vld.idx.msk [tilespmem:v12+s21+$0x0], $0xffff  }
0x16c: {  	[tilespmem:s1+$0xA0] =	vst v8  }
0x16d: {  	v8 =	vld [tilespmem:s4+$0xFFFFFFC0]  }
0x16e: {  	s7 =	simm.s32 $0x12F30  }
0x16f: {  	[tilespmem:s7+$0x0] =	vst v11  }
0x170: {  	[tilespmem:s7+$0x80] =	vst v12  }
0x171: {  	v11 =	vld [tilespmem:s6+$0xFFFFFFA0]  }
0x172: {  	v14 =	vld.idx.msk [tilespmem:v10+s20+$0x0], $0xffff  }
0x173: {  	[tilespmem:s1+$0xFFFFFFA0] =	vst v9;
	v10 =	vld.idx.msk [tilespmem:v10+s21+$0x0], $0xffff  }
0x174: {  	v9 =	vld [tilespmem:s4+$0xFFFFFF40]  }
0x175: {  	v13 =	vld.idx.msk [tilespmem:v8+s20+$0x0], $0xffff;
	_ =	sdelay $0x1  }
0x176: {  	v8 =	vld.idx.msk [tilespmem:v8+s21+$0x0], $0xffff;
	[tilespmem:s7+$0xFFFFFF00] =	vst v14  }
0x177: {  	[tilespmem:s7+$0xFFFFFF80] =	vst v10  }
0x178: {  	v10 =	vld [tilespmem:s6+$0xFFFFFF20]  }
0x179: {  	[tilespmem:s1+$0x30] =	vst v13;
	v13 =	vld.idx.msk [tilespmem:v11+s20+$0x0], $0xffff  }
0x17a: {  	v11 =	vld.idx.msk [tilespmem:v11+s21+$0x0], $0xffff  }
0x17b: {  	v12 =	vld.idx.msk [tilespmem:v9+s20+$0x0], $0xffff;
	[tilespmem:s1+$0xB0] =	vst v8  }
0x17c: {  	v8 =	vld [tilespmem:s4+$0xFFFFFFD0]  }
0x17d: {  	v9 =	vld.idx.msk [tilespmem:v9+s21+$0x0], $0xffff  }
0x17e: {  	[tilespmem:s7+$0x10] =	vst v13  }
0x17f: {  	[tilespmem:s7+$0x90] =	vst v11  }
0x180: {  	v11 =	vld [tilespmem:s6+$0xFFFFFFB0]  }
0x181: {  	[tilespmem:s1+$0xFFFFFF30] =	vst v12;
	v12 =	vld.idx.msk [tilespmem:v10+s20+$0x0], $0xffff  }
0x182: {  	[tilespmem:s1+$0xFFFFFFB0] =	vst v9;
	v9 =	vld.idx.msk [tilespmem:v10+s21+$0x0], $0xffff  }
0x183: {  	v10 =	vld [tilespmem:s4+$0xFFFFFF50]  }
0x184: {  	v14 =	vld.idx.msk [tilespmem:v8+s20+$0x0], $0xffff  }
0x185: {  	v8 =	vld.idx.msk [tilespmem:v8+s21+$0x0], $0xffff  }
0x186: {  	[tilespmem:s7+$0xFFFFFF10] =	vst v12  }
0x187: {  	[tilespmem:s7+$0xFFFFFF90] =	vst v9  }
0x188: {  	v9 =	vld [tilespmem:s6+$0xFFFFFF30]  }
0x189: {  	[tilespmem:s1+$0x40] =	vst v14;
	v13 =	vld.idx.msk [tilespmem:v11+s20+$0x0], $0xffff  }
0x18a: {  	[tilespmem:s1+$0xC0] =	vst v8;
	v11 =	vld.idx.msk [tilespmem:v11+s21+$0x0], $0xffff  }
0x18b: {  	v8 =	vld [tilespmem:s4+$0xFFFFFFE0]  }
0x18c: {  	v12 =	vld.idx.msk [tilespmem:v10+s20+$0x0], $0xffff;
	_ =	sdelay $0x1  }
0x18d: {  	[tilespmem:s7+$0x20] =	vst v13  }
0x18e: {  	v10 =	vld.idx.msk [tilespmem:v10+s21+$0x0], $0xffff;
	[tilespmem:s7+$0xA0] =	vst v11  }
0x18f: {  	s3 =	simm.s32 $0x3520;
	v11 =	vld [tilespmem:s6+$0xFFFFFFC0]  }
0x190: {  	[tilespmem:s1+$0xFFFFFF40] =	vst v12;
	v12 =	vld [tilespmem:s3+$0xFFFFFF90]  }
0x191: {  	v15 =	vld.idx.msk [tilespmem:v9+s20+$0x0], $0xffff  }
0x192: {  	v14 =	vld.idx.msk [tilespmem:v8+s20+$0x0], $0xffff  }
0x193: {  	v8 =	vld.idx.msk [tilespmem:v8+s21+$0x0], $0xffff;
	_ =	sdelay $0x1  }
0x194: {  	[tilespmem:s1+$0xFFFFFFC0] =	vst v10;
	v10 =	vld [tilespmem:s3+$0xFFFFFF10]  }
0x195: {  	v9 =	vld.idx.msk [tilespmem:v9+s21+$0x0], $0xffff;
	[tilespmem:s7+$0xFFFFFF20] =	vst v15  }
0x196: {  	v13 =	vld [tilespmem:s4+$0xFFFFFF60];
	[tilespmem:s1+$0x50] =	vst v14  }
0x197: {  	[tilespmem:s1+$0xD0] =	vst v8;
	v15 =	vld.idx.msk [tilespmem:v11+s20+$0x0], $0xffff  }
0x198: {  	v8 =	vld [tilespmem:s4+$0xFFFFFFF0]  }
0x199: {  	v11 =	vld.idx.msk [tilespmem:v11+s21+$0x0], $0xffff  }
0x19a: {  	[tilespmem:s7+$0xFFFFFFA0] =	vst v9;
	v14 =	vld.idx.msk [tilespmem:v12+s20+$0x0], $0xffff  }
0x19b: {  	v9 =	vld [tilespmem:s6+$0xFFFFFF40]  }
0x19c: {  	v12 =	vld.idx.msk [tilespmem:v12+s21+$0x0], $0xffff  }
0x19d: {  	v59 =	vld.idx.msk [tilespmem:v10+s20+$0x0], $0xffff;
	[tilespmem:s7+$0x30] =	vst v15  }
0x19e: {  	s14 =	simm.s32 $0x13130;
	v10 =	vld.idx.msk [tilespmem:v10+s21+$0x0], $0xffff;
	[tilespmem:s7+$0xB0] =	vst v11  }
0x19f: {  	[tilespmem:s14+$0x0] =	vst v14;
	v14 =	vld [tilespmem:s6+$0xFFFFFFD0]  }
0x1a0: {  	v58 =	vld.idx.msk [tilespmem:v8+s20+$0x0], $0xffff  }
0x1a1: {  	[tilespmem:s14+$0x80] =	vst v12;
	v8 =	vld.idx.msk [tilespmem:v8+s21+$0x0], $0xffff  }
0x1a2: {  	v12 =	vld [tilespmem:s3+$0xFFFFFFA0]  }
0x1a3: {  	v11 =	vld.idx.msk [tilespmem:v9+s20+$0x0], $0xffff  }
0x1a4: {  	[tilespmem:s14+$0xFFFFFF00] =	vst v59;
	v9 =	vld.idx.msk [tilespmem:v9+s21+$0x0], $0xffff  }
0x1a5: {  	[tilespmem:s14+$0xFFFFFF80] =	vst v10  }
0x1a6: {  	[tilespmem:s1+$0xE0] =	vst v8;
	v8 =	vld [tilespmem:s3+$0xFFFFFF20]  }
0x1a7: {  	v15 =	vld.idx.msk [tilespmem:v13+s20+$0x0], $0xffff  }
0x1a8: {  	[tilespmem:s7+$0xFFFFFF30] =	vst v11;
	v61 =	vld.idx.msk [tilespmem:v14+s20+$0x0], $0xffff  }
0x1a9: {  	[tilespmem:s7+$0xFFFFFFB0] =	vst v9;
	v11 =	vld.idx.msk [tilespmem:v14+s21+$0x0], $0xffff  }
0x1aa: {  	v14 =	vld [tilespmem:s6+$0xFFFFFF50]  }
0x1ab: {  	v60 =	vld.idx.msk [tilespmem:v12+s20+$0x0], $0xffff  }
0x1ac: {  	[tilespmem:s1+$0x60] =	vst v58;
	v12 =	vld.idx.msk [tilespmem:v12+s21+$0x0], $0xffff  }
0x1ad: {  	v10 =	vld [tilespmem:s4+$0x0]  }
0x1ae: {  	[tilespmem:s7+$0x40] =	vst v61;
	v9 =	vld.idx.msk [tilespmem:v8+s20+$0x0], $0xffff  }
0x1af: {  	[tilespmem:s7+$0xC0] =	vst v11;
	v8 =	vld.idx.msk [tilespmem:v8+s21+$0x0], $0xffff  }
0x1b0: {  	v13 =	vld.idx.msk [tilespmem:v13+s21+$0x0], $0xffff;
	[tilespmem:s14+$0x10] =	vst v60  }
0x1b1: {  	[tilespmem:s14+$0x90] =	vst v12;
	v17 =	vld [tilespmem:s6+$0xFFFFFFE0]  }
0x1b2: {  	[tilespmem:s1+$0xFFFFFF50] =	vst v15;
	v15 =	vld [tilespmem:s3+$0xFFFFFFB0]  }
0x1b3: {  	v19 =	vld.idx.msk [tilespmem:v14+s20+$0x0], $0xffff;
	[tilespmem:s14+$0xFFFFFF10] =	vst v9  }
0x1b4: {  	v20 =	vld.idx.msk [tilespmem:v14+s21+$0x0], $0xffff;
	[tilespmem:s14+$0xFFFFFF90] =	vst v8  }
0x1b5: {  	v63 =	vld [tilespmem:s3+$0xFFFFFF30]  }
0x1b6: {  	v62 =	vld.idx.msk [tilespmem:v10+s21+$0x0], $0xffff  }
0x1b7: {  	[tilespmem:s1+$0xFFFFFFD0] =	vst v13;
	v10 =	vld.idx.msk [tilespmem:v10+s20+$0x0], $0xffff  }
0x1b8: {  	v8 =	vld [tilespmem:s4+$0xFFFFFF70]  }
0x1b9: {  	v9 =	vld.idx.msk [tilespmem:v17+s20+$0x0], $0xffff  }
0x1ba: {  	v12 =	vld.idx.msk [tilespmem:v15+s20+$0x0], $0xffff  }
0x1bb: {  	[tilespmem:s7+$0xFFFFFF40] =	vst v19;
	v11 =	vld.idx.msk [tilespmem:v15+s21+$0x0], $0xffff  }
0x1bc: {  	[tilespmem:s1+$0x70] =	vst v10;
	v10 =	vld.idx.msk [tilespmem:v17+s21+$0x0], $0xffff  }
0x1bd: {  	[tilespmem:s7+$0xFFFFFFC0] =	vst v20;
	v13 =	vld.idx.msk [tilespmem:v63+s20+$0x0], $0xffff  }
0x1be: {  	s15 =	simm.s32 $0x4;
	s17 =	simm.s32 $0x3620;
	s12 =	simm.s32 $0x13130;
	[tilespmem:s1+$0xF0] =	vst v62;
	v14 =	vld.idx.msk [tilespmem:v63+s21+$0x0], $0xffff  }
.LBB2_5:
0x1bf: {  	v15 =	vld [tilespmem:s17+$0xFFFFFF90];
	[tilespmem:s14+$0x20] =	vst v12  }
0x1c0: {  	v12 =	vld [tilespmem:s17+$0xFFFFFF10];
	[tilespmem:s14+$0xA0] =	vst v11  }
0x1c1: {  	v11 =	vld [tilespmem:s3+$0xFFFFFFC0];
	[tilespmem:s7+$0x50] =	vst v9  }
0x1c2: {  	v9 =	vld [tilespmem:s6+$0xFFFFFF60];
	[tilespmem:s7+$0xD0] =	vst v10  }
0x1c3: {  	[tilespmem:s14+$0xFFFFFF20] =	vst v13;
	v10 =	vld [tilespmem:s6+$0xFFFFFFF0]  }
0x1c4: {  	[tilespmem:s14+$0xFFFFFFA0] =	vst v14;
	v13 =	vld.idx.msk [tilespmem:v8+s20+$0x0], $0xffff  }
0x1c5: {  	v14 =	vld [tilespmem:s3+$0xFFFFFF40]  }
0x1c6: {  	v8 =	vld.idx.msk [tilespmem:v8+s21+$0x0], $0xffff  }
0x1c7: {  	v16 =	vld.idx.msk [tilespmem:v15+s20+$0x0], $0xffff  }
0x1c8: {  	v15 =	vld.idx.msk [tilespmem:v15+s21+$0x0], $0xffff  }
0x1c9: {  	v17 =	vld.idx.msk [tilespmem:v11+s20+$0x0], $0xffff  }
0x1ca: {  	s15 =	sadd.s32 $0x2, s15;
	v11 =	vld.idx.msk [tilespmem:v11+s21+$0x0], $0xffff;
	[tilespmem:s1+$0xFFFFFF60] =	vst v13  }
0x1cb: {  	p1 =	slt.u32 s15, $0x62;
	v13 =	vld.idx.msk [tilespmem:v10+s20+$0x0], $0xffff  }
0x1cc: {  	s14 =	sadd.s32 $0x200, s14;
	v10 =	vld.idx.msk [tilespmem:v10+s21+$0x0], $0xffff;
	[tilespmem:s1+$0xFFFFFFE0] =	vst v8  }
0x1cd: {  	v8 =	vld.idx.msk [tilespmem:v12+s20+$0x0], $0xffff;
	[tilespmem:s14+$0x0] =	vst v16  }
0x1ce: {  	v12 =	vld.idx.msk [tilespmem:v12+s21+$0x0], $0xffff;
	[tilespmem:s14+$0x80] =	vst v15  }
0x1cf: {  	v15 =	vld.idx.msk [tilespmem:v14+s20+$0x0], $0xffff;
	[tilespmem:s12+$0x30] =	vst v17  }
0x1d0: {  	v16 =	vld [tilespmem:s17+$0xFFFFFFA0];
	[tilespmem:s12+$0xB0] =	vst v11  }
0x1d1: {  	v11 =	vld.idx.msk [tilespmem:v14+s21+$0x0], $0xffff;
	[tilespmem:s7+$0x60] =	vst v13  }
0x1d2: {  	v13 =	vld [tilespmem:s3+$0xFFFFFFD0];
	[tilespmem:s7+$0xE0] =	vst v10  }
0x1d3: {  	[tilespmem:s14+$0xFFFFFF00] =	vst v8;
	v8 =	vld [tilespmem:s6+$0x0]  }
0x1d4: {  	[tilespmem:s14+$0xFFFFFF80] =	vst v12;
	v10 =	vld.idx.msk [tilespmem:v9+s20+$0x0], $0xffff  }
0x1d5: {  	v12 =	vld [tilespmem:s17+$0xFFFFFF20];
	[tilespmem:s12+$0xFFFFFF30] =	vst v15  }
0x1d6: {  	v9 =	vld.idx.msk [tilespmem:v9+s21+$0x0], $0xffff  }
0x1d7: {  	[tilespmem:s12+$0xFFFFFFB0] =	vst v11;
	v11 =	vld [tilespmem:s4+$0xFFFFFF80];
	s4 =	smov.u32 s6;
	s6 =	smov.u32 s3;
	s3 =	smov.u32 s17  }
0x1d8: {  	v14 =	vld.idx.msk [tilespmem:v16+s20+$0x0], $0xffff  }
0x1d9: {  	v15 =	vld.idx.msk [tilespmem:v16+s21+$0x0], $0xffff  }
0x1da: {  	v16 =	vld.idx.msk [tilespmem:v13+s20+$0x0], $0xffff;
	[tilespmem:s7+$0xFFFFFF50] =	vst v10  }
0x1db: {  	v10 =	vld.idx.msk [tilespmem:v8+s21+$0x0], $0xffff  }
0x1dc: {  	v13 =	vld.idx.msk [tilespmem:v13+s21+$0x0], $0xffff;
	[tilespmem:s7+$0xFFFFFFD0] =	vst v9  }
0x1dd: {  	v9 =	vld.idx.msk [tilespmem:v12+s20+$0x0], $0xffff  }
0x1de: {  	v12 =	vld.idx.msk [tilespmem:v12+s21+$0x0], $0xffff;
	[tilespmem:s14+$0x10] =	vst v14  }
0x1df: {  	[tilespmem:s14+$0x90] =	vst v15;
	v14 =	vld [tilespmem:s6+$0xFFFFFF50]  }
0x1e0: {  	v15 =	vld [tilespmem:s17+$0xFFFFFFB0];
	[tilespmem:s12+$0x40] =	vst v16  }
0x1e1: {  	v16 =	vld.idx.msk [tilespmem:v8+s20+$0x0], $0xffff;
	[tilespmem:s7+$0xF0] =	vst v10  }
0x1e2: {  	[tilespmem:s12+$0xC0] =	vst v13;
	v8 =	vld [tilespmem:s4+$0xFFFFFF70]  }
0x1e3: {  	[tilespmem:s14+$0xFFFFFF10] =	vst v9;
	v10 =	vld [tilespmem:s6+$0xFFFFFFE0]  }
0x1e4: {  	[tilespmem:s14+$0xFFFFFF90] =	vst v12;
	v9 =	vld.idx.msk [tilespmem:v11+s20+$0x0], $0xffff  }
0x1e5: {  	v17 =	vld [tilespmem:s17+$0xFFFFFF30]  }
0x1e6: {  	v13 =	vld.idx.msk [tilespmem:v11+s21+$0x0], $0xffff  }
0x1e7: {  	v18 =	vld.idx.msk [tilespmem:v14+s20+$0x0], $0xffff;
	[tilespmem:s7+$0x70] =	vst v16  }
0x1e8: {  	v16 =	vld.idx.msk [tilespmem:v14+s21+$0x0], $0xffff  }
0x1e9: {  	v12 =	vld.idx.msk [tilespmem:v15+s20+$0x0], $0xffff  }
.Ltmp1:
0x1ea: {  	v11 =	vld.idx.msk [tilespmem:v15+s21+$0x0], $0xffff;
	[tilespmem:s1+$0xFFFFFF70] =	vst v9;
	(pc) =	sbr.rel @p1 .LBB2_5-.Ltmp1, $4  }
0x1eb: {  	v9 =	vld.idx.msk [tilespmem:v10+s20+$0x0], $0xffff  }
0x1ec: {  	v10 =	vld.idx.msk [tilespmem:v10+s21+$0x0], $0xffff;
	[tilespmem:s1+$0xFFFFFFF0] =	vst v13;
	s1 =	smov.u32 s7;
	s7 =	smov.u32 s12;
	s12 =	smov.u32 s14  }
0x1ed: {  	v13 =	vld.idx.msk [tilespmem:v17+s20+$0x0], $0xffff;
	[tilespmem:s7+$0xFFFFFF40] =	vst v18  }
0x1ee: {  	s17 =	sadd.s32 $0x100, s17;
	v14 =	vld.idx.msk [tilespmem:v17+s21+$0x0], $0xffff;
	[tilespmem:s7+$0xFFFFFFC0] =	vst v16  }
0x1ef: {  	_ = 	snop  }
0x1f0: {  	[tilespmem:s14+$0x20] =	vst v12  }
0x1f1: {  	[tilespmem:s14+$0xA0] =	vst v11  }
0x1f2: {  	v11 =	vld [tilespmem:s3+$0xFFFFFFC0];
	[tilespmem:s14+$0xFFFFFF20] =	vst v13  }
0x1f3: {  	[tilespmem:s14+$0xFFFFFFA0] =	vst v14  }
0x1f4: {  	v12 =	vld [tilespmem:s3+$0xFFFFFF40];
	_ =	sdelay $0x5  }
0x1f5: {  	v13 =	vld.idx.msk [tilespmem:v11+s20+$0x0], $0xffff  }
0x1f6: {  	v11 =	vld.idx.msk [tilespmem:v11+s21+$0x0], $0xffff  }
0x1f7: {  	v14 =	vld.idx.msk [tilespmem:v12+s20+$0x0], $0xffff  }
0x1f8: {  	v12 =	vld.idx.msk [tilespmem:v12+s21+$0x0], $0xffff;
	_ =	sdelay $0x1  }
0x1f9: {  	[tilespmem:s12+$0x30] =	vst v13  }
0x1fa: {  	[tilespmem:s12+$0xB0] =	vst v11  }
0x1fb: {  	v11 =	vld [tilespmem:s3+$0xFFFFFFD0];
	[tilespmem:s12+$0xFFFFFF30] =	vst v14  }
0x1fc: {  	[tilespmem:s12+$0xFFFFFFB0] =	vst v12  }
0x1fd: {  	v12 =	vld [tilespmem:s3+$0xFFFFFF50];
	_ =	sdelay $0x5  }
0x1fe: {  	v13 =	vld.idx.msk [tilespmem:v11+s20+$0x0], $0xffff  }
0x1ff: {  	v11 =	vld.idx.msk [tilespmem:v11+s21+$0x0], $0xffff  }
0x200: {  	[tilespmem:s7+$0x50] =	vst v9;
	v9 =	vld.idx.msk [tilespmem:v12+s20+$0x0], $0xffff  }
0x201: {  	[tilespmem:s7+$0xD0] =	vst v10;
	v10 =	vld.idx.msk [tilespmem:v12+s21+$0x0], $0xffff  }
0x202: {  	v12 =	vld [tilespmem:s6+$0xFFFFFFF0]  }
0x203: {  	[tilespmem:s12+$0x40] =	vst v13;
	v13 =	vld [tilespmem:s6+$0xFFFFFF60]  }
0x204: {  	[tilespmem:s12+$0xC0] =	vst v11  }
0x205: {  	v11 =	vld [tilespmem:s3+$0xFFFFFFE0];
	[tilespmem:s12+$0xFFFFFF40] =	vst v9  }
0x206: {  	[tilespmem:s12+$0xFFFFFFC0] =	vst v10  }
0x207: {  	v9 =	vld [tilespmem:s3+$0xFFFFFF60]  }
0x208: {  	v10 =	vld.idx.msk [tilespmem:v8+s20+$0x0], $0xffff  }
0x209: {  	v8 =	vld.idx.msk [tilespmem:v8+s21+$0x0], $0xffff  }
0x20a: {  	v14 =	vld.idx.msk [tilespmem:v12+s20+$0x0], $0xffff  }
0x20b: {  	v16 =	vld.idx.msk [tilespmem:v13+s20+$0x0], $0xffff  }
0x20c: {  	v13 =	vld.idx.msk [tilespmem:v13+s21+$0x0], $0xffff  }
0x20d: {  	v15 =	vld.idx.msk [tilespmem:v11+s20+$0x0], $0xffff  }
0x20e: {  	v11 =	vld.idx.msk [tilespmem:v11+s21+$0x0], $0xffff  }
0x20f: {  	[tilespmem:s1+$0xFFFFFF60] =	vst v10;
	v10 =	vld.idx.msk [tilespmem:v9+s20+$0x0], $0xffff  }
0x210: {  	v9 =	vld.idx.msk [tilespmem:v9+s21+$0x0], $0xffff;
	[tilespmem:s7+$0xFFFFFF50] =	vst v16  }
0x211: {  	v12 =	vld.idx.msk [tilespmem:v12+s21+$0x0], $0xffff;
	[tilespmem:s7+$0xFFFFFFD0] =	vst v13  }
0x212: {  	[tilespmem:s12+$0x50] =	vst v15;
	v13 =	vld [tilespmem:s6+$0xFFFFFF70]  }
0x213: {  	[tilespmem:s12+$0xD0] =	vst v11  }
0x214: {  	v11 =	vld [tilespmem:s3+$0xFFFFFFF0];
	[tilespmem:s12+$0xFFFFFF50] =	vst v10  }
0x215: {  	[tilespmem:s12+$0xFFFFFFD0] =	vst v9  }
0x216: {  	[tilespmem:s7+$0x60] =	vst v14;
	v9 =	vld [tilespmem:s3+$0xFFFFFF70]  }
0x217: {  	[tilespmem:s7+$0xE0] =	vst v12  }
0x218: {  	[tilespmem:s1+$0xFFFFFFE0] =	vst v8;
	v8 =	vld [tilespmem:s6+$0x0]  }
0x219: {  	v10 =	vld [tilespmem:s4+$0xFFFFFF80]  }
0x21a: {  	v14 =	vld.idx.msk [tilespmem:v13+s20+$0x0], $0xffff  }
0x21b: {  	v13 =	vld.idx.msk [tilespmem:v13+s21+$0x0], $0xffff  }
0x21c: {  	v12 =	vld.idx.msk [tilespmem:v11+s20+$0x0], $0xffff  }
0x21d: {  	v11 =	vld.idx.msk [tilespmem:v11+s21+$0x0], $0xffff  }
0x21e: {  	v15 =	vld.idx.msk [tilespmem:v9+s20+$0x0], $0xffff  }
0x21f: {  	v9 =	vld.idx.msk [tilespmem:v9+s21+$0x0], $0xffff;
	[tilespmem:s7+$0xFFFFFF60] =	vst v14  }
0x220: {  	[tilespmem:s7+$0xFFFFFFE0] =	vst v13  }
0x221: {  	[tilespmem:s12+$0x60] =	vst v12;
	v12 =	vld [tilespmem:s6+$0xFFFFFF80]  }
0x222: {  	v13 =	vld.idx.msk [tilespmem:v8+s21+$0x0], $0xffff;
	[tilespmem:s12+$0xE0] =	vst v11  }
0x223: {  	v11 =	vld [tilespmem:s3+$0x0];
	[tilespmem:s12+$0xFFFFFF60] =	vst v15  }
0x224: {  	v8 =	vld.idx.msk [tilespmem:v8+s20+$0x0], $0xffff;
	[tilespmem:s12+$0xFFFFFFE0] =	vst v9  }
0x225: {  	v9 =	vld [tilespmem:s3+$0xFFFFFF80];
	_ =	sdelay $0x1  }
0x226: {  	v14 =	vld.idx.msk [tilespmem:v10+s20+$0x0], $0xffff  }
0x227: {  	v10 =	vld.idx.msk [tilespmem:v10+s21+$0x0], $0xffff  }
0x228: {  	[tilespmem:s7+$0x70] =	vst v8;
	v8 =	vld.idx.msk [tilespmem:v12+s20+$0x0], $0xffff  }
0x229: {  	v12 =	vld.idx.msk [tilespmem:v12+s21+$0x0], $0xffff  }
0x22a: {  	[tilespmem:s7+$0xF0] =	vst v13;
	v15 =	vld.idx.msk [tilespmem:v11+s21+$0x0], $0xffff  }
0x22b: {  	[tilespmem:s1+$0xFFFFFF70] =	vst v14;
	v11 =	vld.idx.msk [tilespmem:v11+s20+$0x0], $0xffff  }
0x22c: {  	[tilespmem:s1+$0xFFFFFFF0] =	vst v10;
	v10 =	vld.idx.msk [tilespmem:v9+s20+$0x0], $0xffff  }
0x22d: {  	v9 =	vld.idx.msk [tilespmem:v9+s21+$0x0], $0xffff;
	[tilespmem:s7+$0xFFFFFF70] =	vst v8  }
0x22e: {  	[tilespmem:s7+$0xFFFFFFF0] =	vst v12  }
0x22f: {  	[tilespmem:s12+$0xF0] =	vst v15  }
0x230: {  	[tilespmem:s12+$0x70] =	vst v11  }
0x231: {  	[tilespmem:s12+$0xFFFFFF70] =	vst v10  }
0x232: {  	s0 =	sadd.s32 s0, s9;
	s2 =	simm.s32 @p0 $0x30;
	[tilespmem:s12+$0xFFFFFFF0] =	vst v9  }
0x233: {  	[hbm4b:s0+s22] =	stream.strided.scatter [tilespmem:s25], [sflag:$0x4], $0x6400, s23, s22, $0x38;
	[tilespmem:$0x19030] =	vst v63  }
0x234: {  	s1 =	simm.s32 @p0 $0x20000;
	s0 =	simm.s32 @p0 $0x400;
	s3 =	rddreg [dreg:$0x7]  }
0x235: {  	[tilespmem:s2], [sflag:$0x1] =	stream.strided.gather @p0 [hbm4b:s3+s0], $0x6400, s1, s0, $0x38;
	[tilespmem:$0x19030] =	vst v63  }
0x236: {  	_ =	swait.ge [sflag:s26], $0x6400  }
0x237: {  	[sflag:s26] =	ssyncset.done $0x0  }
0x238: {  	[sflag:s26] =	ssyncadd.s32 $0xFFFF9C00  }
0x239: {  	s16 =	simm.s32 $0x0;
	s17 =	simm.s32 $0x80;
	_ =	swait.ge [sflag:s28], $0x6400  }
0x23a: {  	s0 =	sand.u32 $0x3C00, s16;
	s1 =	sand.u32 $0x380, s17;
	[sflag:s28] =	ssyncset.done $0x0  }
0x23b: {  	s18 =	sor.u32 s1, s0;
	[sflag:s28] =	ssyncadd.s32 $0xFFFF9C00  }
0x23c: {  	v8 =	vld [tilespmem:s18+$0x6430]  }
0x23d: {  	s30 =	simm.s32 $0x6470  }
0x23e: {  	v9 =	vld [tilespmem:s30+$0xFFFFFFC0];
	_ =	sdelay $0x5  }
0x23f: {  	v10 =	vld.idx.msk [tilespmem:v8+s20+$0x0], $0xffff  }
0x240: {  	v8 =	vld.idx.msk [tilespmem:v8+s21+$0x0], $0xffff  }
0x241: {  	v11 =	vld.idx.msk [tilespmem:v9+s20+$0x0], $0xffff  }
0x242: {  	v9 =	vld.idx.msk [tilespmem:v9+s21+$0x0], $0xffff  }
0x243: {  	s0 =	simm.s32 $0xC930  }
0x244: {  	[tilespmem:s0+$0x0] =	vst v10  }
0x245: {  	[tilespmem:s0+$0x80] =	vst v8  }
0x246: {  	[tilespmem:s0+$0xFFFFFF00] =	vst v11;
	v8 =	vld [tilespmem:s18+$0x6440]  }
0x247: {  	[tilespmem:s0+$0xFFFFFF80] =	vst v9  }
0x248: {  	v9 =	vld [tilespmem:s30+$0xFFFFFFD0];
	_ =	sdelay $0x5  }
0x249: {  	v10 =	vld.idx.msk [tilespmem:v8+s20+$0x0], $0xffff  }
0x24a: {  	v8 =	vld.idx.msk [tilespmem:v8+s21+$0x0], $0xffff  }
0x24b: {  	v11 =	vld.idx.msk [tilespmem:v9+s20+$0x0], $0xffff  }
0x24c: {  	v9 =	vld.idx.msk [tilespmem:v9+s21+$0x0], $0xffff;
	_ =	sdelay $0x1  }
0x24d: {  	[tilespmem:s0+$0x10] =	vst v10  }
0x24e: {  	[tilespmem:s0+$0x90] =	vst v8  }
0x24f: {  	[tilespmem:s0+$0xFFFFFF10] =	vst v11  }
0x250: {  	[tilespmem:s0+$0xFFFFFF90] =	vst v9;
	v8 =	vld [tilespmem:s18+$0x6450]  }
0x251: {  	v9 =	vld [tilespmem:s30+$0xFFFFFFE0];
	_ =	sdelay $0x1  }
0x252: {  	s4 =	simm.s32 $0x100;
	s6 =	simm.s32 $0x180  }
0x253: {  	s2 =	sand.u32 $0x380, s6;
	s1 =	sand.u32 $0x3C00, s4  }
0x254: {  	s15 =	sor.u32 s2, s1  }
0x255: {  	v12 =	vld [tilespmem:s15+$0x6430];
	_ =	sdelay $0x1  }
0x256: {  	v10 =	vld.idx.msk [tilespmem:v8+s20+$0x0], $0xffff  }
0x257: {  	v11 =	vld.idx.msk [tilespmem:v9+s20+$0x0], $0xffff;
	_ =	sdelay $0x1  }
0x258: {  	v9 =	vld.idx.msk [tilespmem:v9+s21+$0x0], $0xffff  }
0x259: {  	s17 =	simm.s32 $0x6570;
	v8 =	vld.idx.msk [tilespmem:v8+s21+$0x0], $0xffff  }
0x25a: {  	[tilespmem:s0+$0x20] =	vst v10;
	v10 =	vld [tilespmem:s17+$0xFFFFFFC0]  }
0x25b: {  	[tilespmem:s0+$0xFFFFFF20] =	vst v11;
	v11 =	vld.idx.msk [tilespmem:v12+s20+$0x0], $0xffff  }
0x25c: {  	v12 =	vld.idx.msk [tilespmem:v12+s21+$0x0], $0xffff  }
0x25d: {  	[tilespmem:s0+$0xFFFFFFA0] =	vst v9  }
0x25e: {  	[tilespmem:s0+$0xA0] =	vst v8;
	v9 =	vld [tilespmem:s30+$0xFFFFFFF0]  }
0x25f: {  	s1 =	simm.s32 $0xCB30;
	v8 =	vld [tilespmem:s18+$0x6460]  }
0x260: {  	[tilespmem:s1+$0x0] =	vst v11  }
0x261: {  	[tilespmem:s1+$0x80] =	vst v12  }
0x262: {  	v12 =	vld [tilespmem:s15+$0x6440]  }
0x263: {  	v14 =	vld.idx.msk [tilespmem:v10+s20+$0x0], $0xffff  }
0x264: {  	v10 =	vld.idx.msk [tilespmem:v10+s21+$0x0], $0xffff;
	_ =	sdelay $0x1  }
0x265: {  	v11 =	vld.idx.msk [tilespmem:v9+s20+$0x0], $0xffff  }
0x266: {  	v13 =	vld.idx.msk [tilespmem:v8+s20+$0x0], $0xffff  }
0x267: {  	v8 =	vld.idx.msk [tilespmem:v8+s21+$0x0], $0xffff;
	[tilespmem:s1+$0xFFFFFF00] =	vst v14  }
0x268: {  	v9 =	vld.idx.msk [tilespmem:v9+s21+$0x0], $0xffff;
	[tilespmem:s1+$0xFFFFFF80] =	vst v10  }
0x269: {  	v10 =	vld [tilespmem:s17+$0xFFFFFFD0]  }
0x26a: {  	[tilespmem:s0+$0xFFFFFF30] =	vst v11;
	v11 =	vld.idx.msk [tilespmem:v12+s20+$0x0], $0xffff  }
0x26b: {  	v12 =	vld.idx.msk [tilespmem:v12+s21+$0x0], $0xffff  }
0x26c: {  	[tilespmem:s0+$0x30] =	vst v13  }
0x26d: {  	[tilespmem:s0+$0xB0] =	vst v8  }
0x26e: {  	v8 =	vld [tilespmem:s18+$0x6470]  }
0x26f: {  	[tilespmem:s1+$0x10] =	vst v11  }
0x270: {  	[tilespmem:s1+$0x90] =	vst v12  }
0x271: {  	v11 =	vld [tilespmem:s15+$0x6450]  }
0x272: {  	v14 =	vld.idx.msk [tilespmem:v10+s20+$0x0], $0xffff  }
0x273: {  	[tilespmem:s0+$0xFFFFFFB0] =	vst v9;
	v10 =	vld.idx.msk [tilespmem:v10+s21+$0x0], $0xffff  }
0x274: {  	v9 =	vld [tilespmem:s30+$0x0];
	_ =	sdelay $0x1  }
0x275: {  	v13 =	vld.idx.msk [tilespmem:v8+s20+$0x0], $0xffff  }
0x276: {  	v8 =	vld.idx.msk [tilespmem:v8+s21+$0x0], $0xffff;
	[tilespmem:s1+$0xFFFFFF10] =	vst v14  }
0x277: {  	[tilespmem:s1+$0xFFFFFF90] =	vst v10  }
0x278: {  	v10 =	vld [tilespmem:s17+$0xFFFFFFE0]  }
0x279: {  	v14 =	vld.idx.msk [tilespmem:v11+s20+$0x0], $0xffff  }
0x27a: {  	[tilespmem:s0+$0x40] =	vst v13;
	v11 =	vld.idx.msk [tilespmem:v11+s21+$0x0], $0xffff  }
0x27b: {  	[tilespmem:s0+$0xC0] =	vst v8;
	v13 =	vld.idx.msk [tilespmem:v9+s20+$0x0], $0xffff  }
0x27c: {  	v8 =	vld [tilespmem:s18+$0x6480]  }
0x27d: {  	v9 =	vld.idx.msk [tilespmem:v9+s21+$0x0], $0xffff  }
0x27e: {  	[tilespmem:s1+$0x20] =	vst v14  }
0x27f: {  	[tilespmem:s1+$0xA0] =	vst v11  }
0x280: {  	s7 =	simm.s32 $0x200;
	s12 =	simm.s32 $0x280;
	v11 =	vld [tilespmem:s15+$0x6460]  }
0x281: {  	s6 =	sand.u32 $0x380, s12;
	s2 =	sand.u32 $0x3C00, s7;
	[tilespmem:s0+$0xFFFFFF40] =	vst v13;
	v13 =	vld.idx.msk [tilespmem:v10+s20+$0x0], $0xffff  }
0x282: {  	s7 =	sor.u32 s6, s2;
	[tilespmem:s0+$0xFFFFFFC0] =	vst v9;
	v9 =	vld.idx.msk [tilespmem:v10+s21+$0x0], $0xffff  }
0x283: {  	v10 =	vld [tilespmem:s7+$0x6430]  }
0x284: {  	v15 =	vld.idx.msk [tilespmem:v8+s20+$0x0], $0xffff  }
0x285: {  	s4 =	simm.s32 $0x6670;
	v8 =	vld.idx.msk [tilespmem:v8+s21+$0x0], $0xffff  }
0x286: {  	v12 =	vld [tilespmem:s4+$0xFFFFFFC0];
	[tilespmem:s1+$0xFFFFFF20] =	vst v13  }
0x287: {  	[tilespmem:s1+$0xFFFFFFA0] =	vst v9  }
0x288: {  	v9 =	vld [tilespmem:s17+$0xFFFFFFF0]  }
0x289: {  	[tilespmem:s0+$0x50] =	vst v15;
	v16 =	vld.idx.msk [tilespmem:v11+s20+$0x0], $0xffff  }
0x28a: {  	[tilespmem:s0+$0xD0] =	vst v8;
	v11 =	vld.idx.msk [tilespmem:v11+s21+$0x0], $0xffff  }
0x28b: {  	v8 =	vld [tilespmem:s18+$0x6490];
	_ =	sdelay $0x1  }
0x28c: {  	v15 =	vld.idx.msk [tilespmem:v10+s20+$0x0], $0xffff  }
0x28d: {  	v14 =	vld.idx.msk [tilespmem:v12+s20+$0x0], $0xffff  }
0x28e: {  	v12 =	vld.idx.msk [tilespmem:v12+s21+$0x0], $0xffff;
	[tilespmem:s1+$0x30] =	vst v16  }
0x28f: {  	v10 =	vld.idx.msk [tilespmem:v10+s21+$0x0], $0xffff;
	[tilespmem:s1+$0xB0] =	vst v11  }
0x290: {  	s12 =	simm.s32 $0xCD30;
	v16 =	vld [tilespmem:s15+$0x6470]  }
0x291: {  	[tilespmem:s12+$0x0] =	vst v15;
	v15 =	vld.idx.msk [tilespmem:v9+s20+$0x0], $0xffff  }
0x292: {  	v17 =	vld.idx.msk [tilespmem:v8+s20+$0x0], $0xffff  }
0x293: {  	v8 =	vld.idx.msk [tilespmem:v8+s21+$0x0], $0xffff  }
0x294: {  	[tilespmem:s12+$0xFFFFFF00] =	vst v14;
	v13 =	vld [tilespmem:s30+$0x10]  }
0x295: {  	[tilespmem:s12+$0x80] =	vst v10;
	v9 =	vld.idx.msk [tilespmem:v9+s21+$0x0], $0xffff  }
0x296: {  	s6 =	simm.s32 $0x6770;
	[tilespmem:s12+$0xFFFFFF80] =	vst v12;
	v10 =	vld [tilespmem:s7+$0x6440]  }
0x297: {  	v14 =	vld [tilespmem:s6+$0xFFFFFFC0];
	[tilespmem:s1+$0xFFFFFF30] =	vst v15  }
0x298: {  	[tilespmem:s0+$0xE0] =	vst v8;
	v8 =	vld [tilespmem:s4+$0xFFFFFFD0]  }
0x299: {  	[tilespmem:s0+$0x60] =	vst v17;
	v17 =	vld.idx.msk [tilespmem:v16+s20+$0x0], $0xffff  }
0x29a: {  	[tilespmem:s1+$0xFFFFFFB0] =	vst v9;
	v16 =	vld.idx.msk [tilespmem:v16+s21+$0x0], $0xffff  }
0x29b: {  	v9 =	vld [tilespmem:s17+$0x0]  }
0x29c: {  	v11 =	vld.idx.msk [tilespmem:v13+s20+$0x0], $0xffff  }
0x29d: {  	v13 =	vld.idx.msk [tilespmem:v13+s21+$0x0], $0xffff  }
0x29e: {  	v15 =	vld.idx.msk [tilespmem:v10+s20+$0x0], $0xffff;
	[tilespmem:s1+$0x40] =	vst v17  }
0x29f: {  	v10 =	vld.idx.msk [tilespmem:v10+s21+$0x0], $0xffff;
	[tilespmem:s1+$0xC0] =	vst v16  }
0x2a0: {  	v16 =	vld [tilespmem:s15+$0x6480]  }
0x2a1: {  	v18 =	vld.idx.msk [tilespmem:v8+s20+$0x0], $0xffff  }
0x2a2: {  	v8 =	vld.idx.msk [tilespmem:v8+s21+$0x0], $0xffff  }
0x2a3: {  	[tilespmem:s0+$0xFFFFFF50] =	vst v11;
	v17 =	vld.idx.msk [tilespmem:v9+s20+$0x0], $0xffff  }
0x2a4: {  	[tilespmem:s12+$0x10] =	vst v15;
	v9 =	vld.idx.msk [tilespmem:v9+s21+$0x0], $0xffff  }
0x2a5: {  	v12 =	vld [tilespmem:s18+$0x64A0];
	[tilespmem:s12+$0x90] =	vst v10  }
0x2a6: {  	s14 =	simm.s32 $0x380;
	[tilespmem:s0+$0xFFFFFFD0] =	vst v13;
	s18 =	simm.s32 $0x300;
	v10 =	vld [tilespmem:s7+$0x6450]  }
0x2a7: {  	s2 =	sand.u32 $0x380, s14;
	v62 =	vld.idx.msk [tilespmem:v14+s20+$0x0], $0xffff;
	s16 =	sand.u32 $0x3C00, s18;
	[tilespmem:s12+$0xFFFFFF10] =	vst v18  }
0x2a8: {  	v11 =	vld [tilespmem:s30+$0x20];
	s3 =	sor.u32 s2, s16;
	[tilespmem:s12+$0xFFFFFF90] =	vst v8  }
0x2a9: {  	[tilespmem:s1+$0xFFFFFFC0] =	vst v9;
	v9 =	vld [tilespmem:s3+$0x6430]  }
0x2aa: {  	v8 =	vld [tilespmem:s4+$0xFFFFFFE0]  }
0x2ab: {  	v19 =	vld.idx.msk [tilespmem:v16+s20+$0x0], $0xffff  }
0x2ac: {  	v16 =	vld.idx.msk [tilespmem:v16+s21+$0x0], $0xffff  }
0x2ad: {  	v63 =	vld.idx.msk [tilespmem:v14+s21+$0x0], $0xffff  }
0x2ae: {  	v13 =	vld.idx.msk [tilespmem:v10+s20+$0x0], $0xffff  }
0x2af: {  	v10 =	vld.idx.msk [tilespmem:v10+s21+$0x0], $0xffff  }
0x2b0: {  	v15 =	vld.idx.msk [tilespmem:v12+s21+$0x0], $0xffff  }
0x2b1: {  	[tilespmem:s1+$0xD0] =	vst v16;
	v16 =	vld.idx.msk [tilespmem:v11+s20+$0x0], $0xffff  }
0x2b2: {  	[tilespmem:s1+$0xFFFFFF40] =	vst v17;
	v17 =	vld.idx.msk [tilespmem:v8+s20+$0x0], $0xffff  }
0x2b3: {  	[tilespmem:s12+$0x20] =	vst v13;
	v14 =	vld.idx.msk [tilespmem:v9+s20+$0x0], $0xffff  }
0x2b4: {  	[tilespmem:s12+$0xA0] =	vst v10;
	v8 =	vld.idx.msk [tilespmem:v8+s21+$0x0], $0xffff  }
0x2b5: {  	v10 =	vld [tilespmem:s7+$0x6460]  }
0x2b6: {  	[tilespmem:s1+$0x50] =	vst v19;
	v9 =	vld.idx.msk [tilespmem:v9+s21+$0x0], $0xffff  }
0x2b7: {  	[tilespmem:s12+$0xFFFFFF20] =	vst v17;
	v17 =	vld [tilespmem:s15+$0x6490]  }
0x2b8: {  	v13 =	vld [tilespmem:s17+$0x10]  }
0x2b9: {  	s14 =	simm.s32 $0xCF30;
	[tilespmem:s12+$0xFFFFFFA0] =	vst v8;
	v8 =	vld.idx.msk [tilespmem:v11+s21+$0x0], $0xffff  }
0x2ba: {  	[tilespmem:s14+$0x0] =	vst v14;
	v11 =	vld [tilespmem:s4+$0xFFFFFFF0]  }
0x2bb: {  	v12 =	vld.idx.msk [tilespmem:v12+s20+$0x0], $0xffff;
	[tilespmem:s14+$0x80] =	vst v9  }
0x2bc: {  	v14 =	vld [tilespmem:s3+$0x6440]  }
0x2bd: {  	[tilespmem:s0+$0xF0] =	vst v15;
	v15 =	vld.idx.msk [tilespmem:v10+s20+$0x0], $0xffff  }
0x2be: {  	[tilespmem:s14+$0xFFFFFF00] =	vst v62;
	v20 =	vld.idx.msk [tilespmem:v10+s21+$0x0], $0xffff  }
0x2bf: {  	[tilespmem:s0+$0xFFFFFF60] =	vst v16;
	v16 =	vld.idx.msk [tilespmem:v17+s20+$0x0], $0xffff  }
0x2c0: {  	[tilespmem:s0+$0xFFFFFFE0] =	vst v8;
	v8 =	vld.idx.msk [tilespmem:v17+s21+$0x0], $0xffff  }
0x2c1: {  	[tilespmem:s0+$0x70] =	vst v12;
	v10 =	vld.idx.msk [tilespmem:v13+s20+$0x0], $0xffff  }
0x2c2: {  	[tilespmem:s12+$0x30] =	vst v15;
	v17 =	vld.idx.msk [tilespmem:v11+s20+$0x0], $0xffff  }
0x2c3: {  	[tilespmem:s12+$0xB0] =	vst v20;
	v12 =	vld.idx.msk [tilespmem:v11+s21+$0x0], $0xffff  }
0x2c4: {  	v11 =	vld.idx.msk [tilespmem:v13+s21+$0x0], $0xffff;
	[tilespmem:s1+$0x60] =	vst v16  }
0x2c5: {  	v13 =	vld [tilespmem:s7+$0x6470];
	[tilespmem:s1+$0xE0] =	vst v8  }
0x2c6: {  	[tilespmem:s14+$0xFFFFFF80] =	vst v63;
	v9 =	vld [tilespmem:s15+$0x64A0]  }
0x2c7: {  	v15 =	vld [tilespmem:s6+$0xFFFFFFD0]  }
0x2c8: {  	v8 =	vld [tilespmem:s30+$0x30];
	s30 =	simm.s32 $0x6870;
	s15 =	simm.s32 $0x6;
	[tilespmem:s12+$0xFFFFFF30] =	vst v17  }
.LBB2_7:
0x2c9: {  	v16 =	vld [tilespmem:s30+$0xFFFFFFC0];
	[tilespmem:s12+$0xFFFFFFB0] =	vst v12  }
0x2ca: {  	v12 =	vld [tilespmem:s4+$0x0];
	[tilespmem:s1+$0xFFFFFF50] =	vst v10  }
0x2cb: {  	v10 =	vld.idx.msk [tilespmem:v14+s20+$0x0], $0xffff;
	[tilespmem:s1+$0xFFFFFFD0] =	vst v11  }
0x2cc: {  	v11 =	vld.idx.msk [tilespmem:v14+s21+$0x0], $0xffff  }
0x2cd: {  	v14 =	vld.idx.msk [tilespmem:v13+s20+$0x0], $0xffff  }
0x2ce: {  	v17 =	vld.idx.msk [tilespmem:v9+s21+$0x0], $0xffff  }
0x2cf: {  	v13 =	vld.idx.msk [tilespmem:v13+s21+$0x0], $0xffff  }
0x2d0: {  	v18 =	vld.idx.msk [tilespmem:v15+s20+$0x0], $0xffff  }
0x2d1: {  	v15 =	vld.idx.msk [tilespmem:v15+s21+$0x0], $0xffff;
	[tilespmem:s14+$0x10] =	vst v10  }
0x2d2: {  	[tilespmem:s14+$0x90] =	vst v11;
	v10 =	vld.idx.msk [tilespmem:v12+s20+$0x0], $0xffff  }
0x2d3: {  	v11 =	vld [tilespmem:s3+$0x6450];
	[tilespmem:s12+$0x40] =	vst v14  }
0x2d4: {  	v9 =	vld.idx.msk [tilespmem:v9+s20+$0x0], $0xffff;
	[tilespmem:s1+$0xF0] =	vst v17  }
0x2d5: {  	v12 =	vld.idx.msk [tilespmem:v12+s21+$0x0], $0xffff;
	[tilespmem:s12+$0xC0] =	vst v13  }
0x2d6: {  	[tilespmem:s14+$0xFFFFFF10] =	vst v18;
	v13 =	vld [tilespmem:s7+$0x6480]  }
0x2d7: {  	[tilespmem:s14+$0xFFFFFF90] =	vst v15;
	v14 =	vld [tilespmem:s17+$0x20]  }
0x2d8: {  	v15 =	vld [tilespmem:s6+$0xFFFFFFE0];
	[tilespmem:s12+$0xFFFFFF40] =	vst v10  }
0x2d9: {  	v10 =	vld.idx.msk [tilespmem:v8+s20+$0x0], $0xffff  }
0x2da: {  	[tilespmem:s1+$0x70] =	vst v9;
	v8 =	vld.idx.msk [tilespmem:v8+s21+$0x0], $0xffff  }
0x2db: {  	v9 =	vld.idx.msk [tilespmem:v16+s20+$0x0], $0xffff;
	[tilespmem:s12+$0xFFFFFFC0] =	vst v12  }
0x2dc: {  	v12 =	vld.idx.msk [tilespmem:v11+s20+$0x0], $0xffff  }
0x2dd: {  	v11 =	vld.idx.msk [tilespmem:v11+s21+$0x0], $0xffff  }
0x2de: {  	s18 =	sadd.s32 $0x100, s18;
	v17 =	vld.idx.msk [tilespmem:v13+s20+$0x0], $0xffff  }
0x2df: {  	s2 =	sadd.s32 $0x80, s18;
	v13 =	vld.idx.msk [tilespmem:v13+s21+$0x0], $0xffff;
	[tilespmem:s0+$0xFFFFFF70] =	vst v10  }
0x2e0: {  	s16 =	sand.u32 $0x3C00, s18;
	s2 =	sand.u32 $0x380, s2;
	v10 =	vld.idx.msk [tilespmem:v15+s20+$0x0], $0xffff;
	[tilespmem:s0+$0xFFFFFFF0] =	vst v8;
	s0 =	smov.u32 s1  }
0x2e1: {  	s16 =	sor.u32 s2, s16;
	s1 =	smov.u32 s12;
	s12 =	smov.u32 s14;
	v8 =	vld.idx.msk [tilespmem:v15+s21+$0x0], $0xffff  }
0x2e2: {  	v15 =	vld [tilespmem:s16+$0x6430];
	[tilespmem:s14+$0x20] =	vst v12  }
0x2e3: {  	[tilespmem:s14+$0xA0] =	vst v11;
	v11 =	vld [tilespmem:s4+$0x10]  }
0x2e4: {  	v12 =	vld [tilespmem:s3+$0x6460];
	[tilespmem:s1+$0x50] =	vst v17  }
0x2e5: {  	[tilespmem:s1+$0xD0] =	vst v13;
	v13 =	vld.idx.msk [tilespmem:v14+s20+$0x0], $0xffff  }
0x2e6: {  	[tilespmem:s14+$0xFFFFFF20] =	vst v10;
	v10 =	vld [tilespmem:s7+$0x6490]  }
0x2e7: {  	[tilespmem:s14+$0xFFFFFFA0] =	vst v8;
	v8 =	vld.idx.msk [tilespmem:v14+s21+$0x0], $0xffff  }
0x2e8: {  	v14 =	vld [tilespmem:s6+$0xFFFFFFF0]  }
0x2e9: {  	v16 =	vld.idx.msk [tilespmem:v16+s21+$0x0], $0xffff  }
0x2ea: {  	s15 =	sadd.s32 $0x2, s15;
	v17 =	vld.idx.msk [tilespmem:v15+s20+$0x0], $0xffff  }
0x2eb: {  	p1 =	slt.u32 s15, $0x62;
	v15 =	vld.idx.msk [tilespmem:v15+s21+$0x0], $0xffff;
	[tilespmem:s0+$0xFFFFFF60] =	vst v13  }
0x2ec: {  	v13 =	vld.idx.msk [tilespmem:v12+s20+$0x0], $0xffff  }
0x2ed: {  	v18 =	vld.idx.msk [tilespmem:v12+s21+$0x0], $0xffff;
	[tilespmem:s0+$0xFFFFFFE0] =	vst v8  }
0x2ee: {  	v8 =	vld.idx.msk [tilespmem:v10+s20+$0x0], $0xffff  }
0x2ef: {  	s14 =	sadd.s32 $0x200, s14;
	v19 =	vld.idx.msk [tilespmem:v10+s21+$0x0], $0xffff  }
0x2f0: {  	[tilespmem:s14+$0x0] =	vst v17;
	v17 =	vld.idx.msk [tilespmem:v14+s20+$0x0], $0xffff  }
0x2f1: {  	[tilespmem:s14+$0x80] =	vst v15;
	v12 =	vld.idx.msk [tilespmem:v14+s21+$0x0], $0xffff  }
0x2f2: {  	[tilespmem:s12+$0x30] =	vst v13;
	v10 =	vld.idx.msk [tilespmem:v11+s20+$0x0], $0xffff  }
0x2f3: {  	v14 =	vld [tilespmem:s16+$0x6440];
	[tilespmem:s12+$0xB0] =	vst v18  }
.Ltmp2:
0x2f4: {  	v11 =	vld.idx.msk [tilespmem:v11+s21+$0x0], $0xffff;
	[tilespmem:s1+$0x60] =	vst v8;
	(pc) =	sbr.rel @p1 .LBB2_7-.Ltmp2, $4  }
0x2f5: {  	v13 =	vld [tilespmem:s3+$0x6470];
	[tilespmem:s1+$0xE0] =	vst v19  }
0x2f6: {  	[tilespmem:s14+$0xFFFFFF00] =	vst v9;
	v9 =	vld [tilespmem:s7+$0x64A0];
	s7 =	smov.u32 s3;
	s3 =	smov.u32 s16  }
0x2f7: {  	[tilespmem:s14+$0xFFFFFF80] =	vst v16;
	v8 =	vld [tilespmem:s17+$0x30];
	s17 =	smov.u32 s4;
	s4 =	smov.u32 s6;
	s6 =	smov.u32 s30  }
0x2f8: {  	s30 =	sadd.s32 $0x100, s30;
	v15 =	vld [tilespmem:s6+$0xFFFFFFD0];
	[tilespmem:s12+$0xFFFFFF30] =	vst v17  }
0x2f9: {  	_ =	sdelay $0x3  }
0x2fa: {  	v16 =	vld.idx.msk [tilespmem:v14+s20+$0x0], $0xffff  }
0x2fb: {  	v14 =	vld.idx.msk [tilespmem:v14+s21+$0x0], $0xffff;
	_ =	sdelay $0x2  }
0x2fc: {  	v17 =	vld.idx.msk [tilespmem:v15+s20+$0x0], $0xffff  }
0x2fd: {  	v15 =	vld.idx.msk [tilespmem:v15+s21+$0x0], $0xffff;
	[tilespmem:s14+$0x10] =	vst v16  }
0x2fe: {  	[tilespmem:s14+$0x90] =	vst v14  }
0x2ff: {  	v14 =	vld [tilespmem:s3+$0x6450];
	_ =	sdelay $0x1  }
0x300: {  	[tilespmem:s14+$0xFFFFFF10] =	vst v17  }
0x301: {  	[tilespmem:s14+$0xFFFFFF90] =	vst v15  }
0x302: {  	v15 =	vld [tilespmem:s6+$0xFFFFFFE0];
	_ =	sdelay $0x3  }
0x303: {  	v16 =	vld.idx.msk [tilespmem:v14+s20+$0x0], $0xffff  }
0x304: {  	v14 =	vld.idx.msk [tilespmem:v14+s21+$0x0], $0xffff;
	_ =	sdelay $0x1  }
0x305: {  	v48 =	vld.idx.msk [tilespmem:v13+s20+$0x0], $0xffff  }
0x306: {  	v17 =	vld.idx.msk [tilespmem:v15+s20+$0x0], $0xffff  }
0x307: {  	v15 =	vld.idx.msk [tilespmem:v15+s21+$0x0], $0xffff;
	[tilespmem:s14+$0x20] =	vst v16  }
0x308: {  	v13 =	vld.idx.msk [tilespmem:v13+s21+$0x0], $0xffff;
	[tilespmem:s14+$0xA0] =	vst v14  }
0x309: {  	v14 =	vld [tilespmem:s3+$0x6460];
	_ =	sdelay $0x1  }
0x30a: {  	[tilespmem:s14+$0xFFFFFF20] =	vst v17  }
0x30b: {  	[tilespmem:s14+$0xFFFFFFA0] =	vst v15  }
0x30c: {  	[tilespmem:s12+$0x40] =	vst v48;
	v15 =	vld [tilespmem:s6+$0xFFFFFFF0]  }
0x30d: {  	[tilespmem:s12+$0xC0] =	vst v13  }
0x30e: {  	v13 =	vld [tilespmem:s7+$0x6480];
	_ =	sdelay $0x1  }
0x30f: {  	[tilespmem:s12+$0xFFFFFFB0] =	vst v12;
	v12 =	vld.idx.msk [tilespmem:v14+s20+$0x0], $0xffff  }
0x310: {  	v14 =	vld.idx.msk [tilespmem:v14+s21+$0x0], $0xffff  }
0x311: {  	v49 =	vld [tilespmem:s4+$0x0];
	_ =	sdelay $0x1  }
0x312: {  	v17 =	vld.idx.msk [tilespmem:v15+s20+$0x0], $0xffff  }
0x313: {  	v15 =	vld.idx.msk [tilespmem:v15+s21+$0x0], $0xffff;
	[tilespmem:s14+$0x30] =	vst v12  }
0x314: {  	v50 =	vld.idx.msk [tilespmem:v13+s20+$0x0], $0xffff;
	[tilespmem:s14+$0xB0] =	vst v14  }
0x315: {  	v12 =	vld [tilespmem:s3+$0x6470]  }
0x316: {  	[tilespmem:s1+$0xFFFFFFD0] =	vst v11;
	v13 =	vld.idx.msk [tilespmem:v13+s21+$0x0], $0xffff  }
0x317: {  	[tilespmem:s14+$0xFFFFFF30] =	vst v17  }
0x318: {  	v11 =	vld.idx.msk [tilespmem:v49+s21+$0x0], $0xffff;
	[tilespmem:s14+$0xFFFFFFB0] =	vst v15  }
0x319: {  	v14 =	vld [tilespmem:s6+$0x0]  }
0x31a: {  	[tilespmem:s12+$0x50] =	vst v50;
	v15 =	vld.idx.msk [tilespmem:v49+s20+$0x0], $0xffff  }
0x31b: {  	[tilespmem:s12+$0xD0] =	vst v13  }
0x31c: {  	v51 =	vld [tilespmem:s7+$0x6490]  }
0x31d: {  	[tilespmem:s1+$0xFFFFFF50] =	vst v10;
	v18 =	vld.idx.msk [tilespmem:v12+s20+$0x0], $0xffff  }
0x31e: {  	[tilespmem:s12+$0xFFFFFFC0] =	vst v11;
	v10 =	vld.idx.msk [tilespmem:v12+s21+$0x0], $0xffff  }
0x31f: {  	v12 =	vld [tilespmem:s17+$0x20];
	[tilespmem:s12+$0xFFFFFF40] =	vst v15  }
0x320: {  	v11 =	vld [tilespmem:s4+$0x10]  }
0x321: {  	v13 =	vld.idx.msk [tilespmem:v14+s20+$0x0], $0xffff  }
0x322: {  	v14 =	vld.idx.msk [tilespmem:v14+s21+$0x0], $0xffff;
	[tilespmem:s14+$0x40] =	vst v18  }
0x323: {  	[tilespmem:s14+$0xC0] =	vst v10  }
0x324: {  	v10 =	vld [tilespmem:s3+$0x6480]  }
0x325: {  	v16 =	vld.idx.msk [tilespmem:v51+s21+$0x0], $0xffff  }
0x326: {  	v15 =	vld.idx.msk [tilespmem:v51+s20+$0x0], $0xffff;
	[tilespmem:s14+$0xFFFFFF40] =	vst v13  }
0x327: {  	[tilespmem:s14+$0xFFFFFFC0] =	vst v14;
	v14 =	vld.idx.msk [tilespmem:v12+s20+$0x0], $0xffff  }
0x328: {  	v13 =	vld [tilespmem:s6+$0x10]  }
0x329: {  	v53 =	vld.idx.msk [tilespmem:v11+s20+$0x0], $0xffff  }
0x32a: {  	v12 =	vld.idx.msk [tilespmem:v12+s21+$0x0], $0xffff  }
0x32b: {  	[tilespmem:s12+$0xE0] =	vst v16;
	v11 =	vld.idx.msk [tilespmem:v11+s21+$0x0], $0xffff  }
0x32c: {  	[tilespmem:s12+$0x60] =	vst v15;
	v52 =	vld.idx.msk [tilespmem:v10+s20+$0x0], $0xffff  }
0x32d: {  	v10 =	vld.idx.msk [tilespmem:v10+s21+$0x0], $0xffff;
	[tilespmem:s1+$0xFFFFFF60] =	vst v14  }
0x32e: {  	[tilespmem:s12+$0xFFFFFF50] =	vst v53  }
0x32f: {  	[tilespmem:s1+$0xFFFFFFE0] =	vst v12;
	v12 =	vld [tilespmem:s7+$0x64A0]  }
0x330: {  	[tilespmem:s12+$0xFFFFFFD0] =	vst v11;
	v14 =	vld.idx.msk [tilespmem:v13+s20+$0x0], $0xffff  }
0x331: {  	v13 =	vld.idx.msk [tilespmem:v13+s21+$0x0], $0xffff;
	[tilespmem:s14+$0x50] =	vst v52  }
0x332: {  	v11 =	vld [tilespmem:s4+$0x20];
	[tilespmem:s14+$0xD0] =	vst v10  }
0x333: {  	v10 =	vld [tilespmem:s3+$0x6490];
	_ =	sdelay $0x1  }
0x334: {  	[tilespmem:s14+$0xFFFFFF50] =	vst v14  }
0x335: {  	v15 =	vld [tilespmem:s17+$0x30];
	[tilespmem:s14+$0xFFFFFFD0] =	vst v13  }
0x336: {  	v13 =	vld [tilespmem:s6+$0x20]  }
0x337: {  	v57 =	vld.idx.msk [tilespmem:v12+s21+$0x0], $0xffff  }
0x338: {  	v12 =	vld.idx.msk [tilespmem:v12+s20+$0x0], $0xffff  }
0x339: {  	v55 =	vld.idx.msk [tilespmem:v11+s20+$0x0], $0xffff  }
0x33a: {  	v54 =	vld.idx.msk [tilespmem:v10+s20+$0x0], $0xffff  }
0x33b: {  	v10 =	vld.idx.msk [tilespmem:v10+s21+$0x0], $0xffff  }
0x33c: {  	v11 =	vld.idx.msk [tilespmem:v11+s21+$0x0], $0xffff  }
0x33d: {  	v14 =	vld.idx.msk [tilespmem:v9+s21+$0x0], $0xffff  }
0x33e: {  	[tilespmem:s12+$0xFFFFFF60] =	vst v55;
	v56 =	vld.idx.msk [tilespmem:v13+s20+$0x0], $0xffff  }
0x33f: {  	v13 =	vld.idx.msk [tilespmem:v13+s21+$0x0], $0xffff;
	[tilespmem:s14+$0x60] =	vst v54  }
0x340: {  	v9 =	vld.idx.msk [tilespmem:v9+s20+$0x0], $0xffff;
	[tilespmem:s14+$0xE0] =	vst v10  }
0x341: {  	[tilespmem:s12+$0xFFFFFFE0] =	vst v11;
	v16 =	vld [tilespmem:s3+$0x64A0]  }
0x342: {  	v11 =	vld [tilespmem:s4+$0x30]  }
0x343: {  	v10 =	vld.idx.msk [tilespmem:v8+s20+$0x0], $0xffff;
	[tilespmem:s14+$0xFFFFFF60] =	vst v56  }
0x344: {  	v8 =	vld.idx.msk [tilespmem:v8+s21+$0x0], $0xffff;
	[tilespmem:s14+$0xFFFFFFE0] =	vst v13  }
0x345: {  	v13 =	vld [tilespmem:s6+$0x30]  }
0x346: {  	[tilespmem:s1+$0x70] =	vst v9;
	v9 =	vld.idx.msk [tilespmem:v15+s20+$0x0], $0xffff  }
0x347: {  	[tilespmem:s12+$0xF0] =	vst v57  }
0x348: {  	[tilespmem:s0+$0xFFFFFF70] =	vst v10;
	v10 =	vld.idx.msk [tilespmem:v15+s21+$0x0], $0xffff  }
0x349: {  	[tilespmem:s0+$0xFFFFFFF0] =	vst v8;
	v8 =	vld.idx.msk [tilespmem:v16+s21+$0x0], $0xffff  }
0x34a: {  	[tilespmem:s12+$0x70] =	vst v12;
	v12 =	vld.idx.msk [tilespmem:v11+s20+$0x0], $0xffff  }
0x34b: {  	[tilespmem:s1+$0xFFFFFF70] =	vst v9;
	v9 =	vld.idx.msk [tilespmem:v11+s21+$0x0], $0xffff  }
0x34c: {  	[tilespmem:s1+$0xF0] =	vst v14;
	v14 =	vld.idx.msk [tilespmem:v16+s20+$0x0], $0xffff  }
0x34d: {  	[tilespmem:s1+$0xFFFFFFF0] =	vst v10;
	v10 =	vld.idx.msk [tilespmem:v13+s20+$0x0], $0xffff  }
0x34e: {  	[tilespmem:s14+$0xF0] =	vst v8;
	v8 =	vld.idx.msk [tilespmem:v13+s21+$0x0], $0xffff  }
0x34f: {  	[tilespmem:s12+$0xFFFFFF70] =	vst v12  }
0x350: {  	[tilespmem:s12+$0xFFFFFFF0] =	vst v9  }
0x351: {  	[tilespmem:s14+$0x70] =	vst v14  }
0x352: {  	s0 =	sor.u32 s13, s31;
	[tilespmem:s14+$0xFFFFFF70] =	vst v10  }
0x353: {  	s31 =	sadd.s32 s5, s0;
	[tilespmem:s14+$0xFFFFFFF0] =	vst v8  }
0x354: {  	[hbm4b:s31+s22] =	stream.strided.scatter [tilespmem:s24], [sflag:$0x3], $0x6400, s23, s22, $0x38;
	[tilespmem:$0x19030] =	vst v63  }
0x355: {  	_ =	swait.ge [sflag:s29], $0x6400  }
0x356: {  	[sflag:s29] =	ssyncset.done $0x0  }
0x357: {  	s4 =	simm.s32 $0x9720;
	[sflag:s29] =	ssyncadd.s32 $0xFFFF9C00  }
0x358: {  	v8 =	vld [tilespmem:s4+$0xFFFFFF90];
	_ =	sdelay $0x1  }
0x359: {  	v9 =	vld [tilespmem:s4+$0xFFFFFF10];
	_ =	sdelay $0x5  }
0x35a: {  	v10 =	vld.idx.msk [tilespmem:v8+s20+$0x0], $0xffff  }
0x35b: {  	v8 =	vld.idx.msk [tilespmem:v8+s21+$0x0], $0xffff  }
0x35c: {  	v11 =	vld.idx.msk [tilespmem:v9+s20+$0x0], $0xffff  }
0x35d: {  	v9 =	vld.idx.msk [tilespmem:v9+s21+$0x0], $0xffff  }
0x35e: {  	s1 =	simm.s32 $0x12D30  }
0x35f: {  	[tilespmem:s1+$0x0] =	vst v10  }
0x360: {  	[tilespmem:s1+$0x80] =	vst v8  }
0x361: {  	[tilespmem:s1+$0xFFFFFF00] =	vst v11;
	v8 =	vld [tilespmem:s4+$0xFFFFFFA0]  }
0x362: {  	[tilespmem:s1+$0xFFFFFF80] =	vst v9  }
0x363: {  	v9 =	vld [tilespmem:s4+$0xFFFFFF20];
	_ =	sdelay $0x5  }
0x364: {  	v10 =	vld.idx.msk [tilespmem:v8+s20+$0x0], $0xffff  }
0x365: {  	v8 =	vld.idx.msk [tilespmem:v8+s21+$0x0], $0xffff  }
0x366: {  	v11 =	vld.idx.msk [tilespmem:v9+s20+$0x0], $0xffff  }
0x367: {  	v9 =	vld.idx.msk [tilespmem:v9+s21+$0x0], $0xffff;
	_ =	sdelay $0x1  }
0x368: {  	[tilespmem:s1+$0x10] =	vst v10  }
0x369: {  	[tilespmem:s1+$0x90] =	vst v8  }
0x36a: {  	[tilespmem:s1+$0xFFFFFF10] =	vst v11  }
0x36b: {  	[tilespmem:s1+$0xFFFFFF90] =	vst v9;
	v8 =	vld [tilespmem:s4+$0xFFFFFFB0]  }
0x36c: {  	v9 =	vld [tilespmem:s4+$0xFFFFFF30];
	_ =	sdelay $0x3  }
0x36d: {  	s6 =	simm.s32 $0x9820  }
0x36e: {  	v12 =	vld [tilespmem:s6+$0xFFFFFF90];
	_ =	sdelay $0x1  }
0x36f: {  	v10 =	vld.idx.msk [tilespmem:v8+s20+$0x0], $0xffff  }
0x370: {  	v11 =	vld.idx.msk [tilespmem:v9+s20+$0x0], $0xffff;
	_ =	sdelay $0x1  }
0x371: {  	v8 =	vld.idx.msk [tilespmem:v8+s21+$0x0], $0xffff  }
0x372: {  	v9 =	vld.idx.msk [tilespmem:v9+s21+$0x0], $0xffff  }
0x373: {  	[tilespmem:s1+$0x20] =	vst v10;
	v10 =	vld [tilespmem:s6+$0xFFFFFF10]  }
0x374: {  	[tilespmem:s1+$0xFFFFFF20] =	vst v11;
	v11 =	vld.idx.msk [tilespmem:v12+s20+$0x0], $0xffff  }
0x375: {  	v12 =	vld.idx.msk [tilespmem:v12+s21+$0x0], $0xffff  }
0x376: {  	[tilespmem:s1+$0xA0] =	vst v8  }
0x377: {  	v8 =	vld [tilespmem:s4+$0xFFFFFFC0]  }
0x378: {  	s7 =	simm.s32 $0x12F30  }
0x379: {  	[tilespmem:s7+$0x0] =	vst v11  }
0x37a: {  	[tilespmem:s7+$0x80] =	vst v12  }
0x37b: {  	v11 =	vld [tilespmem:s6+$0xFFFFFFA0]  }
0x37c: {  	v14 =	vld.idx.msk [tilespmem:v10+s20+$0x0], $0xffff  }
0x37d: {  	[tilespmem:s1+$0xFFFFFFA0] =	vst v9;
	v10 =	vld.idx.msk [tilespmem:v10+s21+$0x0], $0xffff  }
0x37e: {  	v9 =	vld [tilespmem:s4+$0xFFFFFF40]  }
0x37f: {  	v13 =	vld.idx.msk [tilespmem:v8+s20+$0x0], $0xffff;
	_ =	sdelay $0x1  }
0x380: {  	v8 =	vld.idx.msk [tilespmem:v8+s21+$0x0], $0xffff;
	[tilespmem:s7+$0xFFFFFF00] =	vst v14  }
0x381: {  	[tilespmem:s7+$0xFFFFFF80] =	vst v10  }
0x382: {  	v10 =	vld [tilespmem:s6+$0xFFFFFF20]  }
0x383: {  	[tilespmem:s1+$0x30] =	vst v13;
	v13 =	vld.idx.msk [tilespmem:v11+s20+$0x0], $0xffff  }
0x384: {  	v11 =	vld.idx.msk [tilespmem:v11+s21+$0x0], $0xffff  }
0x385: {  	v12 =	vld.idx.msk [tilespmem:v9+s20+$0x0], $0xffff;
	[tilespmem:s1+$0xB0] =	vst v8  }
0x386: {  	v8 =	vld [tilespmem:s4+$0xFFFFFFD0]  }
0x387: {  	v9 =	vld.idx.msk [tilespmem:v9+s21+$0x0], $0xffff  }
0x388: {  	[tilespmem:s7+$0x10] =	vst v13  }
0x389: {  	[tilespmem:s7+$0x90] =	vst v11  }
0x38a: {  	v11 =	vld [tilespmem:s6+$0xFFFFFFB0]  }
0x38b: {  	[tilespmem:s1+$0xFFFFFF30] =	vst v12;
	v12 =	vld.idx.msk [tilespmem:v10+s20+$0x0], $0xffff  }
0x38c: {  	[tilespmem:s1+$0xFFFFFFB0] =	vst v9;
	v9 =	vld.idx.msk [tilespmem:v10+s21+$0x0], $0xffff  }
0x38d: {  	v10 =	vld [tilespmem:s4+$0xFFFFFF50]  }
0x38e: {  	v14 =	vld.idx.msk [tilespmem:v8+s20+$0x0], $0xffff  }
0x38f: {  	v8 =	vld.idx.msk [tilespmem:v8+s21+$0x0], $0xffff  }
0x390: {  	[tilespmem:s7+$0xFFFFFF10] =	vst v12  }
0x391: {  	[tilespmem:s7+$0xFFFFFF90] =	vst v9  }
0x392: {  	v9 =	vld [tilespmem:s6+$0xFFFFFF30]  }
0x393: {  	[tilespmem:s1+$0x40] =	vst v14;
	v13 =	vld.idx.msk [tilespmem:v11+s20+$0x0], $0xffff  }
0x394: {  	[tilespmem:s1+$0xC0] =	vst v8;
	v11 =	vld.idx.msk [tilespmem:v11+s21+$0x0], $0xffff  }
0x395: {  	v8 =	vld [tilespmem:s4+$0xFFFFFFE0]  }
0x396: {  	v12 =	vld.idx.msk [tilespmem:v10+s20+$0x0], $0xffff;
	_ =	sdelay $0x1  }
0x397: {  	[tilespmem:s7+$0x20] =	vst v13  }
0x398: {  	v10 =	vld.idx.msk [tilespmem:v10+s21+$0x0], $0xffff;
	[tilespmem:s7+$0xA0] =	vst v11  }
0x399: {  	s3 =	simm.s32 $0x9920;
	v11 =	vld [tilespmem:s6+$0xFFFFFFC0]  }
0x39a: {  	[tilespmem:s1+$0xFFFFFF40] =	vst v12;
	v12 =	vld [tilespmem:s3+$0xFFFFFF90]  }
0x39b: {  	v15 =	vld.idx.msk [tilespmem:v9+s20+$0x0], $0xffff  }
0x39c: {  	v14 =	vld.idx.msk [tilespmem:v8+s20+$0x0], $0xffff  }
0x39d: {  	v8 =	vld.idx.msk [tilespmem:v8+s21+$0x0], $0xffff;
	_ =	sdelay $0x1  }
0x39e: {  	[tilespmem:s1+$0xFFFFFFC0] =	vst v10;
	v10 =	vld [tilespmem:s3+$0xFFFFFF10]  }
0x39f: {  	v9 =	vld.idx.msk [tilespmem:v9+s21+$0x0], $0xffff;
	[tilespmem:s7+$0xFFFFFF20] =	vst v15  }
0x3a0: {  	v13 =	vld [tilespmem:s4+$0xFFFFFF60];
	[tilespmem:s1+$0x50] =	vst v14  }
0x3a1: {  	[tilespmem:s1+$0xD0] =	vst v8;
	v15 =	vld.idx.msk [tilespmem:v11+s20+$0x0], $0xffff  }
0x3a2: {  	v8 =	vld [tilespmem:s4+$0xFFFFFFF0]  }
0x3a3: {  	v11 =	vld.idx.msk [tilespmem:v11+s21+$0x0], $0xffff  }
0x3a4: {  	[tilespmem:s7+$0xFFFFFFA0] =	vst v9;
	v14 =	vld.idx.msk [tilespmem:v12+s20+$0x0], $0xffff  }
0x3a5: {  	v9 =	vld [tilespmem:s6+$0xFFFFFF40]  }
0x3a6: {  	v12 =	vld.idx.msk [tilespmem:v12+s21+$0x0], $0xffff  }
0x3a7: {  	v59 =	vld.idx.msk [tilespmem:v10+s20+$0x0], $0xffff;
	[tilespmem:s7+$0x30] =	vst v15  }
0x3a8: {  	s14 =	simm.s32 $0x13130;
	v10 =	vld.idx.msk [tilespmem:v10+s21+$0x0], $0xffff;
	[tilespmem:s7+$0xB0] =	vst v11  }
0x3a9: {  	[tilespmem:s14+$0x0] =	vst v14;
	v14 =	vld [tilespmem:s6+$0xFFFFFFD0]  }
0x3aa: {  	v58 =	vld.idx.msk [tilespmem:v8+s20+$0x0], $0xffff  }
0x3ab: {  	[tilespmem:s14+$0x80] =	vst v12;
	v8 =	vld.idx.msk [tilespmem:v8+s21+$0x0], $0xffff  }
0x3ac: {  	v12 =	vld [tilespmem:s3+$0xFFFFFFA0]  }
0x3ad: {  	v11 =	vld.idx.msk [tilespmem:v9+s20+$0x0], $0xffff  }
0x3ae: {  	[tilespmem:s14+$0xFFFFFF00] =	vst v59;
	v9 =	vld.idx.msk [tilespmem:v9+s21+$0x0], $0xffff  }
0x3af: {  	[tilespmem:s14+$0xFFFFFF80] =	vst v10  }
0x3b0: {  	[tilespmem:s1+$0xE0] =	vst v8;
	v8 =	vld [tilespmem:s3+$0xFFFFFF20]  }
0x3b1: {  	v15 =	vld.idx.msk [tilespmem:v13+s20+$0x0], $0xffff  }
0x3b2: {  	[tilespmem:s7+$0xFFFFFF30] =	vst v11;
	v61 =	vld.idx.msk [tilespmem:v14+s20+$0x0], $0xffff  }
0x3b3: {  	[tilespmem:s7+$0xFFFFFFB0] =	vst v9;
	v11 =	vld.idx.msk [tilespmem:v14+s21+$0x0], $0xffff  }
0x3b4: {  	v14 =	vld [tilespmem:s6+$0xFFFFFF50]  }
0x3b5: {  	v60 =	vld.idx.msk [tilespmem:v12+s20+$0x0], $0xffff  }
0x3b6: {  	[tilespmem:s1+$0x60] =	vst v58;
	v12 =	vld.idx.msk [tilespmem:v12+s21+$0x0], $0xffff  }
0x3b7: {  	v10 =	vld [tilespmem:s4+$0x0]  }
0x3b8: {  	[tilespmem:s7+$0x40] =	vst v61;
	v9 =	vld.idx.msk [tilespmem:v8+s20+$0x0], $0xffff  }
0x3b9: {  	[tilespmem:s7+$0xC0] =	vst v11;
	v8 =	vld.idx.msk [tilespmem:v8+s21+$0x0], $0xffff  }
0x3ba: {  	v13 =	vld.idx.msk [tilespmem:v13+s21+$0x0], $0xffff;
	[tilespmem:s14+$0x10] =	vst v60  }
0x3bb: {  	[tilespmem:s14+$0x90] =	vst v12;
	v17 =	vld [tilespmem:s6+$0xFFFFFFE0]  }
0x3bc: {  	[tilespmem:s1+$0xFFFFFF50] =	vst v15;
	v15 =	vld [tilespmem:s3+$0xFFFFFFB0]  }
0x3bd: {  	v19 =	vld.idx.msk [tilespmem:v14+s20+$0x0], $0xffff;
	[tilespmem:s14+$0xFFFFFF10] =	vst v9  }
0x3be: {  	v20 =	vld.idx.msk [tilespmem:v14+s21+$0x0], $0xffff;
	[tilespmem:s14+$0xFFFFFF90] =	vst v8  }
0x3bf: {  	v63 =	vld [tilespmem:s3+$0xFFFFFF30]  }
0x3c0: {  	v62 =	vld.idx.msk [tilespmem:v10+s21+$0x0], $0xffff  }
0x3c1: {  	[tilespmem:s1+$0xFFFFFFD0] =	vst v13;
	v10 =	vld.idx.msk [tilespmem:v10+s20+$0x0], $0xffff  }
0x3c2: {  	v8 =	vld [tilespmem:s4+$0xFFFFFF70]  }
0x3c3: {  	v9 =	vld.idx.msk [tilespmem:v17+s20+$0x0], $0xffff  }
0x3c4: {  	v12 =	vld.idx.msk [tilespmem:v15+s20+$0x0], $0xffff  }
0x3c5: {  	[tilespmem:s7+$0xFFFFFF40] =	vst v19;
	v11 =	vld.idx.msk [tilespmem:v15+s21+$0x0], $0xffff  }
0x3c6: {  	[tilespmem:s1+$0x70] =	vst v10;
	v10 =	vld.idx.msk [tilespmem:v17+s21+$0x0], $0xffff  }
0x3c7: {  	[tilespmem:s7+$0xFFFFFFC0] =	vst v20;
	v13 =	vld.idx.msk [tilespmem:v63+s20+$0x0], $0xffff  }
0x3c8: {  	s15 =	simm.s32 $0x4;
	s17 =	simm.s32 $0x9A20;
	s12 =	simm.s32 $0x13130;
	[tilespmem:s1+$0xF0] =	vst v62;
	v14 =	vld.idx.msk [tilespmem:v63+s21+$0x0], $0xffff  }
.LBB2_9:
0x3c9: {  	v15 =	vld [tilespmem:s17+$0xFFFFFF90];
	[tilespmem:s14+$0x20] =	vst v12  }
0x3ca: {  	v12 =	vld [tilespmem:s17+$0xFFFFFF10];
	[tilespmem:s14+$0xA0] =	vst v11  }
0x3cb: {  	v11 =	vld [tilespmem:s3+$0xFFFFFFC0];
	[tilespmem:s7+$0x50] =	vst v9  }
0x3cc: {  	v9 =	vld [tilespmem:s6+$0xFFFFFF60];
	[tilespmem:s7+$0xD0] =	vst v10  }
0x3cd: {  	[tilespmem:s14+$0xFFFFFF20] =	vst v13;
	v10 =	vld [tilespmem:s6+$0xFFFFFFF0]  }
0x3ce: {  	[tilespmem:s14+$0xFFFFFFA0] =	vst v14;
	v13 =	vld.idx.msk [tilespmem:v8+s20+$0x0], $0xffff  }
0x3cf: {  	v14 =	vld [tilespmem:s3+$0xFFFFFF40]  }
0x3d0: {  	v8 =	vld.idx.msk [tilespmem:v8+s21+$0x0], $0xffff  }
0x3d1: {  	v16 =	vld.idx.msk [tilespmem:v15+s20+$0x0], $0xffff  }
0x3d2: {  	v15 =	vld.idx.msk [tilespmem:v15+s21+$0x0], $0xffff  }
0x3d3: {  	v17 =	vld.idx.msk [tilespmem:v11+s20+$0x0], $0xffff  }
0x3d4: {  	s15 =	sadd.s32 $0x2, s15;
	v11 =	vld.idx.msk [tilespmem:v11+s21+$0x0], $0xffff;
	[tilespmem:s1+$0xFFFFFF60] =	vst v13  }
0x3d5: {  	p1 =	slt.u32 s15, $0x62;
	v13 =	vld.idx.msk [tilespmem:v10+s20+$0x0], $0xffff  }
0x3d6: {  	s14 =	sadd.s32 $0x200, s14;
	v10 =	vld.idx.msk [tilespmem:v10+s21+$0x0], $0xffff;
	[tilespmem:s1+$0xFFFFFFE0] =	vst v8  }
0x3d7: {  	v8 =	vld.idx.msk [tilespmem:v12+s20+$0x0], $0xffff;
	[tilespmem:s14+$0x0] =	vst v16  }
0x3d8: {  	v12 =	vld.idx.msk [tilespmem:v12+s21+$0x0], $0xffff;
	[tilespmem:s14+$0x80] =	vst v15  }
0x3d9: {  	v15 =	vld.idx.msk [tilespmem:v14+s20+$0x0], $0xffff;
	[tilespmem:s12+$0x30] =	vst v17  }
0x3da: {  	v16 =	vld [tilespmem:s17+$0xFFFFFFA0];
	[tilespmem:s12+$0xB0] =	vst v11  }
0x3db: {  	v11 =	vld.idx.msk [tilespmem:v14+s21+$0x0], $0xffff;
	[tilespmem:s7+$0x60] =	vst v13  }
0x3dc: {  	v13 =	vld [tilespmem:s3+$0xFFFFFFD0];
	[tilespmem:s7+$0xE0] =	vst v10  }
0x3dd: {  	[tilespmem:s14+$0xFFFFFF00] =	vst v8;
	v8 =	vld [tilespmem:s6+$0x0]  }
0x3de: {  	[tilespmem:s14+$0xFFFFFF80] =	vst v12;
	v10 =	vld.idx.msk [tilespmem:v9+s20+$0x0], $0xffff  }
0x3df: {  	v12 =	vld [tilespmem:s17+$0xFFFFFF20];
	[tilespmem:s12+$0xFFFFFF30] =	vst v15  }
0x3e0: {  	v9 =	vld.idx.msk [tilespmem:v9+s21+$0x0], $0xffff  }
0x3e1: {  	[tilespmem:s12+$0xFFFFFFB0] =	vst v11;
	v11 =	vld [tilespmem:s4+$0xFFFFFF80];
	s4 =	smov.u32 s6;
	s6 =	smov.u32 s3;
	s3 =	smov.u32 s17  }
0x3e2: {  	v14 =	vld.idx.msk [tilespmem:v16+s20+$0x0], $0xffff  }
0x3e3: {  	v15 =	vld.idx.msk [tilespmem:v16+s21+$0x0], $0xffff  }
0x3e4: {  	v16 =	vld.idx.msk [tilespmem:v13+s20+$0x0], $0xffff;
	[tilespmem:s7+$0xFFFFFF50] =	vst v10  }
0x3e5: {  	v10 =	vld.idx.msk [tilespmem:v8+s21+$0x0], $0xffff  }
0x3e6: {  	v13 =	vld.idx.msk [tilespmem:v13+s21+$0x0], $0xffff;
	[tilespmem:s7+$0xFFFFFFD0] =	vst v9  }
0x3e7: {  	v9 =	vld.idx.msk [tilespmem:v12+s20+$0x0], $0xffff  }
0x3e8: {  	v12 =	vld.idx.msk [tilespmem:v12+s21+$0x0], $0xffff;
	[tilespmem:s14+$0x10] =	vst v14  }
0x3e9: {  	[tilespmem:s14+$0x90] =	vst v15;
	v14 =	vld [tilespmem:s6+$0xFFFFFF50]  }
0x3ea: {  	v15 =	vld [tilespmem:s17+$0xFFFFFFB0];
	[tilespmem:s12+$0x40] =	vst v16  }
0x3eb: {  	v16 =	vld.idx.msk [tilespmem:v8+s20+$0x0], $0xffff;
	[tilespmem:s7+$0xF0] =	vst v10  }
0x3ec: {  	[tilespmem:s12+$0xC0] =	vst v13;
	v8 =	vld [tilespmem:s4+$0xFFFFFF70]  }
0x3ed: {  	[tilespmem:s14+$0xFFFFFF10] =	vst v9;
	v10 =	vld [tilespmem:s6+$0xFFFFFFE0]  }
0x3ee: {  	[tilespmem:s14+$0xFFFFFF90] =	vst v12;
	v9 =	vld.idx.msk [tilespmem:v11+s20+$0x0], $0xffff  }
0x3ef: {  	v17 =	vld [tilespmem:s17+$0xFFFFFF30]  }
0x3f0: {  	v13 =	vld.idx.msk [tilespmem:v11+s21+$0x0], $0xffff  }
0x3f1: {  	v18 =	vld.idx.msk [tilespmem:v14+s20+$0x0], $0xffff;
	[tilespmem:s7+$0x70] =	vst v16  }
0x3f2: {  	v16 =	vld.idx.msk [tilespmem:v14+s21+$0x0], $0xffff  }
0x3f3: {  	v12 =	vld.idx.msk [tilespmem:v15+s20+$0x0], $0xffff  }
.Ltmp3:
0x3f4: {  	v11 =	vld.idx.msk [tilespmem:v15+s21+$0x0], $0xffff;
	[tilespmem:s1+$0xFFFFFF70] =	vst v9;
	(pc) =	sbr.rel @p1 .LBB2_9-.Ltmp3, $4  }
0x3f5: {  	v9 =	vld.idx.msk [tilespmem:v10+s20+$0x0], $0xffff  }
0x3f6: {  	v10 =	vld.idx.msk [tilespmem:v10+s21+$0x0], $0xffff;
	[tilespmem:s1+$0xFFFFFFF0] =	vst v13;
	s1 =	smov.u32 s7;
	s7 =	smov.u32 s12;
	s12 =	smov.u32 s14  }
0x3f7: {  	v13 =	vld.idx.msk [tilespmem:v17+s20+$0x0], $0xffff;
	[tilespmem:s7+$0xFFFFFF40] =	vst v18  }
0x3f8: {  	s17 =	sadd.s32 $0x100, s17;
	v14 =	vld.idx.msk [tilespmem:v17+s21+$0x0], $0xffff;
	[tilespmem:s7+$0xFFFFFFC0] =	vst v16  }
0x3f9: {  	_ = 	snop  }
0x3fa: {  	[tilespmem:s14+$0x20] =	vst v12  }
0x3fb: {  	[tilespmem:s14+$0xA0] =	vst v11  }
0x3fc: {  	v11 =	vld [tilespmem:s3+$0xFFFFFFC0];
	[tilespmem:s14+$0xFFFFFF20] =	vst v13  }
0x3fd: {  	[tilespmem:s14+$0xFFFFFFA0] =	vst v14  }
0x3fe: {  	v46 =	vld [tilespmem:s3+$0xFFFFFF40];
	_ =	sdelay $0x5  }
0x3ff: {  	v47 =	vld.idx.msk [tilespmem:v11+s20+$0x0], $0xffff  }
0x400: {  	v11 =	vld.idx.msk [tilespmem:v11+s21+$0x0], $0xffff  }
0x401: {  	v14 =	vld.idx.msk [tilespmem:v46+s20+$0x0], $0xffff  }
0x402: {  	v12 =	vld.idx.msk [tilespmem:v46+s21+$0x0], $0xffff;
	_ =	sdelay $0x1  }
0x403: {  	[tilespmem:s12+$0x30] =	vst v47  }
0x404: {  	[tilespmem:s12+$0xB0] =	vst v11  }
0x405: {  	v11 =	vld [tilespmem:s3+$0xFFFFFFD0];
	[tilespmem:s12+$0xFFFFFF30] =	vst v14  }
0x406: {  	[tilespmem:s12+$0xFFFFFFB0] =	vst v12  }
0x407: {  	v12 =	vld [tilespmem:s3+$0xFFFFFF50];
	_ =	sdelay $0x5  }
0x408: {  	v13 =	vld.idx.msk [tilespmem:v11+s20+$0x0], $0xffff  }
0x409: {  	v11 =	vld.idx.msk [tilespmem:v11+s21+$0x0], $0xffff  }
0x40a: {  	v48 =	vld.idx.msk [tilespmem:v12+s20+$0x0], $0xffff  }
0x40b: {  	v49 =	vld.idx.msk [tilespmem:v12+s21+$0x0], $0xffff;
	_ =	sdelay $0x1  }
0x40c: {  	v51 =	vld [tilespmem:s6+$0xFFFFFF60];
	[tilespmem:s12+$0x40] =	vst v13  }
0x40d: {  	[tilespmem:s12+$0xC0] =	vst v11  }
0x40e: {  	v11 =	vld [tilespmem:s3+$0xFFFFFFE0];
	[tilespmem:s12+$0xFFFFFF40] =	vst v48  }
0x40f: {  	[tilespmem:s12+$0xFFFFFFC0] =	vst v49  }
0x410: {  	[tilespmem:s7+$0x50] =	vst v9;
	v9 =	vld [tilespmem:s3+$0xFFFFFF60]  }
0x411: {  	v52 =	vld.idx.msk [tilespmem:v8+s20+$0x0], $0xffff;
	[tilespmem:s7+$0xD0] =	vst v10  }
0x412: {  	v50 =	vld [tilespmem:s6+$0xFFFFFFF0]  }
0x413: {  	v8 =	vld.idx.msk [tilespmem:v8+s21+$0x0], $0xffff  }
0x414: {  	v16 =	vld.idx.msk [tilespmem:v51+s20+$0x0], $0xffff  }
0x415: {  	v13 =	vld.idx.msk [tilespmem:v51+s21+$0x0], $0xffff  }
0x416: {  	v15 =	vld.idx.msk [tilespmem:v11+s20+$0x0], $0xffff  }
0x417: {  	v11 =	vld.idx.msk [tilespmem:v11+s21+$0x0], $0xffff  }
0x418: {  	[tilespmem:s1+$0xFFFFFF60] =	vst v52;
	v54 =	vld.idx.msk [tilespmem:v9+s20+$0x0], $0xffff  }
0x419: {  	[tilespmem:s7+$0xFFFFFF50] =	vst v16;
	v9 =	vld.idx.msk [tilespmem:v9+s21+$0x0], $0xffff  }
0x41a: {  	v53 =	vld.idx.msk [tilespmem:v50+s20+$0x0], $0xffff;
	[tilespmem:s7+$0xFFFFFFD0] =	vst v13  }
0x41b: {  	v13 =	vld [tilespmem:s6+$0xFFFFFF70];
	[tilespmem:s12+$0x50] =	vst v15  }
0x41c: {  	v12 =	vld.idx.msk [tilespmem:v50+s21+$0x0], $0xffff;
	[tilespmem:s12+$0xD0] =	vst v11  }
0x41d: {  	v11 =	vld [tilespmem:s3+$0xFFFFFFF0];
	[tilespmem:s12+$0xFFFFFF50] =	vst v54  }
0x41e: {  	[tilespmem:s12+$0xFFFFFFD0] =	vst v9  }
0x41f: {  	[tilespmem:s1+$0xFFFFFFE0] =	vst v8;
	v9 =	vld [tilespmem:s3+$0xFFFFFF70]  }
0x420: {  	[tilespmem:s7+$0x60] =	vst v53  }
0x421: {  	v55 =	vld [tilespmem:s4+$0xFFFFFF80];
	[tilespmem:s7+$0xE0] =	vst v12  }
0x422: {  	v8 =	vld [tilespmem:s6+$0x0]  }
0x423: {  	v57 =	vld.idx.msk [tilespmem:v13+s20+$0x0], $0xffff  }
0x424: {  	v13 =	vld.idx.msk [tilespmem:v13+s21+$0x0], $0xffff  }
0x425: {  	v56 =	vld.idx.msk [tilespmem:v11+s20+$0x0], $0xffff  }
0x426: {  	v11 =	vld.idx.msk [tilespmem:v11+s21+$0x0], $0xffff  }
0x427: {  	v58 =	vld.idx.msk [tilespmem:v9+s20+$0x0], $0xffff  }
0x428: {  	[tilespmem:s7+$0xFFFFFF60] =	vst v57;
	v9 =	vld.idx.msk [tilespmem:v9+s21+$0x0], $0xffff  }
0x429: {  	[tilespmem:s7+$0xFFFFFFE0] =	vst v13  }
0x42a: {  	v59 =	vld [tilespmem:s6+$0xFFFFFF80];
	[tilespmem:s12+$0x60] =	vst v56  }
0x42b: {  	v60 =	vld.idx.msk [tilespmem:v8+s21+$0x0], $0xffff;
	[tilespmem:s12+$0xE0] =	vst v11  }
0x42c: {  	v11 =	vld [tilespmem:s3+$0x0];
	[tilespmem:s12+$0xFFFFFF60] =	vst v58  }
0x42d: {  	v8 =	vld.idx.msk [tilespmem:v8+s20+$0x0], $0xffff;
	[tilespmem:s12+$0xFFFFFFE0] =	vst v9  }
0x42e: {  	v9 =	vld [tilespmem:s3+$0xFFFFFF80]  }
0x42f: {  	v61 =	vld.idx.msk [tilespmem:v55+s20+$0x0], $0xffff  }
0x430: {  	v10 =	vld.idx.msk [tilespmem:v55+s21+$0x0], $0xffff;
	_ =	sdelay $0x1  }
0x431: {  	[tilespmem:s7+$0x70] =	vst v8;
	v8 =	vld.idx.msk [tilespmem:v59+s20+$0x0], $0xffff  }
0x432: {  	v12 =	vld.idx.msk [tilespmem:v59+s21+$0x0], $0xffff  }
0x433: {  	[tilespmem:s1+$0xFFFFFF70] =	vst v61;
	v62 =	vld.idx.msk [tilespmem:v11+s21+$0x0], $0xffff  }
0x434: {  	[tilespmem:s1+$0xFFFFFFF0] =	vst v10;
	v11 =	vld.idx.msk [tilespmem:v11+s20+$0x0], $0xffff  }
0x435: {  	[tilespmem:s7+$0xF0] =	vst v60;
	v63 =	vld.idx.msk [tilespmem:v9+s20+$0x0], $0xffff  }
0x436: {  	[tilespmem:s7+$0xFFFFFF70] =	vst v8;
	v9 =	vld.idx.msk [tilespmem:v9+s21+$0x0], $0xffff  }
0x437: {  	[tilespmem:s7+$0xFFFFFFF0] =	vst v12  }
0x438: {  	[tilespmem:s12+$0xF0] =	vst v62  }
.Ltmp4:
0x439: {  	[tilespmem:s12+$0x70] =	vst v11;
	(pc) =	sbr.rel @p0 .LBB2_2-.Ltmp4, $4  }
0x43a: {  	[tilespmem:s12+$0xFFFFFF70] =	vst v63  }
0x43b: {  	s0 =	sadd.s32 s0, s9;
	s31 =	simm.s32 $0x800;
	[tilespmem:s12+$0xFFFFFFF0] =	vst v9  }
0x43c: {  	[hbm4b:s0+s22] =	stream.strided.scatter [tilespmem:s25], [sflag:$0x4], $0x6400, s23, s22, $0x38;
	[tilespmem:$0x19030] =	vst v63  }
0x43d: {  	p2 =	por $0x0, $0x0;
	p1 =	por $0x1, $0x1;
	s0 =	smov.u32 s11  }
0x43e: {  	_ =	swait.ge [sflag:s28], $0x6400  }
0x43f: {  	[sflag:s28] =	ssyncset.done $0x0  }
0x440: {  	[sflag:s28] =	ssyncadd.s32 $0xFFFF9C00  }
0x441: {  	_ =	swait.ge [sflag:s29], $0x6400  }
0x442: {  	s1 =	rddreg [dreg:$0x9]  }
0x443: {  	s0 =	rddreg [dreg:$0x8];
	s1 =	sadd.s32 $0x1, s1  }
0x444: {  	p0 =	sne.s32 s1, s0  }
.Ltmp5:
0x445: {  	_ = 	snop;
	(pc) =	sbr.rel @p0 .LBB2_1-.Ltmp5, $3  }
0x446: {  	_ =	sdelay $0x1  }
0x447: {  	[sflag:s29] =	ssyncset.done $0x0  }
0x448: {  	[sflag:s29] =	ssyncadd.s32 $0xFFFF9C00  }
0x449: {  	_ =	sfence.sel $0x180000  }
0x44a: {  	[bflag:$0x0] =	sbarrier.arrive $0xFFFF  }
0x44b: {  	_ =	strace $0x90000047  }
0x44c: {  	s0 =	stileid.u32;
	[bflag:$0x2] =	sbarrier.arrive $0xFFFF  }
0x44d: {  	p0 =	sne.s32 s0, $0x0;
	s0 =	rddreg [dreg:$0x3]  }
0x44e: {  	s0 =	sadd.s32 @!p0 $0x100000, s0  }
0x44f: {  	[sflag:s0] =	ssyncadd.tile.s32 @!p0 $0x1;
	_ =	shalt  }
.Lfunc_end2:
_tile_overlayer_lowered:
.L_overlay_start_2:
0x450: {  	(tag) =	ssettag $0x2  }
0x451: {  	s0 =	rddreg [dreg:$0x0];
	s2 =	stileid.u32  }
0x452: {  	s1 =	rddreg [dreg:$0x1];
	p0 =	sne.s32 s2, $0x0  }
0x453: {  	s3 =	rddreg [dreg:$0x2];
	[bflag:$0x3] =	sbarrier.arrive $0xFFFF;
	s2 =	simm.s32 @!p0 $0x1C05  }
0x454: {  	[timem:s3], [sflag:s2] =	dma.local @!p0 [hbm:s0], s1  }
0x455: {  	s0 =	simm.s32 @!p0 $0x5  }
0x456: {  	_ =	swait.ge @!p0 [sflag:s0], s1  }
0x457: {  	s1 =	ssub.s32 @!p0 $0x0, s1;
	[sflag:s0] =	ssyncset.done @!p0 $0x0  }
0x458: {  	[sflag:s0] =	ssyncadd.s32 @!p0 s1  }
0x459: {  	[bflag:$0x3] =	sbarrier.arrive $0xFFFF  }
0x45a: {  	_ =	shalt  }

</sc_bundles>
